<compile_context>
chip_gen: v7x
topology: tpu7x:2x2x1
jax: 0.10.2.dev20260603
libtpu: 0.0.44.dev20260713+nightly
codegen_flags: <defaults>
</compile_context>

<pallas_src>
import jax
import jax.numpy as jnp
from jax import lax
from jax.experimental import pallas as pl
from jax.experimental.pallas import tpu as pltpu
from jax.experimental.pallas import tpu_sc as plsc

N = 10000
E = 320000
D = 128
H = 128
C = 64

NC = 2
NS = 16
NW = NC * NS
CH = 128
K1 = 8 * -(-E // (NW * CH * 8))
EPAD = NW * K1 * CH
RPT = 8 * -(-(N + 1) // (NS * 8))
NPAD = RPT * NS
DW = 16
SUP = 8
KA = 144
KB = 2 * K1 - KA
GA = KA // SUP
GB = KB // SUP
L = 16


def _sc_aggregate(feat, src_flat, dst_2d, with_deg):
    F = feat.shape[1]
    NBUF = 2 if F > 96 else 4
    mesh = plsc.VectorSubcoreMesh(
        core_axis_name="c", subcore_axis_name="s", num_cores=NC, num_subcores=NS
    )
    out_type = [jax.ShapeDtypeStruct((NC, NPAD, F), jnp.float32)]
    if with_deg:
        out_type.append(jax.ShapeDtypeStruct((NC, NPAD, DW), jnp.float32))
    scratch = (
        [pltpu.VMEM((SUP * CH,), jnp.int32),
         pltpu.VMEM((SUP, CH), jnp.int32)]
        + [pltpu.VMEM((CH, F), jnp.float32) for _ in range(NBUF)]
        + [pltpu.VMEM_SHARED((NPAD, F), jnp.float32)]
        + [pltpu.SemaphoreType.DMA for _ in range(2 * NBUF)]
    )
    if with_deg:
        scratch += [
            pltpu.VMEM((CH, DW), jnp.float32),
            pltpu.VMEM_SHARED((NPAD, DW), jnp.float32),
            pltpu.SemaphoreType.DMA,
        ]

    def body(feat_h, src_h, dst_h, *rest):
        outs = rest[:len(out_type)]
        rest = rest[len(out_type):]
        agg_out = outs[0]
        src_v, dst_v = rest[0], rest[1]
        bufs = rest[2:2 + NBUF]
        acc_sh = rest[2 + NBUF]
        gsems = rest[3 + NBUF:3 + 2 * NBUF]
        ssems = rest[3 + 2 * NBUF:3 + 3 * NBUF]
        if with_deg:
            deg_out = outs[1]
            ones_v, deg_sh, dsem = rest[3 + 3 * NBUF:]
        cid = lax.axis_index("c")
        sid = lax.axis_index("s")
        base_chunk = lax.select(cid == 0, sid * KA, NS * KA + sid * KB)
        trips = lax.select(cid == 0, GA, GB)
        r0 = sid * RPT

        zv = jnp.zeros((L,), jnp.float32)

        def initrow(i, carry):
            for q in range(F // L):
                bufs[0][i, pl.ds(q * L, L)] = zv
            if with_deg:
                ones_v[i, :] = zv + 1.0
            return carry

        lax.fori_loop(0, CH, initrow, 0)
        nfull = RPT // CH
        rem = RPT - nfull * CH
        for k in range(nfull):
            pltpu.sync_copy(bufs[0], acc_sh.at[pl.ds(r0 + k * CH, CH)])
        if rem:
            pltpu.sync_copy(bufs[0].at[pl.ds(0, rem)],
                            acc_sh.at[pl.ds(r0 + nfull * CH, rem)])
        if with_deg:
            for k in range(nfull):
                pltpu.sync_copy(bufs[0].at[pl.ds(0, CH), pl.ds(0, DW)],
                                deg_sh.at[pl.ds(r0 + k * CH, CH)])
            if rem:
                pltpu.sync_copy(bufs[0].at[pl.ds(0, rem), pl.ds(0, DW)],
                                deg_sh.at[pl.ds(r0 + nfull * CH, rem)])
        plsc.subcore_barrier()

        def gather(j):
            return pltpu.async_copy(
                feat_h.at[src_v.at[pl.ds(j * CH, CH)]],
                bufs[j % NBUF], gsems[j % NBUF])

        def step(g, carry):
            c0 = base_chunk + g * SUP
            pltpu.sync_copy(src_h.at[pl.ds(c0 * CH, SUP * CH)], src_v)
            pltpu.sync_copy(dst_h.at[pl.ds(c0, SUP)], dst_v)
            gd = {}
            sd = {}
            dd = {}
            for j in range(NBUF - 1):
                gd[j] = gather(j)
            for j in range(SUP):
                b = j % NBUF
                gd[j].wait()
                sd[j] = pltpu.async_copy(
                    bufs[b], acc_sh.at[dst_v.at[j]], ssems[b], add=True)
                if with_deg:
                    dd[j] = pltpu.async_copy(
                        ones_v, deg_sh.at[dst_v.at[j]], dsem, add=True)
                nxt = j + NBUF - 1
                if nxt < SUP:
                    if j > 0:
                        sd[j - 1].wait()
                    gd[nxt] = gather(nxt)
            for j in range(max(0, SUP - NBUF), SUP):
                sd[j].wait()
            if with_deg:
                for j in range(SUP):
                    dd[j].wait()
            return carry

        lax.fori_loop(0, trips, step, 0)
        plsc.subcore_barrier()
        pltpu.sync_copy(acc_sh.at[pl.ds(r0, RPT)],
                        agg_out.at[cid, pl.ds(r0, RPT)])
        if with_deg:
            pltpu.sync_copy(deg_sh.at[pl.ds(r0, RPT)],
                            deg_out.at[cid, pl.ds(r0, RPT)])

    fn = pl.kernel(
        body, out_type=out_type, mesh=mesh, scratch_types=scratch,
        compiler_params=pltpu.CompilerParams(use_tc_tiling_on_sc=False),
    )
    return fn(feat, src_flat, dst_2d)


BR = 1000


def _tc_layer1_body(x_ref, agg_ref, deg_ref, ws1_ref, wn1_ref, b1_ref,
                    wn2_ref, ws2_ref, y2_ref, hs2_ref, inv_ref):
    a = agg_ref[0] + agg_ref[1]
    deg = deg_ref[0][:, :1] + deg_ref[1][:, :1]
    inv = 1.0 / jnp.maximum(deg, 1.0)
    hn = a * inv
    h = (jnp.dot(x_ref[...], ws1_ref[...], preferred_element_type=jnp.float32)
         + jnp.dot(hn, wn1_ref[...], preferred_element_type=jnp.float32)
         + b1_ref[...])
    h = jnp.maximum(h, 0.0)
    y2_ref[...] = jnp.dot(h, wn2_ref[...], preferred_element_type=jnp.float32)
    hs2_ref[...] = jnp.dot(h, ws2_ref[...], preferred_element_type=jnp.float32)
    inv_ref[...] = jnp.broadcast_to(inv, (BR, 8))


def _tc_layer2_body(hs2_ref, agg_ref, inv_ref, b2_ref, out_ref):
    agg = agg_ref[0] + agg_ref[1]
    out_ref[...] = hs2_ref[...] + agg * inv_ref[:, :1] + b2_ref[...]


def kernel(x, edge_index, W_self1, W_neigh1, b1, W_self2, W_neigh2, b2):
    src = edge_index[0]
    dst = edge_index[1]
    pad = EPAD - E
    src_p = jnp.concatenate([src, jnp.zeros((pad,), jnp.int32)])
    dst_p = jnp.concatenate([dst, jnp.full((pad,), N, jnp.int32)])
    dst_2d = dst_p.reshape(NW * K1, CH)

    agg1, deg = _sc_aggregate(x, src_p, dst_2d, with_deg=True)

    grid = N // BR
    y2, hs2, inv = pl.pallas_call(
        _tc_layer1_body,
        grid=(grid,),
        in_specs=[
            pl.BlockSpec((BR, D), lambda i: (i, 0)),
            pl.BlockSpec((NC, BR, D), lambda i: (0, i, 0)),
            pl.BlockSpec((NC, BR, DW), lambda i: (0, i, 0)),
            pl.BlockSpec((D, H), lambda i: (0, 0)),
            pl.BlockSpec((D, H), lambda i: (0, 0)),
            pl.BlockSpec((1, H), lambda i: (0, 0)),
            pl.BlockSpec((H, C), lambda i: (0, 0)),
            pl.BlockSpec((H, C), lambda i: (0, 0)),
        ],
        out_specs=[
            pl.BlockSpec((BR, C), lambda i: (i, 0)),
            pl.BlockSpec((BR, C), lambda i: (i, 0)),
            pl.BlockSpec((BR, 8), lambda i: (i, 0)),
        ],
        out_shape=[
            jax.ShapeDtypeStruct((N, C), jnp.float32),
            jax.ShapeDtypeStruct((N, C), jnp.float32),
            jax.ShapeDtypeStruct((N, 8), jnp.float32),
        ],
    )(x, agg1, deg, W_self1, W_neigh1, b1.reshape(1, H), W_neigh2, W_self2)

    agg2 = _sc_aggregate(y2, src_p, dst_2d, with_deg=False)[0]

    out = pl.pallas_call(
        _tc_layer2_body,
        grid=(grid,),
        in_specs=[
            pl.BlockSpec((BR, C), lambda i: (i, 0)),
            pl.BlockSpec((NC, BR, C), lambda i: (0, i, 0)),
            pl.BlockSpec((BR, 8), lambda i: (i, 0)),
            pl.BlockSpec((1, C), lambda i: (0, 0)),
        ],
        out_specs=pl.BlockSpec((BR, C), lambda i: (i, 0)),
        out_shape=jax.ShapeDtypeStruct((N, C), jnp.float32),
    )(hs2, agg2, inv, b2.reshape(1, C))
    return out

# --- scband reference (transcript-rebuilt; emitter-appended) ---
"""Pipeline reference for scband-sage-31894427140507 (READ-ONLY COPY).

The authoritative reference and input builder live on the scoring server;
editing this copy changes nothing except your own understanding.
"""

import jax, jax.numpy as jnp
import numpy as np

N = 10000
E = 320000
D = 128
H = 128
C = 64


def setup_inputs(seed: int = 0) -> dict:
    key = jax.random.key(seed)
    ks = jax.random.split(key, 9)
    x = jax.random.normal(ks[0], (N, D), dtype=jnp.float32)
    edge_index = jax.random.randint(ks[1], (2, E), 0, N, dtype=jnp.int32)
    # SAGEConv layer 1: in_feats=128 -> n_hidden=128 (mean aggregator)
    W_self1 = jax.random.normal(ks[2], (D, H), dtype=jnp.float32) * (1.0 / np.sqrt(D))
    W_neigh1 = jax.random.normal(ks[3], (D, H), dtype=jnp.float32) * (1.0 / np.sqrt(D))
    b1 = jnp.zeros((H,), dtype=jnp.float32)
    # SAGEConv layer 2: n_hidden=128 -> n_classes=64 (mean aggregator)
    W_self2 = jax.random.normal(ks[4], (H, C), dtype=jnp.float32) * (1.0 / np.sqrt(H))
    W_neigh2 = jax.random.normal(ks[5], (H, C), dtype=jnp.float32) * (1.0 / np.sqrt(H))
    b2 = jnp.zeros((C,), dtype=jnp.float32)
    return {
        "x": x,
        "edge_index": edge_index,
        "W_self1": W_self1,
        "W_neigh1": W_neigh1,
        "b1": b1,
        "W_self2": W_self2,
        "W_neigh2": W_neigh2,
        "b2": b2,
    }


def _sage_conv_mean(h, src, dst, W_self, W_neigh, b):
    # DGL SAGEConv with aggregator_type='mean':
    #   h_neigh = mean_{u in N(v)} h_u ; out = fc_self(h_dst) + fc_neigh(h_neigh)
    msg = jnp.take(h, src, axis=0)                       # gather over edges
    agg = jax.ops.segment_sum(msg, dst, num_segments=N)  # scatter-add by dst
    deg = jax.ops.segment_sum(jnp.ones((src.shape[0], 1), dtype=h.dtype), dst, num_segments=N)
    h_neigh = agg / jnp.maximum(deg, 1.0)
    return h @ W_self + h_neigh @ W_neigh + b


def reference(x, edge_index, W_self1, W_neigh1, b1, W_self2, W_neigh2, b2):
    src = edge_index[0]
    dst = edge_index[1]
    # Layer 1 + activation (dropout is identity in eval/inference mode)
    h = _sage_conv_mean(x, src, dst, W_self1, W_neigh1, b1)
    h = jax.nn.relu(h)
    # Layer 2 (final layer: no activation/dropout)
    h = _sage_conv_mean(h, src, dst, W_self2, W_neigh2, b2)
    return h

if __name__ == "__main__":
    import jax
    _d = setup_inputs()
    print(jax.jit(kernel)(*tuple(_d.values())))

</pallas_src>

<mosaic_0001>
#map = affine_map<(d0, d1) -> (0, 0)>
#map1 = affine_map<(d0, d1) -> (0)>
#map2 = affine_map<(d0, d1) -> (0, 0, 0)>
module attributes {stable_mosaic.version = 14 : i64} {
  func.func @body(%arg0: i32, %arg1: i32, %arg2: memref<10000x64xf32, #tpu.memory_space<hbm>>, %arg3: memref<327680xi32, #tpu.memory_space<hbm>>, %arg4: memref<2560x128xi32, #tpu.memory_space<hbm>>, %arg5: memref<2x10112x64xf32, #tpu.memory_space<hbm>>, %arg6: memref<1024xi32, #tpu.memory_space<vmem>>, %arg7: memref<8x128xi32, #tpu.memory_space<vmem>>, %arg8: memref<128x64xf32, #tpu.memory_space<vmem>>, %arg9: memref<128x64xf32, #tpu.memory_space<vmem>>, %arg10: memref<128x64xf32, #tpu.memory_space<vmem>>, %arg11: memref<128x64xf32, #tpu.memory_space<vmem>>, %arg12: memref<10112x64xf32, #tpu.memory_space<vmem_shared>>, %arg13: memref<!tpu.dma_semaphore, #tpu.memory_space<semaphore_mem>>, %arg14: memref<!tpu.dma_semaphore, #tpu.memory_space<semaphore_mem>>, %arg15: memref<!tpu.dma_semaphore, #tpu.memory_space<semaphore_mem>>, %arg16: memref<!tpu.dma_semaphore, #tpu.memory_space<semaphore_mem>>, %arg17: memref<!tpu.dma_semaphore, #tpu.memory_space<semaphore_mem>>, %arg18: memref<!tpu.dma_semaphore, #tpu.memory_space<semaphore_mem>>, %arg19: memref<!tpu.dma_semaphore, #tpu.memory_space<semaphore_mem>>, %arg20: memref<!tpu.dma_semaphore, #tpu.memory_space<semaphore_mem>>) attributes {dimension_semantics = [#tpu.dimension_semantics<core_parallel>, #tpu.dimension_semantics<subcore_parallel>], iteration_bounds = array<i64: 2, 16>, scalar_prefetch = 0 : i64, scratch_operands = 15 : i64, tpu.core_type = #tpu.core_type<sc_vector_subcore>, window_params = [{transform_indices = #map}, {transform_indices = #map1}, {transform_indices = #map}, {transform_indices = #map2}]} {
    %eq3A = arith.constant 0 : i32
    %eq3A_0 = arith.cmpi eq, %arg0, %eq3A : i32
    %mul3A = arith.constant 144 : i32
    %mul3A_1 = arith.muli %arg1, %mul3A : i32
    %mul3A_2 = arith.constant 16 : i32
    %mul3A_3 = arith.muli %arg1, %mul3A_2 : i32
    %add3A = arith.constant 2304 : i32
    %add3A_4 = arith.addi %add3A, %mul3A_3 : i32
    %select_n3A = arith.select %eq3A_0, %mul3A_1, %add3A_4 : i32
    %eq3A_5 = arith.constant 0 : i32
    %eq3A_6 = arith.cmpi eq, %arg0, %eq3A_5 : i32
    %select_n3A_7 = arith.constant 2 : i32
    %select_n3A_8 = arith.constant 18 : i32
    %select_n3A_9 = arith.select %eq3A_6, %select_n3A_8, %select_n3A_7 : i32
    %mul3A_10 = arith.constant 632 : i32
    %mul3A_11 = arith.muli %arg1, %mul3A_10 : i32
    %broadcast_in_dim3A = arith.constant 0.000000e+00 : f32
    %broadcast_in_dim3A_12 = vector.broadcast %broadcast_in_dim3A : f32 to vector<16xf32>
    %scan3A = arith.constant 0 : i32
    %scan3A_13 = arith.constant 0 : i32
    %scan3A_14 = arith.constant 128 : i32
    %scan3A_15 = arith.addi %scan3A_13, %scan3A_14 : i32
    %scan3A_16 = arith.constant 1 : i32
    scf.for %scan3A_38 = %scan3A_13 to %scan3A_15 step %scan3A_16  : i32 {
      %swap3A = arith.index_cast %scan3A_38 : i32 to index
      %swap3A_39 = arith.constant 0 : index
      %swap3A_40 = tpu.vector_load %arg8[%swap3A, %swap3A_39] {strides = array<i32>} : memref<128x64xf32, #tpu.memory_space<vmem>>, vector<1x16xf32>,
      %swap3A_41 = vector.shape_cast %swap3A_40 : vector<1x16xf32> to vector<16xf32>
      %swap3A_42 = vector.shape_cast %broadcast_in_dim3A_12 : vector<16xf32> to vector<1x16xf32>
      tpu.vector_store %arg8[%swap3A, %swap3A_39], %swap3A_42 {strides = array<i32>} : memref<128x64xf32, #tpu.memory_space<vmem>>, vector<1x16xf32>,
      %swap3A_43 = arith.index_cast %scan3A_38 : i32 to index
      %swap3A_44 = arith.constant 16 : index
      %swap3A_45 = tpu.vector_load %arg8[%swap3A_43, %swap3A_44] {strides = array<i32>} : memref<128x64xf32, #tpu.memory_space<vmem>>, vector<1x16xf32>,
      %swap3A_46 = vector.shape_cast %swap3A_45 : vector<1x16xf32> to vector<16xf32>
      %swap3A_47 = vector.shape_cast %broadcast_in_dim3A_12 : vector<16xf32> to vector<1x16xf32>
      tpu.vector_store %arg8[%swap3A_43, %swap3A_44], %swap3A_47 {strides = array<i32>} : memref<128x64xf32, #tpu.memory_space<vmem>>, vector<1x16xf32>,
      %swap3A_48 = arith.index_cast %scan3A_38 : i32 to index
      %swap3A_49 = arith.constant 32 : index
      %swap3A_50 = tpu.vector_load %arg8[%swap3A_48, %swap3A_49] {strides = array<i32>} : memref<128x64xf32, #tpu.memory_space<vmem>>, vector<1x16xf32>,
      %swap3A_51 = vector.shape_cast %swap3A_50 : vector<1x16xf32> to vector<16xf32>
      %swap3A_52 = vector.shape_cast %broadcast_in_dim3A_12 : vector<16xf32> to vector<1x16xf32>
      tpu.vector_store %arg8[%swap3A_48, %swap3A_49], %swap3A_52 {strides = array<i32>} : memref<128x64xf32, #tpu.memory_space<vmem>>, vector<1x16xf32>,
      %swap3A_53 = arith.index_cast %scan3A_38 : i32 to index
      %swap3A_54 = arith.constant 48 : index
      %swap3A_55 = tpu.vector_load %arg8[%swap3A_53, %swap3A_54] {strides = array<i32>} : memref<128x64xf32, #tpu.memory_space<vmem>>, vector<1x16xf32>,
      %swap3A_56 = vector.shape_cast %swap3A_55 : vector<1x16xf32> to vector<16xf32>
      %swap3A_57 = vector.shape_cast %broadcast_in_dim3A_12 : vector<16xf32> to vector<1x16xf32>
      tpu.vector_store %arg8[%swap3A_53, %swap3A_54], %swap3A_57 {strides = array<i32>} : memref<128x64xf32, #tpu.memory_space<vmem>>, vector<1x16xf32>,
    }
    %scan3A_17 = arith.constant 128 : i32
    %add3A_18 = arith.constant 0 : i32
    %add3A_19 = arith.addi %mul3A_11, %add3A_18 : i32
    "tpu.region"() ({
      %run_scoped3A = tpu.sem_alloc : memref<!tpu.dma_semaphore, #tpu.memory_space<semaphore_mem>>
      %dma_start3A = arith.constant 0 : i32
      %dma_start3A_38 = tpu.memref_slice %arg12[%add3A_19, %dma_start3A] : memref<10112x64xf32, #tpu.memory_space<vmem_shared>> -> memref<128x64xf32, #tpu.memory_space<vmem_shared>>
      %dma_start3A_39 = arith.constant 0 : i32
      %dma_start3A_40 = tpu.memref_slice %arg12[%add3A_19, %dma_start3A_39] : memref<10112x64xf32, #tpu.memory_space<vmem_shared>> -> memref<128x64xf32, #tpu.memory_space<vmem_shared>>
      tpu.enqueue_dma source(%arg8 : memref<128x64xf32, #tpu.memory_space<vmem>>) target(%dma_start3A_40 : memref<128x64xf32, #tpu.memory_space<vmem_shared>>) target_semaphore(%run_scoped3A : memref<!tpu.dma_semaphore, #tpu.memory_space<semaphore_mem>>)
      %dma_wait3A = arith.constant 0 : i32
      %dma_wait3A_41 = tpu.memref_slice %arg12[%add3A_19, %dma_wait3A] : memref<10112x64xf32, #tpu.memory_space<vmem_shared>> -> memref<128x64xf32, #tpu.memory_space<vmem_shared>>
      %dma_wait3A_42 = arith.constant 0 : i32
      %dma_wait3A_43 = tpu.memref_slice %arg12[%add3A_19, %dma_wait3A_42] : memref<10112x64xf32, #tpu.memory_space<vmem_shared>> -> memref<128x64xf32, #tpu.memory_space<vmem_shared>>
      tpu.wait_dma2 semaphore(%run_scoped3A : memref<!tpu.dma_semaphore, #tpu.memory_space<semaphore_mem>>) src(%arg8 : memref<128x64xf32, #tpu.memory_space<vmem>>) dst(%dma_wait3A_43 : memref<128x64xf32, #tpu.memory_space<vmem_shared>>)
      tpu.yield
    }) : () -> ()
    %add3A_20 = arith.constant 128 : i32
    %add3A_21 = arith.addi %mul3A_11, %add3A_20 : i32
    "tpu.region"() ({
      %run_scoped3A = tpu.sem_alloc : memref<!tpu.dma_semaphore, #tpu.memory_space<semaphore_mem>>
      %dma_start3A = arith.constant 0 : i32
      %dma_start3A_38 = tpu.memref_slice %arg12[%add3A_21, %dma_start3A] : memref<10112x64xf32, #tpu.memory_space<vmem_shared>> -> memref<128x64xf32, #tpu.memory_space<vmem_shared>>
      %dma_start3A_39 = arith.constant 0 : i32
      %dma_start3A_40 = tpu.memref_slice %arg12[%add3A_21, %dma_start3A_39] : memref<10112x64xf32, #tpu.memory_space<vmem_shared>> -> memref<128x64xf32, #tpu.memory_space<vmem_shared>>
      tpu.enqueue_dma source(%arg8 : memref<128x64xf32, #tpu.memory_space<vmem>>) target(%dma_start3A_40 : memref<128x64xf32, #tpu.memory_space<vmem_shared>>) target_semaphore(%run_scoped3A : memref<!tpu.dma_semaphore, #tpu.memory_space<semaphore_mem>>)
      %dma_wait3A = arith.constant 0 : i32
      %dma_wait3A_41 = tpu.memref_slice %arg12[%add3A_21, %dma_wait3A] : memref<10112x64xf32, #tpu.memory_space<vmem_shared>> -> memref<128x64xf32, #tpu.memory_space<vmem_shared>>
      %dma_wait3A_42 = arith.constant 0 : i32
      %dma_wait3A_43 = tpu.memref_slice %arg12[%add3A_21, %dma_wait3A_42] : memref<10112x64xf32, #tpu.memory_space<vmem_shared>> -> memref<128x64xf32, #tpu.memory_space<vmem_shared>>
      tpu.wait_dma2 semaphore(%run_scoped3A : memref<!tpu.dma_semaphore, #tpu.memory_space<semaphore_mem>>) src(%arg8 : memref<128x64xf32, #tpu.memory_space<vmem>>) dst(%dma_wait3A_43 : memref<128x64xf32, #tpu.memory_space<vmem_shared>>)
      tpu.yield
    }) : () -> ()
    %add3A_22 = arith.constant 256 : i32
    %add3A_23 = arith.addi %mul3A_11, %add3A_22 : i32
    "tpu.region"() ({
      %run_scoped3A = tpu.sem_alloc : memref<!tpu.dma_semaphore, #tpu.memory_space<semaphore_mem>>
      %dma_start3A = arith.constant 0 : i32
      %dma_start3A_38 = tpu.memref_slice %arg12[%add3A_23, %dma_start3A] : memref<10112x64xf32, #tpu.memory_space<vmem_shared>> -> memref<128x64xf32, #tpu.memory_space<vmem_shared>>
      %dma_start3A_39 = arith.constant 0 : i32
      %dma_start3A_40 = tpu.memref_slice %arg12[%add3A_23, %dma_start3A_39] : memref<10112x64xf32, #tpu.memory_space<vmem_shared>> -> memref<128x64xf32, #tpu.memory_space<vmem_shared>>
      tpu.enqueue_dma source(%arg8 : memref<128x64xf32, #tpu.memory_space<vmem>>) target(%dma_start3A_40 : memref<128x64xf32, #tpu.memory_space<vmem_shared>>) target_semaphore(%run_scoped3A : memref<!tpu.dma_semaphore, #tpu.memory_space<semaphore_mem>>)
      %dma_wait3A = arith.constant 0 : i32
      %dma_wait3A_41 = tpu.memref_slice %arg12[%add3A_23, %dma_wait3A] : memref<10112x64xf32, #tpu.memory_space<vmem_shared>> -> memref<128x64xf32, #tpu.memory_space<vmem_shared>>
      %dma_wait3A_42 = arith.constant 0 : i32
      %dma_wait3A_43 = tpu.memref_slice %arg12[%add3A_23, %dma_wait3A_42] : memref<10112x64xf32, #tpu.memory_space<vmem_shared>> -> memref<128x64xf32, #tpu.memory_space<vmem_shared>>
      tpu.wait_dma2 semaphore(%run_scoped3A : memref<!tpu.dma_semaphore, #tpu.memory_space<semaphore_mem>>) src(%arg8 : memref<128x64xf32, #tpu.memory_space<vmem>>) dst(%dma_wait3A_43 : memref<128x64xf32, #tpu.memory_space<vmem_shared>>)
      tpu.yield
    }) : () -> ()
    %add3A_24 = arith.constant 384 : i32
    %add3A_25 = arith.addi %mul3A_11, %add3A_24 : i32
    "tpu.region"() ({
      %run_scoped3A = tpu.sem_alloc : memref<!tpu.dma_semaphore, #tpu.memory_space<semaphore_mem>>
      %dma_start3A = arith.constant 0 : i32
      %dma_start3A_38 = tpu.memref_slice %arg12[%add3A_25, %dma_start3A] : memref<10112x64xf32, #tpu.memory_space<vmem_shared>> -> memref<128x64xf32, #tpu.memory_space<vmem_shared>>
      %dma_start3A_39 = arith.constant 0 : i32
      %dma_start3A_40 = tpu.memref_slice %arg12[%add3A_25, %dma_start3A_39] : memref<10112x64xf32, #tpu.memory_space<vmem_shared>> -> memref<128x64xf32, #tpu.memory_space<vmem_shared>>
      tpu.enqueue_dma source(%arg8 : memref<128x64xf32, #tpu.memory_space<vmem>>) target(%dma_start3A_40 : memref<128x64xf32, #tpu.memory_space<vmem_shared>>) target_semaphore(%run_scoped3A : memref<!tpu.dma_semaphore, #tpu.memory_space<semaphore_mem>>)
      %dma_wait3A = arith.constant 0 : i32
      %dma_wait3A_41 = tpu.memref_slice %arg12[%add3A_25, %dma_wait3A] : memref<10112x64xf32, #tpu.memory_space<vmem_shared>> -> memref<128x64xf32, #tpu.memory_space<vmem_shared>>
      %dma_wait3A_42 = arith.constant 0 : i32
      %dma_wait3A_43 = tpu.memref_slice %arg12[%add3A_25, %dma_wait3A_42] : memref<10112x64xf32, #tpu.memory_space<vmem_shared>> -> memref<128x64xf32, #tpu.memory_space<vmem_shared>>
      tpu.wait_dma2 semaphore(%run_scoped3A : memref<!tpu.dma_semaphore, #tpu.memory_space<semaphore_mem>>) src(%arg8 : memref<128x64xf32, #tpu.memory_space<vmem>>) dst(%dma_wait3A_43 : memref<128x64xf32, #tpu.memory_space<vmem_shared>>)
      tpu.yield
    }) : () -> ()
    %add3A_26 = arith.constant 512 : i32
    %add3A_27 = arith.addi %mul3A_11, %add3A_26 : i32
    "tpu.region"() ({
      %run_scoped3A = tpu.sem_alloc : memref<!tpu.dma_semaphore, #tpu.memory_space<semaphore_mem>>
      %dma_start3A = arith.constant 0 : i32
      %dma_start3A_38 = arith.constant 0 : i32
      %dma_start3A_39 = tpu.memref_slice %arg8[%dma_start3A, %dma_start3A_38] : memref<128x64xf32, #tpu.memory_space<vmem>> -> memref<120x64xf32, #tpu.memory_space<vmem>>
      %dma_start3A_40 = arith.constant 0 : i32
      %dma_start3A_41 = tpu.memref_slice %arg12[%add3A_27, %dma_start3A_40] : memref<10112x64xf32, #tpu.memory_space<vmem_shared>> -> memref<120x64xf32, #tpu.memory_space<vmem_shared>>
      %dma_start3A_42 = arith.constant 0 : i32
      %dma_start3A_43 = tpu.memref_slice %arg12[%add3A_27, %dma_start3A_42] : memref<10112x64xf32, #tpu.memory_space<vmem_shared>> -> memref<120x64xf32, #tpu.memory_space<vmem_shared>>
      %dma_start3A_44 = arith.constant 0 : i32
      %dma_start3A_45 = arith.constant 0 : i32
      %dma_start3A_46 = tpu.memref_slice %arg8[%dma_start3A_44, %dma_start3A_45] : memref<128x64xf32, #tpu.memory_space<vmem>> -> memref<120x64xf32, #tpu.memory_space<vmem>>
      tpu.enqueue_dma source(%dma_start3A_46 : memref<120x64xf32, #tpu.memory_space<vmem>>) target(%dma_start3A_43 : memref<120x64xf32, #tpu.memory_space<vmem_shared>>) target_semaphore(%run_scoped3A : memref<!tpu.dma_semaphore, #tpu.memory_space<semaphore_mem>>)
      %dma_wait3A = arith.constant 0 : i32
      %dma_wait3A_47 = arith.constant 0 : i32
      %dma_wait3A_48 = tpu.memref_slice %arg8[%dma_wait3A, %dma_wait3A_47] : memref<128x64xf32, #tpu.memory_space<vmem>> -> memref<120x64xf32, #tpu.memory_space<vmem>>
      %dma_wait3A_49 = arith.constant 0 : i32
      %dma_wait3A_50 = tpu.memref_slice %arg12[%add3A_27, %dma_wait3A_49] : memref<10112x64xf32, #tpu.memory_space<vmem_shared>> -> memref<120x64xf32, #tpu.memory_space<vmem_shared>>
      %dma_wait3A_51 = arith.constant 0 : i32
      %dma_wait3A_52 = tpu.memref_slice %arg12[%add3A_27, %dma_wait3A_51] : memref<10112x64xf32, #tpu.memory_space<vmem_shared>> -> memref<120x64xf32, #tpu.memory_space<vmem_shared>>
      %dma_wait3A_53 = arith.constant 0 : i32
      %dma_wait3A_54 = arith.constant 0 : i32
      %dma_wait3A_55 = tpu.memref_slice %arg8[%dma_wait3A_53, %dma_wait3A_54] : memref<128x64xf32, #tpu.memory_space<vmem>> -> memref<120x64xf32, #tpu.memory_space<vmem>>
      tpu.wait_dma2 semaphore(%run_scoped3A : memref<!tpu.dma_semaphore, #tpu.memory_space<semaphore_mem>>) src(%dma_wait3A_55 : memref<120x64xf32, #tpu.memory_space<vmem>>) dst(%dma_wait3A_52 : memref<120x64xf32, #tpu.memory_space<vmem_shared>>)
      tpu.yield
    }) : () -> ()
    %barrier3A = arith.constant 0 : index
    tpu.barrier barrier_id(%barrier3A)
    %while3A = arith.constant 0 : i32
    %while3A_28 = arith.constant 0 : i32
    %while3A_29 = arith.subi %select_n3A_9, %while3A_28 : i32
    %while3A_30 = arith.addi %while3A_28, %while3A_29 : i32
    %while3A_31 = arith.constant 1 : i32
    %while3A_32 = arith.divsi %while3A_29, %while3A_31 : i32
    %while3A_33 = arith.muli %while3A_32, %while3A_31 : i32
    %while3A_34 = arith.addi %while3A_28, %while3A_33 : i32
    %while3A_35 = arith.constant 1 : i32
    scf.for %while3A_38 = %while3A_28 to %while3A_34 step %while3A_35  : i32 {
      %mul3A_39 = arith.constant 8 : i32
      %mul3A_40 = arith.muli %while3A_38, %mul3A_39 : i32
      %add3A_41 = arith.addi %select_n3A, %mul3A_40 : i32
      %mul3A_42 = arith.constant 128 : i32
      %mul3A_43 = arith.muli %add3A_41, %mul3A_42 : i32
      "tpu.region"() ({
        %run_scoped3A = tpu.sem_alloc : memref<!tpu.dma_semaphore, #tpu.memory_space<semaphore_mem>>
        %dma_start3A_234 = tpu.memref_slice %arg3[%mul3A_43] : memref<327680xi32, #tpu.memory_space<hbm>> -> memref<1024xi32, #tpu.memory_space<hbm>>
        %dma_start3A_235 = tpu.memref_slice %arg3[%mul3A_43] : memref<327680xi32, #tpu.memory_space<hbm>> -> memref<1024xi32, #tpu.memory_space<hbm>>
        tpu.enqueue_dma source(%dma_start3A_235 : memref<1024xi32, #tpu.memory_space<hbm>>) target(%arg6 : memref<1024xi32, #tpu.memory_space<vmem>>) target_semaphore(%run_scoped3A : memref<!tpu.dma_semaphore, #tpu.memory_space<semaphore_mem>>)
        %dma_wait3A_236 = tpu.memref_slice %arg3[%mul3A_43] : memref<327680xi32, #tpu.memory_space<hbm>> -> memref<1024xi32, #tpu.memory_space<hbm>>
        %dma_wait3A_237 = tpu.memref_slice %arg3[%mul3A_43] : memref<327680xi32, #tpu.memory_space<hbm>> -> memref<1024xi32, #tpu.memory_space<hbm>>
        tpu.wait_dma2 semaphore(%run_scoped3A : memref<!tpu.dma_semaphore, #tpu.memory_space<semaphore_mem>>) src(%dma_wait3A_237 : memref<1024xi32, #tpu.memory_space<hbm>>) dst(%arg6 : memref<1024xi32, #tpu.memory_space<vmem>>)
        tpu.yield
      }) : () -> ()
      "tpu.region"() ({
        %run_scoped3A = tpu.sem_alloc : memref<!tpu.dma_semaphore, #tpu.memory_space<semaphore_mem>>
        %dma_start3A_234 = arith.constant 0 : i32
        %dma_start3A_235 = tpu.memref_slice %arg4[%add3A_41, %dma_start3A_234] : memref<2560x128xi32, #tpu.memory_space<hbm>> -> memref<8x128xi32, #tpu.memory_space<hbm>>
        %dma_start3A_236 = arith.constant 0 : i32
        %dma_start3A_237 = tpu.memref_slice %arg4[%add3A_41, %dma_start3A_236] : memref<2560x128xi32, #tpu.memory_space<hbm>> -> memref<8x128xi32, #tpu.memory_space<hbm>>
        tpu.enqueue_dma source(%dma_start3A_237 : memref<8x128xi32, #tpu.memory_space<hbm>>) target(%arg7 : memref<8x128xi32, #tpu.memory_space<vmem>>) target_semaphore(%run_scoped3A : memref<!tpu.dma_semaphore, #tpu.memory_space<semaphore_mem>>)
        %dma_wait3A_238 = arith.constant 0 : i32
        %dma_wait3A_239 = tpu.memref_slice %arg4[%add3A_41, %dma_wait3A_238] : memref<2560x128xi32, #tpu.memory_space<hbm>> -> memref<8x128xi32, #tpu.memory_space<hbm>>
        %dma_wait3A_240 = arith.constant 0 : i32
        %dma_wait3A_241 = tpu.memref_slice %arg4[%add3A_41, %dma_wait3A_240] : memref<2560x128xi32, #tpu.memory_space<hbm>> -> memref<8x128xi32, #tpu.memory_space<hbm>>
        tpu.wait_dma2 semaphore(%run_scoped3A : memref<!tpu.dma_semaphore, #tpu.memory_space<semaphore_mem>>) src(%dma_wait3A_241 : memref<8x128xi32, #tpu.memory_space<hbm>>) dst(%arg7 : memref<8x128xi32, #tpu.memory_space<vmem>>)
        tpu.yield
      }) : () -> ()
      %dma_start3A = arith.constant 0 : i32
      %dma_start3A_44 = tpu.memref_slice %arg6[%dma_start3A] : memref<1024xi32, #tpu.memory_space<vmem>> -> memref<128xi32, #tpu.memory_space<vmem>>
      %dma_start3A_45 = arith.constant 0 : i32
      %dma_start3A_46 = arith.constant 0 : i32
      %dma_start3A_47 = tpu.memref_slice %arg2[%dma_start3A_45, %dma_start3A_46] : memref<10000x64xf32, #tpu.memory_space<hbm>> -> memref<10000x64xf32, #tpu.memory_space<hbm>>
      tpu.enqueue_indirect_dma source(%dma_start3A_47 : memref<10000x64xf32, #tpu.memory_space<hbm>>) target(%arg8 : memref<128x64xf32, #tpu.memory_space<vmem>>) offsets(%dma_start3A_44 : memref<128xi32, #tpu.memory_space<vmem>>) semaphore(%arg13 : memref<!tpu.dma_semaphore, #tpu.memory_space<semaphore_mem>>)
      %dma_start3A_48 = arith.constant 128 : i32
      %dma_start3A_49 = tpu.memref_slice %arg6[%dma_start3A_48] : memref<1024xi32, #tpu.memory_space<vmem>> -> memref<128xi32, #tpu.memory_space<vmem>>
      %dma_start3A_50 = arith.constant 0 : i32
      %dma_start3A_51 = arith.constant 0 : i32
      %dma_start3A_52 = tpu.memref_slice %arg2[%dma_start3A_50, %dma_start3A_51] : memref<10000x64xf32, #tpu.memory_space<hbm>> -> memref<10000x64xf32, #tpu.memory_space<hbm>>
      tpu.enqueue_indirect_dma source(%dma_start3A_52 : memref<10000x64xf32, #tpu.memory_space<hbm>>) target(%arg9 : memref<128x64xf32, #tpu.memory_space<vmem>>) offsets(%dma_start3A_49 : memref<128xi32, #tpu.memory_space<vmem>>) semaphore(%arg14 : memref<!tpu.dma_semaphore, #tpu.memory_space<semaphore_mem>>)
      %dma_start3A_53 = arith.constant 256 : i32
      %dma_start3A_54 = tpu.memref_slice %arg6[%dma_start3A_53] : memref<1024xi32, #tpu.memory_space<vmem>> -> memref<128xi32, #tpu.memory_space<vmem>>
      %dma_start3A_55 = arith.constant 0 : i32
      %dma_start3A_56 = arith.constant 0 : i32
      %dma_start3A_57 = tpu.memref_slice %arg2[%dma_start3A_55, %dma_start3A_56] : memref<10000x64xf32, #tpu.memory_space<hbm>> -> memref<10000x64xf32, #tpu.memory_space<hbm>>
      tpu.enqueue_indirect_dma source(%dma_start3A_57 : memref<10000x64xf32, #tpu.memory_space<hbm>>) target(%arg10 : memref<128x64xf32, #tpu.memory_space<vmem>>) offsets(%dma_start3A_54 : memref<128xi32, #tpu.memory_space<vmem>>) semaphore(%arg15 : memref<!tpu.dma_semaphore, #tpu.memory_space<semaphore_mem>>)
      %dma_wait3A = arith.constant 0 : i32
      %dma_wait3A_58 = tpu.memref_slice %arg6[%dma_wait3A] : memref<1024xi32, #tpu.memory_space<vmem>> -> memref<128xi32, #tpu.memory_space<vmem>>
      %dma_wait3A_59 = arith.constant 0 : i32
      %dma_wait3A_60 = arith.constant 0 : i32
      %dma_wait3A_61 = tpu.memref_slice %arg2[%dma_wait3A_59, %dma_wait3A_60] : memref<10000x64xf32, #tpu.memory_space<hbm>> -> memref<10000x64xf32, #tpu.memory_space<hbm>>
      tpu.wait_indirect_dma semaphore(%arg13 : memref<!tpu.dma_semaphore, #tpu.memory_space<semaphore_mem>>) src(%dma_wait3A_61 : memref<10000x64xf32, #tpu.memory_space<hbm>>) dst(%arg8 : memref<128x64xf32, #tpu.memory_space<vmem>>)
      %dma_start3A_62 = arith.constant 0 : i32
      %dma_start3A_63 = arith.constant 0 : i32
      %dma_start3A_64 = tpu.memref_slice %arg7[%dma_start3A_62, %dma_start3A_63] : memref<8x128xi32, #tpu.memory_space<vmem>> -> memref<1x128xi32, #tpu.memory_space<vmem>>
      %dma_start3A_65 = tpu.memref_squeeze %dma_start3A_64 : memref<1x128xi32, #tpu.memory_space<vmem>> -> memref<128xi32, #tpu.memory_space<vmem>>
      %dma_start3A_66 = arith.constant 0 : i32
      %dma_start3A_67 = arith.constant 0 : i32
      %dma_start3A_68 = tpu.memref_slice %arg12[%dma_start3A_66, %dma_start3A_67] : memref<10112x64xf32, #tpu.memory_space<vmem_shared>> -> memref<10112x64xf32, #tpu.memory_space<vmem_shared>>
      tpu.enqueue_indirect_dma source(%arg8 : memref<128x64xf32, #tpu.memory_space<vmem>>) target(%dma_start3A_68 : memref<10112x64xf32, #tpu.memory_space<vmem_shared>>) offsets(%dma_start3A_65 : memref<128xi32, #tpu.memory_space<vmem>>) semaphore(%arg17 : memref<!tpu.dma_semaphore, #tpu.memory_space<semaphore_mem>>) {add = true}
      %dma_start3A_69 = arith.constant 384 : i32
      %dma_start3A_70 = tpu.memref_slice %arg6[%dma_start3A_69] : memref<1024xi32, #tpu.memory_space<vmem>> -> memref<128xi32, #tpu.memory_space<vmem>>
      %dma_start3A_71 = arith.constant 0 : i32
      %dma_start3A_72 = arith.constant 0 : i32
      %dma_start3A_73 = tpu.memref_slice %arg2[%dma_start3A_71, %dma_start3A_72] : memref<10000x64xf32, #tpu.memory_space<hbm>> -> memref<10000x64xf32, #tpu.memory_space<hbm>>
      tpu.enqueue_indirect_dma source(%dma_start3A_73 : memref<10000x64xf32, #tpu.memory_space<hbm>>) target(%arg11 : memref<128x64xf32, #tpu.memory_space<vmem>>) offsets(%dma_start3A_70 : memref<128xi32, #tpu.memory_space<vmem>>) semaphore(%arg16 : memref<!tpu.dma_semaphore, #tpu.memory_space<semaphore_mem>>)
      %dma_wait3A_74 = arith.constant 128 : i32
      %dma_wait3A_75 = tpu.memref_slice %arg6[%dma_wait3A_74] : memref<1024xi32, #tpu.memory_space<vmem>> -> memref<128xi32, #tpu.memory_space<vmem>>
      %dma_wait3A_76 = arith.constant 0 : i32
      %dma_wait3A_77 = arith.constant 0 : i32
      %dma_wait3A_78 = tpu.memref_slice %arg2[%dma_wait3A_76, %dma_wait3A_77] : memref<10000x64xf32, #tpu.memory_space<hbm>> -> memref<10000x64xf32, #tpu.memory_space<hbm>>
      tpu.wait_indirect_dma semaphore(%arg14 : memref<!tpu.dma_semaphore, #tpu.memory_space<semaphore_mem>>) src(%dma_wait3A_78 : memref<10000x64xf32, #tpu.memory_space<hbm>>) dst(%arg9 : memref<128x64xf32, #tpu.memory_space<vmem>>)
      %dma_start3A_79 = arith.constant 1 : i32
      %dma_start3A_80 = arith.constant 0 : i32
      %dma_start3A_81 = tpu.memref_slice %arg7[%dma_start3A_79, %dma_start3A_80] : memref<8x128xi32, #tpu.memory_space<vmem>> -> memref<1x128xi32, #tpu.memory_space<vmem>>
      %dma_start3A_82 = tpu.memref_squeeze %dma_start3A_81 : memref<1x128xi32, #tpu.memory_space<vmem>> -> memref<128xi32, #tpu.memory_space<vmem>>
      %dma_start3A_83 = arith.constant 0 : i32
      %dma_start3A_84 = arith.constant 0 : i32
      %dma_start3A_85 = tpu.memref_slice %arg12[%dma_start3A_83, %dma_start3A_84] : memref<10112x64xf32, #tpu.memory_space<vmem_shared>> -> memref<10112x64xf32, #tpu.memory_space<vmem_shared>>
      tpu.enqueue_indirect_dma source(%arg9 : memref<128x64xf32, #tpu.memory_space<vmem>>) target(%dma_start3A_85 : memref<10112x64xf32, #tpu.memory_space<vmem_shared>>) offsets(%dma_start3A_82 : memref<128xi32, #tpu.memory_space<vmem>>) semaphore(%arg18 : memref<!tpu.dma_semaphore, #tpu.memory_space<semaphore_mem>>) {add = true}
      %dma_wait3A_86 = arith.constant 0 : i32
      %dma_wait3A_87 = arith.constant 0 : i32
      %dma_wait3A_88 = tpu.memref_slice %arg7[%dma_wait3A_86, %dma_wait3A_87] : memref<8x128xi32, #tpu.memory_space<vmem>> -> memref<1x128xi32, #tpu.memory_space<vmem>>
      %dma_wait3A_89 = tpu.memref_squeeze %dma_wait3A_88 : memref<1x128xi32, #tpu.memory_space<vmem>> -> memref<128xi32, #tpu.memory_space<vmem>>
      %dma_wait3A_90 = arith.constant 0 : i32
      %dma_wait3A_91 = arith.constant 0 : i32
      %dma_wait3A_92 = tpu.memref_slice %arg12[%dma_wait3A_90, %dma_wait3A_91] : memref<10112x64xf32, #tpu.memory_space<vmem_shared>> -> memref<10112x64xf32, #tpu.memory_space<vmem_shared>>
      tpu.wait_indirect_dma semaphore(%arg17 : memref<!tpu.dma_semaphore, #tpu.memory_space<semaphore_mem>>) src(%arg8 : memref<128x64xf32, #tpu.memory_space<vmem>>) dst(%dma_wait3A_92 : memref<10112x64xf32, #tpu.memory_space<vmem_shared>>)
      %dma_start3A_93 = arith.constant 512 : i32
      %dma_start3A_94 = tpu.memref_slice %arg6[%dma_start3A_93] : memref<1024xi32, #tpu.memory_space<vmem>> -> memref<128xi32, #tpu.memory_space<vmem>>
      %dma_start3A_95 = arith.constant 0 : i32
      %dma_start3A_96 = arith.constant 0 : i32
      %dma_start3A_97 = tpu.memref_slice %arg2[%dma_start3A_95, %dma_start3A_96] : memref<10000x64xf32, #tpu.memory_space<hbm>> -> memref<10000x64xf32, #tpu.memory_space<hbm>>
      tpu.enqueue_indirect_dma source(%dma_start3A_97 : memref<10000x64xf32, #tpu.memory_space<hbm>>) target(%arg8 : memref<128x64xf32, #tpu.memory_space<vmem>>) offsets(%dma_start3A_94 : memref<128xi32, #tpu.memory_space<vmem>>) semaphore(%arg13 : memref<!tpu.dma_semaphore, #tpu.memory_space<semaphore_mem>>)
      %dma_wait3A_98 = arith.constant 256 : i32
      %dma_wait3A_99 = tpu.memref_slice %arg6[%dma_wait3A_98] : memref<1024xi32, #tpu.memory_space<vmem>> -> memref<128xi32, #tpu.memory_space<vmem>>
      %dma_wait3A_100 = arith.constant 0 : i32
      %dma_wait3A_101 = arith.constant 0 : i32
      %dma_wait3A_102 = tpu.memref_slice %arg2[%dma_wait3A_100, %dma_wait3A_101] : memref<10000x64xf32, #tpu.memory_space<hbm>> -> memref<10000x64xf32, #tpu.memory_space<hbm>>
      tpu.wait_indirect_dma semaphore(%arg15 : memref<!tpu.dma_semaphore, #tpu.memory_space<semaphore_mem>>) src(%dma_wait3A_102 : memref<10000x64xf32, #tpu.memory_space<hbm>>) dst(%arg10 : memref<128x64xf32, #tpu.memory_space<vmem>>)
      %dma_start3A_103 = arith.constant 2 : i32
      %dma_start3A_104 = arith.constant 0 : i32
      %dma_start3A_105 = tpu.memref_slice %arg7[%dma_start3A_103, %dma_start3A_104] : memref<8x128xi32, #tpu.memory_space<vmem>> -> memref<1x128xi32, #tpu.memory_space<vmem>>
      %dma_start3A_106 = tpu.memref_squeeze %dma_start3A_105 : memref<1x128xi32, #tpu.memory_space<vmem>> -> memref<128xi32, #tpu.memory_space<vmem>>
      %dma_start3A_107 = arith.constant 0 : i32
      %dma_start3A_108 = arith.constant 0 : i32
      %dma_start3A_109 = tpu.memref_slice %arg12[%dma_start3A_107, %dma_start3A_108] : memref<10112x64xf32, #tpu.memory_space<vmem_shared>> -> memref<10112x64xf32, #tpu.memory_space<vmem_shared>>
      tpu.enqueue_indirect_dma source(%arg10 : memref<128x64xf32, #tpu.memory_space<vmem>>) target(%dma_start3A_109 : memref<10112x64xf32, #tpu.memory_space<vmem_shared>>) offsets(%dma_start3A_106 : memref<128xi32, #tpu.memory_space<vmem>>) semaphore(%arg19 : memref<!tpu.dma_semaphore, #tpu.memory_space<semaphore_mem>>) {add = true}
      %dma_wait3A_110 = arith.constant 1 : i32
      %dma_wait3A_111 = arith.constant 0 : i32
      %dma_wait3A_112 = tpu.memref_slice %arg7[%dma_wait3A_110, %dma_wait3A_111] : memref<8x128xi32, #tpu.memory_space<vmem>> -> memref<1x128xi32, #tpu.memory_space<vmem>>
      %dma_wait3A_113 = tpu.memref_squeeze %dma_wait3A_112 : memref<1x128xi32, #tpu.memory_space<vmem>> -> memref<128xi32, #tpu.memory_space<vmem>>
      %dma_wait3A_114 = arith.constant 0 : i32
      %dma_wait3A_115 = arith.constant 0 : i32
      %dma_wait3A_116 = tpu.memref_slice %arg12[%dma_wait3A_114, %dma_wait3A_115] : memref<10112x64xf32, #tpu.memory_space<vmem_shared>> -> memref<10112x64xf32, #tpu.memory_space<vmem_shared>>
      tpu.wait_indirect_dma semaphore(%arg18 : memref<!tpu.dma_semaphore, #tpu.memory_space<semaphore_mem>>) src(%arg9 : memref<128x64xf32, #tpu.memory_space<vmem>>) dst(%dma_wait3A_116 : memref<10112x64xf32, #tpu.memory_space<vmem_shared>>)
      %dma_start3A_117 = arith.constant 640 : i32
      %dma_start3A_118 = tpu.memref_slice %arg6[%dma_start3A_117] : memref<1024xi32, #tpu.memory_space<vmem>> -> memref<128xi32, #tpu.memory_space<vmem>>
      %dma_start3A_119 = arith.constant 0 : i32
      %dma_start3A_120 = arith.constant 0 : i32
      %dma_start3A_121 = tpu.memref_slice %arg2[%dma_start3A_119, %dma_start3A_120] : memref<10000x64xf32, #tpu.memory_space<hbm>> -> memref<10000x64xf32, #tpu.memory_space<hbm>>
      tpu.enqueue_indirect_dma source(%dma_start3A_121 : memref<10000x64xf32, #tpu.memory_space<hbm>>) target(%arg9 : memref<128x64xf32, #tpu.memory_space<vmem>>) offsets(%dma_start3A_118 : memref<128xi32, #tpu.memory_space<vmem>>) semaphore(%arg14 : memref<!tpu.dma_semaphore, #tpu.memory_space<semaphore_mem>>)
      %dma_wait3A_122 = arith.constant 384 : i32
      %dma_wait3A_123 = tpu.memref_slice %arg6[%dma_wait3A_122] : memref<1024xi32, #tpu.memory_space<vmem>> -> memref<128xi32, #tpu.memory_space<vmem>>
      %dma_wait3A_124 = arith.constant 0 : i32
      %dma_wait3A_125 = arith.constant 0 : i32
      %dma_wait3A_126 = tpu.memref_slice %arg2[%dma_wait3A_124, %dma_wait3A_125] : memref<10000x64xf32, #tpu.memory_space<hbm>> -> memref<10000x64xf32, #tpu.memory_space<hbm>>
      tpu.wait_indirect_dma semaphore(%arg16 : memref<!tpu.dma_semaphore, #tpu.memory_space<semaphore_mem>>) src(%dma_wait3A_126 : memref<10000x64xf32, #tpu.memory_space<hbm>>) dst(%arg11 : memref<128x64xf32, #tpu.memory_space<vmem>>)
      %dma_start3A_127 = arith.constant 3 : i32
      %dma_start3A_128 = arith.constant 0 : i32
      %dma_start3A_129 = tpu.memref_slice %arg7[%dma_start3A_127, %dma_start3A_128] : memref<8x128xi32, #tpu.memory_space<vmem>> -> memref<1x128xi32, #tpu.memory_space<vmem>>
      %dma_start3A_130 = tpu.memref_squeeze %dma_start3A_129 : memref<1x128xi32, #tpu.memory_space<vmem>> -> memref<128xi32, #tpu.memory_space<vmem>>
      %dma_start3A_131 = arith.constant 0 : i32
      %dma_start3A_132 = arith.constant 0 : i32
      %dma_start3A_133 = tpu.memref_slice %arg12[%dma_start3A_131, %dma_start3A_132] : memref<10112x64xf32, #tpu.memory_space<vmem_shared>> -> memref<10112x64xf32, #tpu.memory_space<vmem_shared>>
      tpu.enqueue_indirect_dma source(%arg11 : memref<128x64xf32, #tpu.memory_space<vmem>>) target(%dma_start3A_133 : memref<10112x64xf32, #tpu.memory_space<vmem_shared>>) offsets(%dma_start3A_130 : memref<128xi32, #tpu.memory_space<vmem>>) semaphore(%arg20 : memref<!tpu.dma_semaphore, #tpu.memory_space<semaphore_mem>>) {add = true}
      %dma_wait3A_134 = arith.constant 2 : i32
      %dma_wait3A_135 = arith.constant 0 : i32
      %dma_wait3A_136 = tpu.memref_slice %arg7[%dma_wait3A_134, %dma_wait3A_135] : memref<8x128xi32, #tpu.memory_space<vmem>> -> memref<1x128xi32, #tpu.memory_space<vmem>>
      %dma_wait3A_137 = tpu.memref_squeeze %dma_wait3A_136 : memref<1x128xi32, #tpu.memory_space<vmem>> -> memref<128xi32, #tpu.memory_space<vmem>>
      %dma_wait3A_138 = arith.constant 0 : i32
      %dma_wait3A_139 = arith.constant 0 : i32
      %dma_wait3A_140 = tpu.memref_slice %arg12[%dma_wait3A_138, %dma_wait3A_139] : memref<10112x64xf32, #tpu.memory_space<vmem_shared>> -> memref<10112x64xf32, #tpu.memory_space<vmem_shared>>
      tpu.wait_indirect_dma semaphore(%arg19 : memref<!tpu.dma_semaphore, #tpu.memory_space<semaphore_mem>>) src(%arg10 : memref<128x64xf32, #tpu.memory_space<vmem>>) dst(%dma_wait3A_140 : memref<10112x64xf32, #tpu.memory_space<vmem_shared>>)
      %dma_start3A_141 = arith.constant 768 : i32
      %dma_start3A_142 = tpu.memref_slice %arg6[%dma_start3A_141] : memref<1024xi32, #tpu.memory_space<vmem>> -> memref<128xi32, #tpu.memory_space<vmem>>
      %dma_start3A_143 = arith.constant 0 : i32
      %dma_start3A_144 = arith.constant 0 : i32
      %dma_start3A_145 = tpu.memref_slice %arg2[%dma_start3A_143, %dma_start3A_144] : memref<10000x64xf32, #tpu.memory_space<hbm>> -> memref<10000x64xf32, #tpu.memory_space<hbm>>
      tpu.enqueue_indirect_dma source(%dma_start3A_145 : memref<10000x64xf32, #tpu.memory_space<hbm>>) target(%arg10 : memref<128x64xf32, #tpu.memory_space<vmem>>) offsets(%dma_start3A_142 : memref<128xi32, #tpu.memory_space<vmem>>) semaphore(%arg15 : memref<!tpu.dma_semaphore, #tpu.memory_space<semaphore_mem>>)
      %dma_wait3A_146 = arith.constant 512 : i32
      %dma_wait3A_147 = tpu.memref_slice %arg6[%dma_wait3A_146] : memref<1024xi32, #tpu.memory_space<vmem>> -> memref<128xi32, #tpu.memory_space<vmem>>
      %dma_wait3A_148 = arith.constant 0 : i32
      %dma_wait3A_149 = arith.constant 0 : i32
      %dma_wait3A_150 = tpu.memref_slice %arg2[%dma_wait3A_148, %dma_wait3A_149] : memref<10000x64xf32, #tpu.memory_space<hbm>> -> memref<10000x64xf32, #tpu.memory_space<hbm>>
      tpu.wait_indirect_dma semaphore(%arg13 : memref<!tpu.dma_semaphore, #tpu.memory_space<semaphore_mem>>) src(%dma_wait3A_150 : memref<10000x64xf32, #tpu.memory_space<hbm>>) dst(%arg8 : memref<128x64xf32, #tpu.memory_space<vmem>>)
      %dma_start3A_151 = arith.constant 4 : i32
      %dma_start3A_152 = arith.constant 0 : i32
      %dma_start3A_153 = tpu.memref_slice %arg7[%dma_start3A_151, %dma_start3A_152] : memref<8x128xi32, #tpu.memory_space<vmem>> -> memref<1x128xi32, #tpu.memory_space<vmem>>
      %dma_start3A_154 = tpu.memref_squeeze %dma_start3A_153 : memref<1x128xi32, #tpu.memory_space<vmem>> -> memref<128xi32, #tpu.memory_space<vmem>>
      %dma_start3A_155 = arith.constant 0 : i32
      %dma_start3A_156 = arith.constant 0 : i32
      %dma_start3A_157 = tpu.memref_slice %arg12[%dma_start3A_155, %dma_start3A_156] : memref<10112x64xf32, #tpu.memory_space<vmem_shared>> -> memref<10112x64xf32, #tpu.memory_space<vmem_shared>>
      tpu.enqueue_indirect_dma source(%arg8 : memref<128x64xf32, #tpu.memory_space<vmem>>) target(%dma_start3A_157 : memref<10112x64xf32, #tpu.memory_space<vmem_shared>>) offsets(%dma_start3A_154 : memref<128xi32, #tpu.memory_space<vmem>>) semaphore(%arg17 : memref<!tpu.dma_semaphore, #tpu.memory_space<semaphore_mem>>) {add = true}
      %dma_wait3A_158 = arith.constant 3 : i32
      %dma_wait3A_159 = arith.constant 0 : i32
      %dma_wait3A_160 = tpu.memref_slice %arg7[%dma_wait3A_158, %dma_wait3A_159] : memref<8x128xi32, #tpu.memory_space<vmem>> -> memref<1x128xi32, #tpu.memory_space<vmem>>
      %dma_wait3A_161 = tpu.memref_squeeze %dma_wait3A_160 : memref<1x128xi32, #tpu.memory_space<vmem>> -> memref<128xi32, #tpu.memory_space<vmem>>
      %dma_wait3A_162 = arith.constant 0 : i32
      %dma_wait3A_163 = arith.constant 0 : i32
      %dma_wait3A_164 = tpu.memref_slice %arg12[%dma_wait3A_162, %dma_wait3A_163] : memref<10112x64xf32, #tpu.memory_space<vmem_shared>> -> memref<10112x64xf32, #tpu.memory_space<vmem_shared>>
      tpu.wait_indirect_dma semaphore(%arg20 : memref<!tpu.dma_semaphore, #tpu.memory_space<semaphore_mem>>) src(%arg11 : memref<128x64xf32, #tpu.memory_space<vmem>>) dst(%dma_wait3A_164 : memref<10112x64xf32, #tpu.memory_space<vmem_shared>>)
      %dma_start3A_165 = arith.constant 896 : i32
      %dma_start3A_166 = tpu.memref_slice %arg6[%dma_start3A_165] : memref<1024xi32, #tpu.memory_space<vmem>> -> memref<128xi32, #tpu.memory_space<vmem>>
      %dma_start3A_167 = arith.constant 0 : i32
      %dma_start3A_168 = arith.constant 0 : i32
      %dma_start3A_169 = tpu.memref_slice %arg2[%dma_start3A_167, %dma_start3A_168] : memref<10000x64xf32, #tpu.memory_space<hbm>> -> memref<10000x64xf32, #tpu.memory_space<hbm>>
      tpu.enqueue_indirect_dma source(%dma_start3A_169 : memref<10000x64xf32, #tpu.memory_space<hbm>>) target(%arg11 : memref<128x64xf32, #tpu.memory_space<vmem>>) offsets(%dma_start3A_166 : memref<128xi32, #tpu.memory_space<vmem>>) semaphore(%arg16 : memref<!tpu.dma_semaphore, #tpu.memory_space<semaphore_mem>>)
      %dma_wait3A_170 = arith.constant 640 : i32
      %dma_wait3A_171 = tpu.memref_slice %arg6[%dma_wait3A_170] : memref<1024xi32, #tpu.memory_space<vmem>> -> memref<128xi32, #tpu.memory_space<vmem>>
      %dma_wait3A_172 = arith.constant 0 : i32
      %dma_wait3A_173 = arith.constant 0 : i32
      %dma_wait3A_174 = tpu.memref_slice %arg2[%dma_wait3A_172, %dma_wait3A_173] : memref<10000x64xf32, #tpu.memory_space<hbm>> -> memref<10000x64xf32, #tpu.memory_space<hbm>>
      tpu.wait_indirect_dma semaphore(%arg14 : memref<!tpu.dma_semaphore, #tpu.memory_space<semaphore_mem>>) src(%dma_wait3A_174 : memref<10000x64xf32, #tpu.memory_space<hbm>>) dst(%arg9 : memref<128x64xf32, #tpu.memory_space<vmem>>)
      %dma_start3A_175 = arith.constant 5 : i32
      %dma_start3A_176 = arith.constant 0 : i32
      %dma_start3A_177 = tpu.memref_slice %arg7[%dma_start3A_175, %dma_start3A_176] : memref<8x128xi32, #tpu.memory_space<vmem>> -> memref<1x128xi32, #tpu.memory_space<vmem>>
      %dma_start3A_178 = tpu.memref_squeeze %dma_start3A_177 : memref<1x128xi32, #tpu.memory_space<vmem>> -> memref<128xi32, #tpu.memory_space<vmem>>
      %dma_start3A_179 = arith.constant 0 : i32
      %dma_start3A_180 = arith.constant 0 : i32
      %dma_start3A_181 = tpu.memref_slice %arg12[%dma_start3A_179, %dma_start3A_180] : memref<10112x64xf32, #tpu.memory_space<vmem_shared>> -> memref<10112x64xf32, #tpu.memory_space<vmem_shared>>
      tpu.enqueue_indirect_dma source(%arg9 : memref<128x64xf32, #tpu.memory_space<vmem>>) target(%dma_start3A_181 : memref<10112x64xf32, #tpu.memory_space<vmem_shared>>) offsets(%dma_start3A_178 : memref<128xi32, #tpu.memory_space<vmem>>) semaphore(%arg18 : memref<!tpu.dma_semaphore, #tpu.memory_space<semaphore_mem>>) {add = true}
      %dma_wait3A_182 = arith.constant 768 : i32
      %dma_wait3A_183 = tpu.memref_slice %arg6[%dma_wait3A_182] : memref<1024xi32, #tpu.memory_space<vmem>> -> memref<128xi32, #tpu.memory_space<vmem>>
      %dma_wait3A_184 = arith.constant 0 : i32
      %dma_wait3A_185 = arith.constant 0 : i32
      %dma_wait3A_186 = tpu.memref_slice %arg2[%dma_wait3A_184, %dma_wait3A_185] : memref<10000x64xf32, #tpu.memory_space<hbm>> -> memref<10000x64xf32, #tpu.memory_space<hbm>>
      tpu.wait_indirect_dma semaphore(%arg15 : memref<!tpu.dma_semaphore, #tpu.memory_space<semaphore_mem>>) src(%dma_wait3A_186 : memref<10000x64xf32, #tpu.memory_space<hbm>>) dst(%arg10 : memref<128x64xf32, #tpu.memory_space<vmem>>)
      %dma_start3A_187 = arith.constant 6 : i32
      %dma_start3A_188 = arith.constant 0 : i32
      %dma_start3A_189 = tpu.memref_slice %arg7[%dma_start3A_187, %dma_start3A_188] : memref<8x128xi32, #tpu.memory_space<vmem>> -> memref<1x128xi32, #tpu.memory_space<vmem>>
      %dma_start3A_190 = tpu.memref_squeeze %dma_start3A_189 : memref<1x128xi32, #tpu.memory_space<vmem>> -> memref<128xi32, #tpu.memory_space<vmem>>
      %dma_start3A_191 = arith.constant 0 : i32
      %dma_start3A_192 = arith.constant 0 : i32
      %dma_start3A_193 = tpu.memref_slice %arg12[%dma_start3A_191, %dma_start3A_192] : memref<10112x64xf32, #tpu.memory_space<vmem_shared>> -> memref<10112x64xf32, #tpu.memory_space<vmem_shared>>
      tpu.enqueue_indirect_dma source(%arg10 : memref<128x64xf32, #tpu.memory_space<vmem>>) target(%dma_start3A_193 : memref<10112x64xf32, #tpu.memory_space<vmem_shared>>) offsets(%dma_start3A_190 : memref<128xi32, #tpu.memory_space<vmem>>) semaphore(%arg19 : memref<!tpu.dma_semaphore, #tpu.memory_space<semaphore_mem>>) {add = true}
      %dma_wait3A_194 = arith.constant 896 : i32
      %dma_wait3A_195 = tpu.memref_slice %arg6[%dma_wait3A_194] : memref<1024xi32, #tpu.memory_space<vmem>> -> memref<128xi32, #tpu.memory_space<vmem>>
      %dma_wait3A_196 = arith.constant 0 : i32
      %dma_wait3A_197 = arith.constant 0 : i32
      %dma_wait3A_198 = tpu.memref_slice %arg2[%dma_wait3A_196, %dma_wait3A_197] : memref<10000x64xf32, #tpu.memory_space<hbm>> -> memref<10000x64xf32, #tpu.memory_space<hbm>>
      tpu.wait_indirect_dma semaphore(%arg16 : memref<!tpu.dma_semaphore, #tpu.memory_space<semaphore_mem>>) src(%dma_wait3A_198 : memref<10000x64xf32, #tpu.memory_space<hbm>>) dst(%arg11 : memref<128x64xf32, #tpu.memory_space<vmem>>)
      %dma_start3A_199 = arith.constant 7 : i32
      %dma_start3A_200 = arith.constant 0 : i32
      %dma_start3A_201 = tpu.memref_slice %arg7[%dma_start3A_199, %dma_start3A_200] : memref<8x128xi32, #tpu.memory_space<vmem>> -> memref<1x128xi32, #tpu.memory_space<vmem>>
      %dma_start3A_202 = tpu.memref_squeeze %dma_start3A_201 : memref<1x128xi32, #tpu.memory_space<vmem>> -> memref<128xi32, #tpu.memory_space<vmem>>
      %dma_start3A_203 = arith.constant 0 : i32
      %dma_start3A_204 = arith.constant 0 : i32
      %dma_start3A_205 = tpu.memref_slice %arg12[%dma_start3A_203, %dma_start3A_204] : memref<10112x64xf32, #tpu.memory_space<vmem_shared>> -> memref<10112x64xf32, #tpu.memory_space<vmem_shared>>
      tpu.enqueue_indirect_dma source(%arg11 : memref<128x64xf32, #tpu.memory_space<vmem>>) target(%dma_start3A_205 : memref<10112x64xf32, #tpu.memory_space<vmem_shared>>) offsets(%dma_start3A_202 : memref<128xi32, #tpu.memory_space<vmem>>) semaphore(%arg20 : memref<!tpu.dma_semaphore, #tpu.memory_space<semaphore_mem>>) {add = true}
      %dma_wait3A_206 = arith.constant 4 : i32
      %dma_wait3A_207 = arith.constant 0 : i32
      %dma_wait3A_208 = tpu.memref_slice %arg7[%dma_wait3A_206, %dma_wait3A_207] : memref<8x128xi32, #tpu.memory_space<vmem>> -> memref<1x128xi32, #tpu.memory_space<vmem>>
      %dma_wait3A_209 = tpu.memref_squeeze %dma_wait3A_208 : memref<1x128xi32, #tpu.memory_space<vmem>> -> memref<128xi32, #tpu.memory_space<vmem>>
      %dma_wait3A_210 = arith.constant 0 : i32
      %dma_wait3A_211 = arith.constant 0 : i32
      %dma_wait3A_212 = tpu.memref_slice %arg12[%dma_wait3A_210, %dma_wait3A_211] : memref<10112x64xf32, #tpu.memory_space<vmem_shared>> -> memref<10112x64xf32, #tpu.memory_space<vmem_shared>>
      tpu.wait_indirect_dma semaphore(%arg17 : memref<!tpu.dma_semaphore, #tpu.memory_space<semaphore_mem>>) src(%arg8 : memref<128x64xf32, #tpu.memory_space<vmem>>) dst(%dma_wait3A_212 : memref<10112x64xf32, #tpu.memory_space<vmem_shared>>)
      %dma_wait3A_213 = arith.constant 5 : i32
      %dma_wait3A_214 = arith.constant 0 : i32
      %dma_wait3A_215 = tpu.memref_slice %arg7[%dma_wait3A_213, %dma_wait3A_214] : memref<8x128xi32, #tpu.memory_space<vmem>> -> memref<1x128xi32, #tpu.memory_space<vmem>>
      %dma_wait3A_216 = tpu.memref_squeeze %dma_wait3A_215 : memref<1x128xi32, #tpu.memory_space<vmem>> -> memref<128xi32, #tpu.memory_space<vmem>>
      %dma_wait3A_217 = arith.constant 0 : i32
      %dma_wait3A_218 = arith.constant 0 : i32
      %dma_wait3A_219 = tpu.memref_slice %arg12[%dma_wait3A_217, %dma_wait3A_218] : memref<10112x64xf32, #tpu.memory_space<vmem_shared>> -> memref<10112x64xf32, #tpu.memory_space<vmem_shared>>
      tpu.wait_indirect_dma semaphore(%arg18 : memref<!tpu.dma_semaphore, #tpu.memory_space<semaphore_mem>>) src(%arg9 : memref<128x64xf32, #tpu.memory_space<vmem>>) dst(%dma_wait3A_219 : memref<10112x64xf32, #tpu.memory_space<vmem_shared>>)
      %dma_wait3A_220 = arith.constant 6 : i32
      %dma_wait3A_221 = arith.constant 0 : i32
      %dma_wait3A_222 = tpu.memref_slice %arg7[%dma_wait3A_220, %dma_wait3A_221] : memref<8x128xi32, #tpu.memory_space<vmem>> -> memref<1x128xi32, #tpu.memory_space<vmem>>
      %dma_wait3A_223 = tpu.memref_squeeze %dma_wait3A_222 : memref<1x128xi32, #tpu.memory_space<vmem>> -> memref<128xi32, #tpu.memory_space<vmem>>
      %dma_wait3A_224 = arith.constant 0 : i32
      %dma_wait3A_225 = arith.constant 0 : i32
      %dma_wait3A_226 = tpu.memref_slice %arg12[%dma_wait3A_224, %dma_wait3A_225] : memref<10112x64xf32, #tpu.memory_space<vmem_shared>> -> memref<10112x64xf32, #tpu.memory_space<vmem_shared>>
      tpu.wait_indirect_dma semaphore(%arg19 : memref<!tpu.dma_semaphore, #tpu.memory_space<semaphore_mem>>) src(%arg10 : memref<128x64xf32, #tpu.memory_space<vmem>>) dst(%dma_wait3A_226 : memref<10112x64xf32, #tpu.memory_space<vmem_shared>>)
      %dma_wait3A_227 = arith.constant 7 : i32
      %dma_wait3A_228 = arith.constant 0 : i32
      %dma_wait3A_229 = tpu.memref_slice %arg7[%dma_wait3A_227, %dma_wait3A_228] : memref<8x128xi32, #tpu.memory_space<vmem>> -> memref<1x128xi32, #tpu.memory_space<vmem>>
      %dma_wait3A_230 = tpu.memref_squeeze %dma_wait3A_229 : memref<1x128xi32, #tpu.memory_space<vmem>> -> memref<128xi32, #tpu.memory_space<vmem>>
      %dma_wait3A_231 = arith.constant 0 : i32
      %dma_wait3A_232 = arith.constant 0 : i32
      %dma_wait3A_233 = tpu.memref_slice %arg12[%dma_wait3A_231, %dma_wait3A_232] : memref<10112x64xf32, #tpu.memory_space<vmem_shared>> -> memref<10112x64xf32, #tpu.memory_space<vmem_shared>>
      tpu.wait_indirect_dma semaphore(%arg20 : memref<!tpu.dma_semaphore, #tpu.memory_space<semaphore_mem>>) src(%arg11 : memref<128x64xf32, #tpu.memory_space<vmem>>) dst(%dma_wait3A_233 : memref<10112x64xf32, #tpu.memory_space<vmem_shared>>)
    }
    %while3A_36 = arith.constant 1 : i32
    scf.for %while3A_38 = %while3A_34 to %while3A_30 step %while3A_36  : i32 {
      %mul3A_39 = arith.constant 8 : i32
      %mul3A_40 = arith.muli %while3A_38, %mul3A_39 : i32
      %add3A_41 = arith.addi %select_n3A, %mul3A_40 : i32
      %mul3A_42 = arith.constant 128 : i32
      %mul3A_43 = arith.muli %add3A_41, %mul3A_42 : i32
      "tpu.region"() ({
        %run_scoped3A = tpu.sem_alloc : memref<!tpu.dma_semaphore, #tpu.memory_space<semaphore_mem>>
        %dma_start3A_234 = tpu.memref_slice %arg3[%mul3A_43] : memref<327680xi32, #tpu.memory_space<hbm>> -> memref<1024xi32, #tpu.memory_space<hbm>>
        %dma_start3A_235 = tpu.memref_slice %arg3[%mul3A_43] : memref<327680xi32, #tpu.memory_space<hbm>> -> memref<1024xi32, #tpu.memory_space<hbm>>
        tpu.enqueue_dma source(%dma_start3A_235 : memref<1024xi32, #tpu.memory_space<hbm>>) target(%arg6 : memref<1024xi32, #tpu.memory_space<vmem>>) target_semaphore(%run_scoped3A : memref<!tpu.dma_semaphore, #tpu.memory_space<semaphore_mem>>)
        %dma_wait3A_236 = tpu.memref_slice %arg3[%mul3A_43] : memref<327680xi32, #tpu.memory_space<hbm>> -> memref<1024xi32, #tpu.memory_space<hbm>>
        %dma_wait3A_237 = tpu.memref_slice %arg3[%mul3A_43] : memref<327680xi32, #tpu.memory_space<hbm>> -> memref<1024xi32, #tpu.memory_space<hbm>>
        tpu.wait_dma2 semaphore(%run_scoped3A : memref<!tpu.dma_semaphore, #tpu.memory_space<semaphore_mem>>) src(%dma_wait3A_237 : memref<1024xi32, #tpu.memory_space<hbm>>) dst(%arg6 : memref<1024xi32, #tpu.memory_space<vmem>>)
        tpu.yield
      }) : () -> ()
      "tpu.region"() ({
        %run_scoped3A = tpu.sem_alloc : memref<!tpu.dma_semaphore, #tpu.memory_space<semaphore_mem>>
        %dma_start3A_234 = arith.constant 0 : i32
        %dma_start3A_235 = tpu.memref_slice %arg4[%add3A_41, %dma_start3A_234] : memref<2560x128xi32, #tpu.memory_space<hbm>> -> memref<8x128xi32, #tpu.memory_space<hbm>>
        %dma_start3A_236 = arith.constant 0 : i32
        %dma_start3A_237 = tpu.memref_slice %arg4[%add3A_41, %dma_start3A_236] : memref<2560x128xi32, #tpu.memory_space<hbm>> -> memref<8x128xi32, #tpu.memory_space<hbm>>
        tpu.enqueue_dma source(%dma_start3A_237 : memref<8x128xi32, #tpu.memory_space<hbm>>) target(%arg7 : memref<8x128xi32, #tpu.memory_space<vmem>>) target_semaphore(%run_scoped3A : memref<!tpu.dma_semaphore, #tpu.memory_space<semaphore_mem>>)
        %dma_wait3A_238 = arith.constant 0 : i32
        %dma_wait3A_239 = tpu.memref_slice %arg4[%add3A_41, %dma_wait3A_238] : memref<2560x128xi32, #tpu.memory_space<hbm>> -> memref<8x128xi32, #tpu.memory_space<hbm>>
        %dma_wait3A_240 = arith.constant 0 : i32
        %dma_wait3A_241 = tpu.memref_slice %arg4[%add3A_41, %dma_wait3A_240] : memref<2560x128xi32, #tpu.memory_space<hbm>> -> memref<8x128xi32, #tpu.memory_space<hbm>>
        tpu.wait_dma2 semaphore(%run_scoped3A : memref<!tpu.dma_semaphore, #tpu.memory_space<semaphore_mem>>) src(%dma_wait3A_241 : memref<8x128xi32, #tpu.memory_space<hbm>>) dst(%arg7 : memref<8x128xi32, #tpu.memory_space<vmem>>)
        tpu.yield
      }) : () -> ()
      %dma_start3A = arith.constant 0 : i32
      %dma_start3A_44 = tpu.memref_slice %arg6[%dma_start3A] : memref<1024xi32, #tpu.memory_space<vmem>> -> memref<128xi32, #tpu.memory_space<vmem>>
      %dma_start3A_45 = arith.constant 0 : i32
      %dma_start3A_46 = arith.constant 0 : i32
      %dma_start3A_47 = tpu.memref_slice %arg2[%dma_start3A_45, %dma_start3A_46] : memref<10000x64xf32, #tpu.memory_space<hbm>> -> memref<10000x64xf32, #tpu.memory_space<hbm>>
      tpu.enqueue_indirect_dma source(%dma_start3A_47 : memref<10000x64xf32, #tpu.memory_space<hbm>>) target(%arg8 : memref<128x64xf32, #tpu.memory_space<vmem>>) offsets(%dma_start3A_44 : memref<128xi32, #tpu.memory_space<vmem>>) semaphore(%arg13 : memref<!tpu.dma_semaphore, #tpu.memory_space<semaphore_mem>>)
      %dma_start3A_48 = arith.constant 128 : i32
      %dma_start3A_49 = tpu.memref_slice %arg6[%dma_start3A_48] : memref<1024xi32, #tpu.memory_space<vmem>> -> memref<128xi32, #tpu.memory_space<vmem>>
      %dma_start3A_50 = arith.constant 0 : i32
      %dma_start3A_51 = arith.constant 0 : i32
      %dma_start3A_52 = tpu.memref_slice %arg2[%dma_start3A_50, %dma_start3A_51] : memref<10000x64xf32, #tpu.memory_space<hbm>> -> memref<10000x64xf32, #tpu.memory_space<hbm>>
      tpu.enqueue_indirect_dma source(%dma_start3A_52 : memref<10000x64xf32, #tpu.memory_space<hbm>>) target(%arg9 : memref<128x64xf32, #tpu.memory_space<vmem>>) offsets(%dma_start3A_49 : memref<128xi32, #tpu.memory_space<vmem>>) semaphore(%arg14 : memref<!tpu.dma_semaphore, #tpu.memory_space<semaphore_mem>>)
      %dma_start3A_53 = arith.constant 256 : i32
      %dma_start3A_54 = tpu.memref_slice %arg6[%dma_start3A_53] : memref<1024xi32, #tpu.memory_space<vmem>> -> memref<128xi32, #tpu.memory_space<vmem>>
      %dma_start3A_55 = arith.constant 0 : i32
      %dma_start3A_56 = arith.constant 0 : i32
      %dma_start3A_57 = tpu.memref_slice %arg2[%dma_start3A_55, %dma_start3A_56] : memref<10000x64xf32, #tpu.memory_space<hbm>> -> memref<10000x64xf32, #tpu.memory_space<hbm>>
      tpu.enqueue_indirect_dma source(%dma_start3A_57 : memref<10000x64xf32, #tpu.memory_space<hbm>>) target(%arg10 : memref<128x64xf32, #tpu.memory_space<vmem>>) offsets(%dma_start3A_54 : memref<128xi32, #tpu.memory_space<vmem>>) semaphore(%arg15 : memref<!tpu.dma_semaphore, #tpu.memory_space<semaphore_mem>>)
      %dma_wait3A = arith.constant 0 : i32
      %dma_wait3A_58 = tpu.memref_slice %arg6[%dma_wait3A] : memref<1024xi32, #tpu.memory_space<vmem>> -> memref<128xi32, #tpu.memory_space<vmem>>
      %dma_wait3A_59 = arith.constant 0 : i32
      %dma_wait3A_60 = arith.constant 0 : i32
      %dma_wait3A_61 = tpu.memref_slice %arg2[%dma_wait3A_59, %dma_wait3A_60] : memref<10000x64xf32, #tpu.memory_space<hbm>> -> memref<10000x64xf32, #tpu.memory_space<hbm>>
      tpu.wait_indirect_dma semaphore(%arg13 : memref<!tpu.dma_semaphore, #tpu.memory_space<semaphore_mem>>) src(%dma_wait3A_61 : memref<10000x64xf32, #tpu.memory_space<hbm>>) dst(%arg8 : memref<128x64xf32, #tpu.memory_space<vmem>>)
      %dma_start3A_62 = arith.constant 0 : i32
      %dma_start3A_63 = arith.constant 0 : i32
      %dma_start3A_64 = tpu.memref_slice %arg7[%dma_start3A_62, %dma_start3A_63] : memref<8x128xi32, #tpu.memory_space<vmem>> -> memref<1x128xi32, #tpu.memory_space<vmem>>
      %dma_start3A_65 = tpu.memref_squeeze %dma_start3A_64 : memref<1x128xi32, #tpu.memory_space<vmem>> -> memref<128xi32, #tpu.memory_space<vmem>>
      %dma_start3A_66 = arith.constant 0 : i32
      %dma_start3A_67 = arith.constant 0 : i32
      %dma_start3A_68 = tpu.memref_slice %arg12[%dma_start3A_66, %dma_start3A_67] : memref<10112x64xf32, #tpu.memory_space<vmem_shared>> -> memref<10112x64xf32, #tpu.memory_space<vmem_shared>>
      tpu.enqueue_indirect_dma source(%arg8 : memref<128x64xf32, #tpu.memory_space<vmem>>) target(%dma_start3A_68 : memref<10112x64xf32, #tpu.memory_space<vmem_shared>>) offsets(%dma_start3A_65 : memref<128xi32, #tpu.memory_space<vmem>>) semaphore(%arg17 : memref<!tpu.dma_semaphore, #tpu.memory_space<semaphore_mem>>) {add = true}
      %dma_start3A_69 = arith.constant 384 : i32
      %dma_start3A_70 = tpu.memref_slice %arg6[%dma_start3A_69] : memref<1024xi32, #tpu.memory_space<vmem>> -> memref<128xi32, #tpu.memory_space<vmem>>
      %dma_start3A_71 = arith.constant 0 : i32
      %dma_start3A_72 = arith.constant 0 : i32
      %dma_start3A_73 = tpu.memref_slice %arg2[%dma_start3A_71, %dma_start3A_72] : memref<10000x64xf32, #tpu.memory_space<hbm>> -> memref<10000x64xf32, #tpu.memory_space<hbm>>
      tpu.enqueue_indirect_dma source(%dma_start3A_73 : memref<10000x64xf32, #tpu.memory_space<hbm>>) target(%arg11 : memref<128x64xf32, #tpu.memory_space<vmem>>) offsets(%dma_start3A_70 : memref<128xi32, #tpu.memory_space<vmem>>) semaphore(%arg16 : memref<!tpu.dma_semaphore, #tpu.memory_space<semaphore_mem>>)
      %dma_wait3A_74 = arith.constant 128 : i32
      %dma_wait3A_75 = tpu.memref_slice %arg6[%dma_wait3A_74] : memref<1024xi32, #tpu.memory_space<vmem>> -> memref<128xi32, #tpu.memory_space<vmem>>
      %dma_wait3A_76 = arith.constant 0 : i32
      %dma_wait3A_77 = arith.constant 0 : i32
      %dma_wait3A_78 = tpu.memref_slice %arg2[%dma_wait3A_76, %dma_wait3A_77] : memref<10000x64xf32, #tpu.memory_space<hbm>> -> memref<10000x64xf32, #tpu.memory_space<hbm>>
      tpu.wait_indirect_dma semaphore(%arg14 : memref<!tpu.dma_semaphore, #tpu.memory_space<semaphore_mem>>) src(%dma_wait3A_78 : memref<10000x64xf32, #tpu.memory_space<hbm>>) dst(%arg9 : memref<128x64xf32, #tpu.memory_space<vmem>>)
      %dma_start3A_79 = arith.constant 1 : i32
      %dma_start3A_80 = arith.constant 0 : i32
      %dma_start3A_81 = tpu.memref_slice %arg7[%dma_start3A_79, %dma_start3A_80] : memref<8x128xi32, #tpu.memory_space<vmem>> -> memref<1x128xi32, #tpu.memory_space<vmem>>
      %dma_start3A_82 = tpu.memref_squeeze %dma_start3A_81 : memref<1x128xi32, #tpu.memory_space<vmem>> -> memref<128xi32, #tpu.memory_space<vmem>>
      %dma_start3A_83 = arith.constant 0 : i32
      %dma_start3A_84 = arith.constant 0 : i32
      %dma_start3A_85 = tpu.memref_slice %arg12[%dma_start3A_83, %dma_start3A_84] : memref<10112x64xf32, #tpu.memory_space<vmem_shared>> -> memref<10112x64xf32, #tpu.memory_space<vmem_shared>>
      tpu.enqueue_indirect_dma source(%arg9 : memref<128x64xf32, #tpu.memory_space<vmem>>) target(%dma_start3A_85 : memref<10112x64xf32, #tpu.memory_space<vmem_shared>>) offsets(%dma_start3A_82 : memref<128xi32, #tpu.memory_space<vmem>>) semaphore(%arg18 : memref<!tpu.dma_semaphore, #tpu.memory_space<semaphore_mem>>) {add = true}
      %dma_wait3A_86 = arith.constant 0 : i32
      %dma_wait3A_87 = arith.constant 0 : i32
      %dma_wait3A_88 = tpu.memref_slice %arg7[%dma_wait3A_86, %dma_wait3A_87] : memref<8x128xi32, #tpu.memory_space<vmem>> -> memref<1x128xi32, #tpu.memory_space<vmem>>
      %dma_wait3A_89 = tpu.memref_squeeze %dma_wait3A_88 : memref<1x128xi32, #tpu.memory_space<vmem>> -> memref<128xi32, #tpu.memory_space<vmem>>
      %dma_wait3A_90 = arith.constant 0 : i32
      %dma_wait3A_91 = arith.constant 0 : i32
      %dma_wait3A_92 = tpu.memref_slice %arg12[%dma_wait3A_90, %dma_wait3A_91] : memref<10112x64xf32, #tpu.memory_space<vmem_shared>> -> memref<10112x64xf32, #tpu.memory_space<vmem_shared>>
      tpu.wait_indirect_dma semaphore(%arg17 : memref<!tpu.dma_semaphore, #tpu.memory_space<semaphore_mem>>) src(%arg8 : memref<128x64xf32, #tpu.memory_space<vmem>>) dst(%dma_wait3A_92 : memref<10112x64xf32, #tpu.memory_space<vmem_shared>>)
      %dma_start3A_93 = arith.constant 512 : i32
      %dma_start3A_94 = tpu.memref_slice %arg6[%dma_start3A_93] : memref<1024xi32, #tpu.memory_space<vmem>> -> memref<128xi32, #tpu.memory_space<vmem>>
      %dma_start3A_95 = arith.constant 0 : i32
      %dma_start3A_96 = arith.constant 0 : i32
      %dma_start3A_97 = tpu.memref_slice %arg2[%dma_start3A_95, %dma_start3A_96] : memref<10000x64xf32, #tpu.memory_space<hbm>> -> memref<10000x64xf32, #tpu.memory_space<hbm>>
      tpu.enqueue_indirect_dma source(%dma_start3A_97 : memref<10000x64xf32, #tpu.memory_space<hbm>>) target(%arg8 : memref<128x64xf32, #tpu.memory_space<vmem>>) offsets(%dma_start3A_94 : memref<128xi32, #tpu.memory_space<vmem>>) semaphore(%arg13 : memref<!tpu.dma_semaphore, #tpu.memory_space<semaphore_mem>>)
      %dma_wait3A_98 = arith.constant 256 : i32
      %dma_wait3A_99 = tpu.memref_slice %arg6[%dma_wait3A_98] : memref<1024xi32, #tpu.memory_space<vmem>> -> memref<128xi32, #tpu.memory_space<vmem>>
      %dma_wait3A_100 = arith.constant 0 : i32
      %dma_wait3A_101 = arith.constant 0 : i32
      %dma_wait3A_102 = tpu.memref_slice %arg2[%dma_wait3A_100, %dma_wait3A_101] : memref<10000x64xf32, #tpu.memory_space<hbm>> -> memref<10000x64xf32, #tpu.memory_space<hbm>>
      tpu.wait_indirect_dma semaphore(%arg15 : memref<!tpu.dma_semaphore, #tpu.memory_space<semaphore_mem>>) src(%dma_wait3A_102 : memref<10000x64xf32, #tpu.memory_space<hbm>>) dst(%arg10 : memref<128x64xf32, #tpu.memory_space<vmem>>)
      %dma_start3A_103 = arith.constant 2 : i32
      %dma_start3A_104 = arith.constant 0 : i32
      %dma_start3A_105 = tpu.memref_slice %arg7[%dma_start3A_103, %dma_start3A_104] : memref<8x128xi32, #tpu.memory_space<vmem>> -> memref<1x128xi32, #tpu.memory_space<vmem>>
      %dma_start3A_106 = tpu.memref_squeeze %dma_start3A_105 : memref<1x128xi32, #tpu.memory_space<vmem>> -> memref<128xi32, #tpu.memory_space<vmem>>
      %dma_start3A_107 = arith.constant 0 : i32
      %dma_start3A_108 = arith.constant 0 : i32
      %dma_start3A_109 = tpu.memref_slice %arg12[%dma_start3A_107, %dma_start3A_108] : memref<10112x64xf32, #tpu.memory_space<vmem_shared>> -> memref<10112x64xf32, #tpu.memory_space<vmem_shared>>
      tpu.enqueue_indirect_dma source(%arg10 : memref<128x64xf32, #tpu.memory_space<vmem>>) target(%dma_start3A_109 : memref<10112x64xf32, #tpu.memory_space<vmem_shared>>) offsets(%dma_start3A_106 : memref<128xi32, #tpu.memory_space<vmem>>) semaphore(%arg19 : memref<!tpu.dma_semaphore, #tpu.memory_space<semaphore_mem>>) {add = true}
      %dma_wait3A_110 = arith.constant 1 : i32
      %dma_wait3A_111 = arith.constant 0 : i32
      %dma_wait3A_112 = tpu.memref_slice %arg7[%dma_wait3A_110, %dma_wait3A_111] : memref<8x128xi32, #tpu.memory_space<vmem>> -> memref<1x128xi32, #tpu.memory_space<vmem>>
      %dma_wait3A_113 = tpu.memref_squeeze %dma_wait3A_112 : memref<1x128xi32, #tpu.memory_space<vmem>> -> memref<128xi32, #tpu.memory_space<vmem>>
      %dma_wait3A_114 = arith.constant 0 : i32
      %dma_wait3A_115 = arith.constant 0 : i32
      %dma_wait3A_116 = tpu.memref_slice %arg12[%dma_wait3A_114, %dma_wait3A_115] : memref<10112x64xf32, #tpu.memory_space<vmem_shared>> -> memref<10112x64xf32, #tpu.memory_space<vmem_shared>>
      tpu.wait_indirect_dma semaphore(%arg18 : memref<!tpu.dma_semaphore, #tpu.memory_space<semaphore_mem>>) src(%arg9 : memref<128x64xf32, #tpu.memory_space<vmem>>) dst(%dma_wait3A_116 : memref<10112x64xf32, #tpu.memory_space<vmem_shared>>)
      %dma_start3A_117 = arith.constant 640 : i32
      %dma_start3A_118 = tpu.memref_slice %arg6[%dma_start3A_117] : memref<1024xi32, #tpu.memory_space<vmem>> -> memref<128xi32, #tpu.memory_space<vmem>>
      %dma_start3A_119 = arith.constant 0 : i32
      %dma_start3A_120 = arith.constant 0 : i32
      %dma_start3A_121 = tpu.memref_slice %arg2[%dma_start3A_119, %dma_start3A_120] : memref<10000x64xf32, #tpu.memory_space<hbm>> -> memref<10000x64xf32, #tpu.memory_space<hbm>>
      tpu.enqueue_indirect_dma source(%dma_start3A_121 : memref<10000x64xf32, #tpu.memory_space<hbm>>) target(%arg9 : memref<128x64xf32, #tpu.memory_space<vmem>>) offsets(%dma_start3A_118 : memref<128xi32, #tpu.memory_space<vmem>>) semaphore(%arg14 : memref<!tpu.dma_semaphore, #tpu.memory_space<semaphore_mem>>)
      %dma_wait3A_122 = arith.constant 384 : i32
      %dma_wait3A_123 = tpu.memref_slice %arg6[%dma_wait3A_122] : memref<1024xi32, #tpu.memory_space<vmem>> -> memref<128xi32, #tpu.memory_space<vmem>>
      %dma_wait3A_124 = arith.constant 0 : i32
      %dma_wait3A_125 = arith.constant 0 : i32
      %dma_wait3A_126 = tpu.memref_slice %arg2[%dma_wait3A_124, %dma_wait3A_125] : memref<10000x64xf32, #tpu.memory_space<hbm>> -> memref<10000x64xf32, #tpu.memory_space<hbm>>
      tpu.wait_indirect_dma semaphore(%arg16 : memref<!tpu.dma_semaphore, #tpu.memory_space<semaphore_mem>>) src(%dma_wait3A_126 : memref<10000x64xf32, #tpu.memory_space<hbm>>) dst(%arg11 : memref<128x64xf32, #tpu.memory_space<vmem>>)
      %dma_start3A_127 = arith.constant 3 : i32
      %dma_start3A_128 = arith.constant 0 : i32
      %dma_start3A_129 = tpu.memref_slice %arg7[%dma_start3A_127, %dma_start3A_128] : memref<8x128xi32, #tpu.memory_space<vmem>> -> memref<1x128xi32, #tpu.memory_space<vmem>>
      %dma_start3A_130 = tpu.memref_squeeze %dma_start3A_129 : memref<1x128xi32, #tpu.memory_space<vmem>> -> memref<128xi32, #tpu.memory_space<vmem>>
      %dma_start3A_131 = arith.constant 0 : i32
      %dma_start3A_132 = arith.constant 0 : i32
      %dma_start3A_133 = tpu.memref_slice %arg12[%dma_start3A_131, %dma_start3A_132] : memref<10112x64xf32, #tpu.memory_space<vmem_shared>> -> memref<10112x64xf32, #tpu.memory_space<vmem_shared>>
      tpu.enqueue_indirect_dma source(%arg11 : memref<128x64xf32, #tpu.memory_space<vmem>>) target(%dma_start3A_133 : memref<10112x64xf32, #tpu.memory_space<vmem_shared>>) offsets(%dma_start3A_130 : memref<128xi32, #tpu.memory_space<vmem>>) semaphore(%arg20 : memref<!tpu.dma_semaphore, #tpu.memory_space<semaphore_mem>>) {add = true}
      %dma_wait3A_134 = arith.constant 2 : i32
      %dma_wait3A_135 = arith.constant 0 : i32
      %dma_wait3A_136 = tpu.memref_slice %arg7[%dma_wait3A_134, %dma_wait3A_135] : memref<8x128xi32, #tpu.memory_space<vmem>> -> memref<1x128xi32, #tpu.memory_space<vmem>>
      %dma_wait3A_137 = tpu.memref_squeeze %dma_wait3A_136 : memref<1x128xi32, #tpu.memory_space<vmem>> -> memref<128xi32, #tpu.memory_space<vmem>>
      %dma_wait3A_138 = arith.constant 0 : i32
      %dma_wait3A_139 = arith.constant 0 : i32
      %dma_wait3A_140 = tpu.memref_slice %arg12[%dma_wait3A_138, %dma_wait3A_139] : memref<10112x64xf32, #tpu.memory_space<vmem_shared>> -> memref<10112x64xf32, #tpu.memory_space<vmem_shared>>
      tpu.wait_indirect_dma semaphore(%arg19 : memref<!tpu.dma_semaphore, #tpu.memory_space<semaphore_mem>>) src(%arg10 : memref<128x64xf32, #tpu.memory_space<vmem>>) dst(%dma_wait3A_140 : memref<10112x64xf32, #tpu.memory_space<vmem_shared>>)
      %dma_start3A_141 = arith.constant 768 : i32
      %dma_start3A_142 = tpu.memref_slice %arg6[%dma_start3A_141] : memref<1024xi32, #tpu.memory_space<vmem>> -> memref<128xi32, #tpu.memory_space<vmem>>
      %dma_start3A_143 = arith.constant 0 : i32
      %dma_start3A_144 = arith.constant 0 : i32
      %dma_start3A_145 = tpu.memref_slice %arg2[%dma_start3A_143, %dma_start3A_144] : memref<10000x64xf32, #tpu.memory_space<hbm>> -> memref<10000x64xf32, #tpu.memory_space<hbm>>
      tpu.enqueue_indirect_dma source(%dma_start3A_145 : memref<10000x64xf32, #tpu.memory_space<hbm>>) target(%arg10 : memref<128x64xf32, #tpu.memory_space<vmem>>) offsets(%dma_start3A_142 : memref<128xi32, #tpu.memory_space<vmem>>) semaphore(%arg15 : memref<!tpu.dma_semaphore, #tpu.memory_space<semaphore_mem>>)
      %dma_wait3A_146 = arith.constant 512 : i32
      %dma_wait3A_147 = tpu.memref_slice %arg6[%dma_wait3A_146] : memref<1024xi32, #tpu.memory_space<vmem>> -> memref<128xi32, #tpu.memory_space<vmem>>
      %dma_wait3A_148 = arith.constant 0 : i32
      %dma_wait3A_149 = arith.constant 0 : i32
      %dma_wait3A_150 = tpu.memref_slice %arg2[%dma_wait3A_148, %dma_wait3A_149] : memref<10000x64xf32, #tpu.memory_space<hbm>> -> memref<10000x64xf32, #tpu.memory_space<hbm>>
      tpu.wait_indirect_dma semaphore(%arg13 : memref<!tpu.dma_semaphore, #tpu.memory_space<semaphore_mem>>) src(%dma_wait3A_150 : memref<10000x64xf32, #tpu.memory_space<hbm>>) dst(%arg8 : memref<128x64xf32, #tpu.memory_space<vmem>>)
      %dma_start3A_151 = arith.constant 4 : i32
      %dma_start3A_152 = arith.constant 0 : i32
      %dma_start3A_153 = tpu.memref_slice %arg7[%dma_start3A_151, %dma_start3A_152] : memref<8x128xi32, #tpu.memory_space<vmem>> -> memref<1x128xi32, #tpu.memory_space<vmem>>
      %dma_start3A_154 = tpu.memref_squeeze %dma_start3A_153 : memref<1x128xi32, #tpu.memory_space<vmem>> -> memref<128xi32, #tpu.memory_space<vmem>>
      %dma_start3A_155 = arith.constant 0 : i32
      %dma_start3A_156 = arith.constant 0 : i32
      %dma_start3A_157 = tpu.memref_slice %arg12[%dma_start3A_155, %dma_start3A_156] : memref<10112x64xf32, #tpu.memory_space<vmem_shared>> -> memref<10112x64xf32, #tpu.memory_space<vmem_shared>>
      tpu.enqueue_indirect_dma source(%arg8 : memref<128x64xf32, #tpu.memory_space<vmem>>) target(%dma_start3A_157 : memref<10112x64xf32, #tpu.memory_space<vmem_shared>>) offsets(%dma_start3A_154 : memref<128xi32, #tpu.memory_space<vmem>>) semaphore(%arg17 : memref<!tpu.dma_semaphore, #tpu.memory_space<semaphore_mem>>) {add = true}
      %dma_wait3A_158 = arith.constant 3 : i32
      %dma_wait3A_159 = arith.constant 0 : i32
      %dma_wait3A_160 = tpu.memref_slice %arg7[%dma_wait3A_158, %dma_wait3A_159] : memref<8x128xi32, #tpu.memory_space<vmem>> -> memref<1x128xi32, #tpu.memory_space<vmem>>
      %dma_wait3A_161 = tpu.memref_squeeze %dma_wait3A_160 : memref<1x128xi32, #tpu.memory_space<vmem>> -> memref<128xi32, #tpu.memory_space<vmem>>
      %dma_wait3A_162 = arith.constant 0 : i32
      %dma_wait3A_163 = arith.constant 0 : i32
      %dma_wait3A_164 = tpu.memref_slice %arg12[%dma_wait3A_162, %dma_wait3A_163] : memref<10112x64xf32, #tpu.memory_space<vmem_shared>> -> memref<10112x64xf32, #tpu.memory_space<vmem_shared>>
      tpu.wait_indirect_dma semaphore(%arg20 : memref<!tpu.dma_semaphore, #tpu.memory_space<semaphore_mem>>) src(%arg11 : memref<128x64xf32, #tpu.memory_space<vmem>>) dst(%dma_wait3A_164 : memref<10112x64xf32, #tpu.memory_space<vmem_shared>>)
      %dma_start3A_165 = arith.constant 896 : i32
      %dma_start3A_166 = tpu.memref_slice %arg6[%dma_start3A_165] : memref<1024xi32, #tpu.memory_space<vmem>> -> memref<128xi32, #tpu.memory_space<vmem>>
      %dma_start3A_167 = arith.constant 0 : i32
      %dma_start3A_168 = arith.constant 0 : i32
      %dma_start3A_169 = tpu.memref_slice %arg2[%dma_start3A_167, %dma_start3A_168] : memref<10000x64xf32, #tpu.memory_space<hbm>> -> memref<10000x64xf32, #tpu.memory_space<hbm>>
      tpu.enqueue_indirect_dma source(%dma_start3A_169 : memref<10000x64xf32, #tpu.memory_space<hbm>>) target(%arg11 : memref<128x64xf32, #tpu.memory_space<vmem>>) offsets(%dma_start3A_166 : memref<128xi32, #tpu.memory_space<vmem>>) semaphore(%arg16 : memref<!tpu.dma_semaphore, #tpu.memory_space<semaphore_mem>>)
      %dma_wait3A_170 = arith.constant 640 : i32
      %dma_wait3A_171 = tpu.memref_slice %arg6[%dma_wait3A_170] : memref<1024xi32, #tpu.memory_space<vmem>> -> memref<128xi32, #tpu.memory_space<vmem>>
      %dma_wait3A_172 = arith.constant 0 : i32
      %dma_wait3A_173 = arith.constant 0 : i32
      %dma_wait3A_174 = tpu.memref_slice %arg2[%dma_wait3A_172, %dma_wait3A_173] : memref<10000x64xf32, #tpu.memory_space<hbm>> -> memref<10000x64xf32, #tpu.memory_space<hbm>>
      tpu.wait_indirect_dma semaphore(%arg14 : memref<!tpu.dma_semaphore, #tpu.memory_space<semaphore_mem>>) src(%dma_wait3A_174 : memref<10000x64xf32, #tpu.memory_space<hbm>>) dst(%arg9 : memref<128x64xf32, #tpu.memory_space<vmem>>)
      %dma_start3A_175 = arith.constant 5 : i32
      %dma_start3A_176 = arith.constant 0 : i32
      %dma_start3A_177 = tpu.memref_slice %arg7[%dma_start3A_175, %dma_start3A_176] : memref<8x128xi32, #tpu.memory_space<vmem>> -> memref<1x128xi32, #tpu.memory_space<vmem>>
      %dma_start3A_178 = tpu.memref_squeeze %dma_start3A_177 : memref<1x128xi32, #tpu.memory_space<vmem>> -> memref<128xi32, #tpu.memory_space<vmem>>
      %dma_start3A_179 = arith.constant 0 : i32
      %dma_start3A_180 = arith.constant 0 : i32
      %dma_start3A_181 = tpu.memref_slice %arg12[%dma_start3A_179, %dma_start3A_180] : memref<10112x64xf32, #tpu.memory_space<vmem_shared>> -> memref<10112x64xf32, #tpu.memory_space<vmem_shared>>
      tpu.enqueue_indirect_dma source(%arg9 : memref<128x64xf32, #tpu.memory_space<vmem>>) target(%dma_start3A_181 : memref<10112x64xf32, #tpu.memory_space<vmem_shared>>) offsets(%dma_start3A_178 : memref<128xi32, #tpu.memory_space<vmem>>) semaphore(%arg18 : memref<!tpu.dma_semaphore, #tpu.memory_space<semaphore_mem>>) {add = true}
      %dma_wait3A_182 = arith.constant 768 : i32
      %dma_wait3A_183 = tpu.memref_slice %arg6[%dma_wait3A_182] : memref<1024xi32, #tpu.memory_space<vmem>> -> memref<128xi32, #tpu.memory_space<vmem>>
      %dma_wait3A_184 = arith.constant 0 : i32
      %dma_wait3A_185 = arith.constant 0 : i32
      %dma_wait3A_186 = tpu.memref_slice %arg2[%dma_wait3A_184, %dma_wait3A_185] : memref<10000x64xf32, #tpu.memory_space<hbm>> -> memref<10000x64xf32, #tpu.memory_space<hbm>>
      tpu.wait_indirect_dma semaphore(%arg15 : memref<!tpu.dma_semaphore, #tpu.memory_space<semaphore_mem>>) src(%dma_wait3A_186 : memref<10000x64xf32, #tpu.memory_space<hbm>>) dst(%arg10 : memref<128x64xf32, #tpu.memory_space<vmem>>)
      %dma_start3A_187 = arith.constant 6 : i32
      %dma_start3A_188 = arith.constant 0 : i32
      %dma_start3A_189 = tpu.memref_slice %arg7[%dma_start3A_187, %dma_start3A_188] : memref<8x128xi32, #tpu.memory_space<vmem>> -> memref<1x128xi32, #tpu.memory_space<vmem>>
      %dma_start3A_190 = tpu.memref_squeeze %dma_start3A_189 : memref<1x128xi32, #tpu.memory_space<vmem>> -> memref<128xi32, #tpu.memory_space<vmem>>
      %dma_start3A_191 = arith.constant 0 : i32
      %dma_start3A_192 = arith.constant 0 : i32
      %dma_start3A_193 = tpu.memref_slice %arg12[%dma_start3A_191, %dma_start3A_192] : memref<10112x64xf32, #tpu.memory_space<vmem_shared>> -> memref<10112x64xf32, #tpu.memory_space<vmem_shared>>
      tpu.enqueue_indirect_dma source(%arg10 : memref<128x64xf32, #tpu.memory_space<vmem>>) target(%dma_start3A_193 : memref<10112x64xf32, #tpu.memory_space<vmem_shared>>) offsets(%dma_start3A_190 : memref<128xi32, #tpu.memory_space<vmem>>) semaphore(%arg19 : memref<!tpu.dma_semaphore, #tpu.memory_space<semaphore_mem>>) {add = true}
      %dma_wait3A_194 = arith.constant 896 : i32
      %dma_wait3A_195 = tpu.memref_slice %arg6[%dma_wait3A_194] : memref<1024xi32, #tpu.memory_space<vmem>> -> memref<128xi32, #tpu.memory_space<vmem>>
      %dma_wait3A_196 = arith.constant 0 : i32
      %dma_wait3A_197 = arith.constant 0 : i32
      %dma_wait3A_198 = tpu.memref_slice %arg2[%dma_wait3A_196, %dma_wait3A_197] : memref<10000x64xf32, #tpu.memory_space<hbm>> -> memref<10000x64xf32, #tpu.memory_space<hbm>>
      tpu.wait_indirect_dma semaphore(%arg16 : memref<!tpu.dma_semaphore, #tpu.memory_space<semaphore_mem>>) src(%dma_wait3A_198 : memref<10000x64xf32, #tpu.memory_space<hbm>>) dst(%arg11 : memref<128x64xf32, #tpu.memory_space<vmem>>)
      %dma_start3A_199 = arith.constant 7 : i32
      %dma_start3A_200 = arith.constant 0 : i32
      %dma_start3A_201 = tpu.memref_slice %arg7[%dma_start3A_199, %dma_start3A_200] : memref<8x128xi32, #tpu.memory_space<vmem>> -> memref<1x128xi32, #tpu.memory_space<vmem>>
      %dma_start3A_202 = tpu.memref_squeeze %dma_start3A_201 : memref<1x128xi32, #tpu.memory_space<vmem>> -> memref<128xi32, #tpu.memory_space<vmem>>
      %dma_start3A_203 = arith.constant 0 : i32
      %dma_start3A_204 = arith.constant 0 : i32
      %dma_start3A_205 = tpu.memref_slice %arg12[%dma_start3A_203, %dma_start3A_204] : memref<10112x64xf32, #tpu.memory_space<vmem_shared>> -> memref<10112x64xf32, #tpu.memory_space<vmem_shared>>
      tpu.enqueue_indirect_dma source(%arg11 : memref<128x64xf32, #tpu.memory_space<vmem>>) target(%dma_start3A_205 : memref<10112x64xf32, #tpu.memory_space<vmem_shared>>) offsets(%dma_start3A_202 : memref<128xi32, #tpu.memory_space<vmem>>) semaphore(%arg20 : memref<!tpu.dma_semaphore, #tpu.memory_space<semaphore_mem>>) {add = true}
      %dma_wait3A_206 = arith.constant 4 : i32
      %dma_wait3A_207 = arith.constant 0 : i32
      %dma_wait3A_208 = tpu.memref_slice %arg7[%dma_wait3A_206, %dma_wait3A_207] : memref<8x128xi32, #tpu.memory_space<vmem>> -> memref<1x128xi32, #tpu.memory_space<vmem>>
      %dma_wait3A_209 = tpu.memref_squeeze %dma_wait3A_208 : memref<1x128xi32, #tpu.memory_space<vmem>> -> memref<128xi32, #tpu.memory_space<vmem>>
      %dma_wait3A_210 = arith.constant 0 : i32
      %dma_wait3A_211 = arith.constant 0 : i32
      %dma_wait3A_212 = tpu.memref_slice %arg12[%dma_wait3A_210, %dma_wait3A_211] : memref<10112x64xf32, #tpu.memory_space<vmem_shared>> -> memref<10112x64xf32, #tpu.memory_space<vmem_shared>>
      tpu.wait_indirect_dma semaphore(%arg17 : memref<!tpu.dma_semaphore, #tpu.memory_space<semaphore_mem>>) src(%arg8 : memref<128x64xf32, #tpu.memory_space<vmem>>) dst(%dma_wait3A_212 : memref<10112x64xf32, #tpu.memory_space<vmem_shared>>)
      %dma_wait3A_213 = arith.constant 5 : i32
      %dma_wait3A_214 = arith.constant 0 : i32
      %dma_wait3A_215 = tpu.memref_slice %arg7[%dma_wait3A_213, %dma_wait3A_214] : memref<8x128xi32, #tpu.memory_space<vmem>> -> memref<1x128xi32, #tpu.memory_space<vmem>>
      %dma_wait3A_216 = tpu.memref_squeeze %dma_wait3A_215 : memref<1x128xi32, #tpu.memory_space<vmem>> -> memref<128xi32, #tpu.memory_space<vmem>>
      %dma_wait3A_217 = arith.constant 0 : i32
      %dma_wait3A_218 = arith.constant 0 : i32
      %dma_wait3A_219 = tpu.memref_slice %arg12[%dma_wait3A_217, %dma_wait3A_218] : memref<10112x64xf32, #tpu.memory_space<vmem_shared>> -> memref<10112x64xf32, #tpu.memory_space<vmem_shared>>
      tpu.wait_indirect_dma semaphore(%arg18 : memref<!tpu.dma_semaphore, #tpu.memory_space<semaphore_mem>>) src(%arg9 : memref<128x64xf32, #tpu.memory_space<vmem>>) dst(%dma_wait3A_219 : memref<10112x64xf32, #tpu.memory_space<vmem_shared>>)
      %dma_wait3A_220 = arith.constant 6 : i32
      %dma_wait3A_221 = arith.constant 0 : i32
      %dma_wait3A_222 = tpu.memref_slice %arg7[%dma_wait3A_220, %dma_wait3A_221] : memref<8x128xi32, #tpu.memory_space<vmem>> -> memref<1x128xi32, #tpu.memory_space<vmem>>
      %dma_wait3A_223 = tpu.memref_squeeze %dma_wait3A_222 : memref<1x128xi32, #tpu.memory_space<vmem>> -> memref<128xi32, #tpu.memory_space<vmem>>
      %dma_wait3A_224 = arith.constant 0 : i32
      %dma_wait3A_225 = arith.constant 0 : i32
      %dma_wait3A_226 = tpu.memref_slice %arg12[%dma_wait3A_224, %dma_wait3A_225] : memref<10112x64xf32, #tpu.memory_space<vmem_shared>> -> memref<10112x64xf32, #tpu.memory_space<vmem_shared>>
      tpu.wait_indirect_dma semaphore(%arg19 : memref<!tpu.dma_semaphore, #tpu.memory_space<semaphore_mem>>) src(%arg10 : memref<128x64xf32, #tpu.memory_space<vmem>>) dst(%dma_wait3A_226 : memref<10112x64xf32, #tpu.memory_space<vmem_shared>>)
      %dma_wait3A_227 = arith.constant 7 : i32
      %dma_wait3A_228 = arith.constant 0 : i32
      %dma_wait3A_229 = tpu.memref_slice %arg7[%dma_wait3A_227, %dma_wait3A_228] : memref<8x128xi32, #tpu.memory_space<vmem>> -> memref<1x128xi32, #tpu.memory_space<vmem>>
      %dma_wait3A_230 = tpu.memref_squeeze %dma_wait3A_229 : memref<1x128xi32, #tpu.memory_space<vmem>> -> memref<128xi32, #tpu.memory_space<vmem>>
      %dma_wait3A_231 = arith.constant 0 : i32
      %dma_wait3A_232 = arith.constant 0 : i32
      %dma_wait3A_233 = tpu.memref_slice %arg12[%dma_wait3A_231, %dma_wait3A_232] : memref<10112x64xf32, #tpu.memory_space<vmem_shared>> -> memref<10112x64xf32, #tpu.memory_space<vmem_shared>>
      tpu.wait_indirect_dma semaphore(%arg20 : memref<!tpu.dma_semaphore, #tpu.memory_space<semaphore_mem>>) src(%arg11 : memref<128x64xf32, #tpu.memory_space<vmem>>) dst(%dma_wait3A_233 : memref<10112x64xf32, #tpu.memory_space<vmem_shared>>)
    }
    %barrier3A_37 = arith.constant 0 : index
    tpu.barrier barrier_id(%barrier3A_37)
    "tpu.region"() ({
      %run_scoped3A = tpu.sem_alloc : memref<!tpu.dma_semaphore, #tpu.memory_space<semaphore_mem>>
      %dma_start3A = arith.constant 0 : i32
      %dma_start3A_38 = tpu.memref_slice %arg5[%arg0, %mul3A_11, %dma_start3A] : memref<2x10112x64xf32, #tpu.memory_space<hbm>> -> memref<1x632x64xf32, #tpu.memory_space<hbm>>
      %dma_start3A_39 = tpu.memref_squeeze %dma_start3A_38 : memref<1x632x64xf32, #tpu.memory_space<hbm>> -> memref<632x64xf32, #tpu.memory_space<hbm>>
      %dma_start3A_40 = arith.constant 0 : i32
      %dma_start3A_41 = tpu.memref_slice %arg12[%mul3A_11, %dma_start3A_40] : memref<10112x64xf32, #tpu.memory_space<vmem_shared>> -> memref<632x64xf32, #tpu.memory_space<vmem_shared>>
      tpu.enqueue_dma source(%dma_start3A_41 : memref<632x64xf32, #tpu.memory_space<vmem_shared>>) target(%dma_start3A_39 : memref<632x64xf32, #tpu.memory_space<hbm>>) target_semaphore(%run_scoped3A : memref<!tpu.dma_semaphore, #tpu.memory_space<semaphore_mem>>)
      %dma_wait3A = arith.constant 0 : i32
      %dma_wait3A_42 = tpu.memref_slice %arg5[%arg0, %mul3A_11, %dma_wait3A] : memref<2x10112x64xf32, #tpu.memory_space<hbm>> -> memref<1x632x64xf32, #tpu.memory_space<hbm>>
      %dma_wait3A_43 = tpu.memref_squeeze %dma_wait3A_42 : memref<1x632x64xf32, #tpu.memory_space<hbm>> -> memref<632x64xf32, #tpu.memory_space<hbm>>
      %dma_wait3A_44 = arith.constant 0 : i32
      %dma_wait3A_45 = tpu.memref_slice %arg12[%mul3A_11, %dma_wait3A_44] : memref<10112x64xf32, #tpu.memory_space<vmem_shared>> -> memref<632x64xf32, #tpu.memory_space<vmem_shared>>
      tpu.wait_dma2 semaphore(%run_scoped3A : memref<!tpu.dma_semaphore, #tpu.memory_space<semaphore_mem>>) src(%dma_wait3A_45 : memref<632x64xf32, #tpu.memory_space<vmem_shared>>) dst(%dma_wait3A_43 : memref<632x64xf32, #tpu.memory_space<hbm>>)
      tpu.yield
    }) : () -> ()
    return
  }
}

#map = affine_map<(d0, d1) -> (0, 0)>
#map1 = affine_map<(d0, d1) -> (0)>
#map2 = affine_map<(d0, d1) -> (0, 0, 0)>
module attributes {stable_mosaic.version = 14 : i64} {
  func.func @body(%arg0: i32, %arg1: i32, %arg2: memref<10000x128xf32, #tpu.memory_space<hbm>>, %arg3: memref<327680xi32, #tpu.memory_space<hbm>>, %arg4: memref<2560x128xi32, #tpu.memory_space<hbm>>, %arg5: memref<2x10112x128xf32, #tpu.memory_space<hbm>>, %arg6: memref<2x10112x16xf32, #tpu.memory_space<hbm>>, %arg7: memref<1024xi32, #tpu.memory_space<vmem>>, %arg8: memref<8x128xi32, #tpu.memory_space<vmem>>, %arg9: memref<128x128xf32, #tpu.memory_space<vmem>>, %arg10: memref<128x128xf32, #tpu.memory_space<vmem>>, %arg11: memref<10112x128xf32, #tpu.memory_space<vmem_shared>>, %arg12: memref<!tpu.dma_semaphore, #tpu.memory_space<semaphore_mem>>, %arg13: memref<!tpu.dma_semaphore, #tpu.memory_space<semaphore_mem>>, %arg14: memref<!tpu.dma_semaphore, #tpu.memory_space<semaphore_mem>>, %arg15: memref<!tpu.dma_semaphore, #tpu.memory_space<semaphore_mem>>, %arg16: memref<128x16xf32, #tpu.memory_space<vmem>>, %arg17: memref<10112x16xf32, #tpu.memory_space<vmem_shared>>, %arg18: memref<!tpu.dma_semaphore, #tpu.memory_space<semaphore_mem>>) attributes {dimension_semantics = [#tpu.dimension_semantics<core_parallel>, #tpu.dimension_semantics<subcore_parallel>], iteration_bounds = array<i64: 2, 16>, scalar_prefetch = 0 : i64, scratch_operands = 12 : i64, tpu.core_type = #tpu.core_type<sc_vector_subcore>, window_params = [{transform_indices = #map}, {transform_indices = #map1}, {transform_indices = #map}, {transform_indices = #map2}, {transform_indices = #map2}]} {
    %eq3A = arith.constant 0 : i32
    %eq3A_0 = arith.cmpi eq, %arg0, %eq3A : i32
    %mul3A = arith.constant 144 : i32
    %mul3A_1 = arith.muli %arg1, %mul3A : i32
    %mul3A_2 = arith.constant 16 : i32
    %mul3A_3 = arith.muli %arg1, %mul3A_2 : i32
    %add3A = arith.constant 2304 : i32
    %add3A_4 = arith.addi %add3A, %mul3A_3 : i32
    %select_n3A = arith.select %eq3A_0, %mul3A_1, %add3A_4 : i32
    %eq3A_5 = arith.constant 0 : i32
    %eq3A_6 = arith.cmpi eq, %arg0, %eq3A_5 : i32
    %select_n3A_7 = arith.constant 2 : i32
    %select_n3A_8 = arith.constant 18 : i32
    %select_n3A_9 = arith.select %eq3A_6, %select_n3A_8, %select_n3A_7 : i32
    %mul3A_10 = arith.constant 632 : i32
    %mul3A_11 = arith.muli %arg1, %mul3A_10 : i32
    %broadcast_in_dim3A = arith.constant 0.000000e+00 : f32
    %broadcast_in_dim3A_12 = vector.broadcast %broadcast_in_dim3A : f32 to vector<16xf32>
    %scan3A = arith.constant 0 : i32
    %scan3A_13 = arith.constant 0 : i32
    %scan3A_14 = arith.constant 128 : i32
    %scan3A_15 = arith.addi %scan3A_13, %scan3A_14 : i32
    %scan3A_16 = arith.constant 1 : i32
    scf.for %scan3A_48 = %scan3A_13 to %scan3A_15 step %scan3A_16  : i32 {
      %swap3A = arith.index_cast %scan3A_48 : i32 to index
      %swap3A_49 = arith.constant 0 : index
      %swap3A_50 = tpu.vector_load %arg9[%swap3A, %swap3A_49] {strides = array<i32>} : memref<128x128xf32, #tpu.memory_space<vmem>>, vector<1x16xf32>,
      %swap3A_51 = vector.shape_cast %swap3A_50 : vector<1x16xf32> to vector<16xf32>
      %swap3A_52 = vector.shape_cast %broadcast_in_dim3A_12 : vector<16xf32> to vector<1x16xf32>
      tpu.vector_store %arg9[%swap3A, %swap3A_49], %swap3A_52 {strides = array<i32>} : memref<128x128xf32, #tpu.memory_space<vmem>>, vector<1x16xf32>,
      %swap3A_53 = arith.index_cast %scan3A_48 : i32 to index
      %swap3A_54 = arith.constant 16 : index
      %swap3A_55 = tpu.vector_load %arg9[%swap3A_53, %swap3A_54] {strides = array<i32>} : memref<128x128xf32, #tpu.memory_space<vmem>>, vector<1x16xf32>,
      %swap3A_56 = vector.shape_cast %swap3A_55 : vector<1x16xf32> to vector<16xf32>
      %swap3A_57 = vector.shape_cast %broadcast_in_dim3A_12 : vector<16xf32> to vector<1x16xf32>
      tpu.vector_store %arg9[%swap3A_53, %swap3A_54], %swap3A_57 {strides = array<i32>} : memref<128x128xf32, #tpu.memory_space<vmem>>, vector<1x16xf32>,
      %swap3A_58 = arith.index_cast %scan3A_48 : i32 to index
      %swap3A_59 = arith.constant 32 : index
      %swap3A_60 = tpu.vector_load %arg9[%swap3A_58, %swap3A_59] {strides = array<i32>} : memref<128x128xf32, #tpu.memory_space<vmem>>, vector<1x16xf32>,
      %swap3A_61 = vector.shape_cast %swap3A_60 : vector<1x16xf32> to vector<16xf32>
      %swap3A_62 = vector.shape_cast %broadcast_in_dim3A_12 : vector<16xf32> to vector<1x16xf32>
      tpu.vector_store %arg9[%swap3A_58, %swap3A_59], %swap3A_62 {strides = array<i32>} : memref<128x128xf32, #tpu.memory_space<vmem>>, vector<1x16xf32>,
      %swap3A_63 = arith.index_cast %scan3A_48 : i32 to index
      %swap3A_64 = arith.constant 48 : index
      %swap3A_65 = tpu.vector_load %arg9[%swap3A_63, %swap3A_64] {strides = array<i32>} : memref<128x128xf32, #tpu.memory_space<vmem>>, vector<1x16xf32>,
      %swap3A_66 = vector.shape_cast %swap3A_65 : vector<1x16xf32> to vector<16xf32>
      %swap3A_67 = vector.shape_cast %broadcast_in_dim3A_12 : vector<16xf32> to vector<1x16xf32>
      tpu.vector_store %arg9[%swap3A_63, %swap3A_64], %swap3A_67 {strides = array<i32>} : memref<128x128xf32, #tpu.memory_space<vmem>>, vector<1x16xf32>,
      %swap3A_68 = arith.index_cast %scan3A_48 : i32 to index
      %swap3A_69 = arith.constant 64 : index
      %swap3A_70 = tpu.vector_load %arg9[%swap3A_68, %swap3A_69] {strides = array<i32>} : memref<128x128xf32, #tpu.memory_space<vmem>>, vector<1x16xf32>,
      %swap3A_71 = vector.shape_cast %swap3A_70 : vector<1x16xf32> to vector<16xf32>
      %swap3A_72 = vector.shape_cast %broadcast_in_dim3A_12 : vector<16xf32> to vector<1x16xf32>
      tpu.vector_store %arg9[%swap3A_68, %swap3A_69], %swap3A_72 {strides = array<i32>} : memref<128x128xf32, #tpu.memory_space<vmem>>, vector<1x16xf32>,
      %swap3A_73 = arith.index_cast %scan3A_48 : i32 to index
      %swap3A_74 = arith.constant 80 : index
      %swap3A_75 = tpu.vector_load %arg9[%swap3A_73, %swap3A_74] {strides = array<i32>} : memref<128x128xf32, #tpu.memory_space<vmem>>, vector<1x16xf32>,
      %swap3A_76 = vector.shape_cast %swap3A_75 : vector<1x16xf32> to vector<16xf32>
      %swap3A_77 = vector.shape_cast %broadcast_in_dim3A_12 : vector<16xf32> to vector<1x16xf32>
      tpu.vector_store %arg9[%swap3A_73, %swap3A_74], %swap3A_77 {strides = array<i32>} : memref<128x128xf32, #tpu.memory_space<vmem>>, vector<1x16xf32>,
      %swap3A_78 = arith.index_cast %scan3A_48 : i32 to index
      %swap3A_79 = arith.constant 96 : index
      %swap3A_80 = tpu.vector_load %arg9[%swap3A_78, %swap3A_79] {strides = array<i32>} : memref<128x128xf32, #tpu.memory_space<vmem>>, vector<1x16xf32>,
      %swap3A_81 = vector.shape_cast %swap3A_80 : vector<1x16xf32> to vector<16xf32>
      %swap3A_82 = vector.shape_cast %broadcast_in_dim3A_12 : vector<16xf32> to vector<1x16xf32>
      tpu.vector_store %arg9[%swap3A_78, %swap3A_79], %swap3A_82 {strides = array<i32>} : memref<128x128xf32, #tpu.memory_space<vmem>>, vector<1x16xf32>,
      %swap3A_83 = arith.index_cast %scan3A_48 : i32 to index
      %swap3A_84 = arith.constant 112 : index
      %swap3A_85 = tpu.vector_load %arg9[%swap3A_83, %swap3A_84] {strides = array<i32>} : memref<128x128xf32, #tpu.memory_space<vmem>>, vector<1x16xf32>,
      %swap3A_86 = vector.shape_cast %swap3A_85 : vector<1x16xf32> to vector<16xf32>
      %swap3A_87 = vector.shape_cast %broadcast_in_dim3A_12 : vector<16xf32> to vector<1x16xf32>
      tpu.vector_store %arg9[%swap3A_83, %swap3A_84], %swap3A_87 {strides = array<i32>} : memref<128x128xf32, #tpu.memory_space<vmem>>, vector<1x16xf32>,
      %add3A_88 = arith.constant 1.000000e+00 : f32
      %add3A_89 = vector.broadcast %add3A_88 : f32 to vector<16xf32>
      %add3A_90 = arith.addf %broadcast_in_dim3A_12, %add3A_89 : vector<16xf32>
      %swap3A_91 = arith.index_cast %scan3A_48 : i32 to index
      %swap3A_92 = arith.constant 0 : index
      %swap3A_93 = tpu.vector_load %arg16[%swap3A_91, %swap3A_92] {strides = array<i32>} : memref<128x16xf32, #tpu.memory_space<vmem>>, vector<1x16xf32>,
      %swap3A_94 = vector.shape_cast %swap3A_93 : vector<1x16xf32> to vector<16xf32>
      %swap3A_95 = vector.shape_cast %add3A_90 : vector<16xf32> to vector<1x16xf32>
      tpu.vector_store %arg16[%swap3A_91, %swap3A_92], %swap3A_95 {strides = array<i32>} : memref<128x16xf32, #tpu.memory_space<vmem>>, vector<1x16xf32>,
    }
    %scan3A_17 = arith.constant 128 : i32
    %add3A_18 = arith.constant 0 : i32
    %add3A_19 = arith.addi %mul3A_11, %add3A_18 : i32
    "tpu.region"() ({
      %run_scoped3A = tpu.sem_alloc : memref<!tpu.dma_semaphore, #tpu.memory_space<semaphore_mem>>
      %dma_start3A = arith.constant 0 : i32
      %dma_start3A_48 = tpu.memref_slice %arg11[%add3A_19, %dma_start3A] : memref<10112x128xf32, #tpu.memory_space<vmem_shared>> -> memref<128x128xf32, #tpu.memory_space<vmem_shared>>
      %dma_start3A_49 = arith.constant 0 : i32
      %dma_start3A_50 = tpu.memref_slice %arg11[%add3A_19, %dma_start3A_49] : memref<10112x128xf32, #tpu.memory_space<vmem_shared>> -> memref<128x128xf32, #tpu.memory_space<vmem_shared>>
      tpu.enqueue_dma source(%arg9 : memref<128x128xf32, #tpu.memory_space<vmem>>) target(%dma_start3A_50 : memref<128x128xf32, #tpu.memory_space<vmem_shared>>) target_semaphore(%run_scoped3A : memref<!tpu.dma_semaphore, #tpu.memory_space<semaphore_mem>>)
      %dma_wait3A = arith.constant 0 : i32
      %dma_wait3A_51 = tpu.memref_slice %arg11[%add3A_19, %dma_wait3A] : memref<10112x128xf32, #tpu.memory_space<vmem_shared>> -> memref<128x128xf32, #tpu.memory_space<vmem_shared>>
      %dma_wait3A_52 = arith.constant 0 : i32
      %dma_wait3A_53 = tpu.memref_slice %arg11[%add3A_19, %dma_wait3A_52] : memref<10112x128xf32, #tpu.memory_space<vmem_shared>> -> memref<128x128xf32, #tpu.memory_space<vmem_shared>>
      tpu.wait_dma2 semaphore(%run_scoped3A : memref<!tpu.dma_semaphore, #tpu.memory_space<semaphore_mem>>) src(%arg9 : memref<128x128xf32, #tpu.memory_space<vmem>>) dst(%dma_wait3A_53 : memref<128x128xf32, #tpu.memory_space<vmem_shared>>)
      tpu.yield
    }) : () -> ()
    %add3A_20 = arith.constant 128 : i32
    %add3A_21 = arith.addi %mul3A_11, %add3A_20 : i32
    "tpu.region"() ({
      %run_scoped3A = tpu.sem_alloc : memref<!tpu.dma_semaphore, #tpu.memory_space<semaphore_mem>>
      %dma_start3A = arith.constant 0 : i32
      %dma_start3A_48 = tpu.memref_slice %arg11[%add3A_21, %dma_start3A] : memref<10112x128xf32, #tpu.memory_space<vmem_shared>> -> memref<128x128xf32, #tpu.memory_space<vmem_shared>>
      %dma_start3A_49 = arith.constant 0 : i32
      %dma_start3A_50 = tpu.memref_slice %arg11[%add3A_21, %dma_start3A_49] : memref<10112x128xf32, #tpu.memory_space<vmem_shared>> -> memref<128x128xf32, #tpu.memory_space<vmem_shared>>
      tpu.enqueue_dma source(%arg9 : memref<128x128xf32, #tpu.memory_space<vmem>>) target(%dma_start3A_50 : memref<128x128xf32, #tpu.memory_space<vmem_shared>>) target_semaphore(%run_scoped3A : memref<!tpu.dma_semaphore, #tpu.memory_space<semaphore_mem>>)
      %dma_wait3A = arith.constant 0 : i32
      %dma_wait3A_51 = tpu.memref_slice %arg11[%add3A_21, %dma_wait3A] : memref<10112x128xf32, #tpu.memory_space<vmem_shared>> -> memref<128x128xf32, #tpu.memory_space<vmem_shared>>
      %dma_wait3A_52 = arith.constant 0 : i32
      %dma_wait3A_53 = tpu.memref_slice %arg11[%add3A_21, %dma_wait3A_52] : memref<10112x128xf32, #tpu.memory_space<vmem_shared>> -> memref<128x128xf32, #tpu.memory_space<vmem_shared>>
      tpu.wait_dma2 semaphore(%run_scoped3A : memref<!tpu.dma_semaphore, #tpu.memory_space<semaphore_mem>>) src(%arg9 : memref<128x128xf32, #tpu.memory_space<vmem>>) dst(%dma_wait3A_53 : memref<128x128xf32, #tpu.memory_space<vmem_shared>>)
      tpu.yield
    }) : () -> ()
    %add3A_22 = arith.constant 256 : i32
    %add3A_23 = arith.addi %mul3A_11, %add3A_22 : i32
    "tpu.region"() ({
      %run_scoped3A = tpu.sem_alloc : memref<!tpu.dma_semaphore, #tpu.memory_space<semaphore_mem>>
      %dma_start3A = arith.constant 0 : i32
      %dma_start3A_48 = tpu.memref_slice %arg11[%add3A_23, %dma_start3A] : memref<10112x128xf32, #tpu.memory_space<vmem_shared>> -> memref<128x128xf32, #tpu.memory_space<vmem_shared>>
      %dma_start3A_49 = arith.constant 0 : i32
      %dma_start3A_50 = tpu.memref_slice %arg11[%add3A_23, %dma_start3A_49] : memref<10112x128xf32, #tpu.memory_space<vmem_shared>> -> memref<128x128xf32, #tpu.memory_space<vmem_shared>>
      tpu.enqueue_dma source(%arg9 : memref<128x128xf32, #tpu.memory_space<vmem>>) target(%dma_start3A_50 : memref<128x128xf32, #tpu.memory_space<vmem_shared>>) target_semaphore(%run_scoped3A : memref<!tpu.dma_semaphore, #tpu.memory_space<semaphore_mem>>)
      %dma_wait3A = arith.constant 0 : i32
      %dma_wait3A_51 = tpu.memref_slice %arg11[%add3A_23, %dma_wait3A] : memref<10112x128xf32, #tpu.memory_space<vmem_shared>> -> memref<128x128xf32, #tpu.memory_space<vmem_shared>>
      %dma_wait3A_52 = arith.constant 0 : i32
      %dma_wait3A_53 = tpu.memref_slice %arg11[%add3A_23, %dma_wait3A_52] : memref<10112x128xf32, #tpu.memory_space<vmem_shared>> -> memref<128x128xf32, #tpu.memory_space<vmem_shared>>
      tpu.wait_dma2 semaphore(%run_scoped3A : memref<!tpu.dma_semaphore, #tpu.memory_space<semaphore_mem>>) src(%arg9 : memref<128x128xf32, #tpu.memory_space<vmem>>) dst(%dma_wait3A_53 : memref<128x128xf32, #tpu.memory_space<vmem_shared>>)
      tpu.yield
    }) : () -> ()
    %add3A_24 = arith.constant 384 : i32
    %add3A_25 = arith.addi %mul3A_11, %add3A_24 : i32
    "tpu.region"() ({
      %run_scoped3A = tpu.sem_alloc : memref<!tpu.dma_semaphore, #tpu.memory_space<semaphore_mem>>
      %dma_start3A = arith.constant 0 : i32
      %dma_start3A_48 = tpu.memref_slice %arg11[%add3A_25, %dma_start3A] : memref<10112x128xf32, #tpu.memory_space<vmem_shared>> -> memref<128x128xf32, #tpu.memory_space<vmem_shared>>
      %dma_start3A_49 = arith.constant 0 : i32
      %dma_start3A_50 = tpu.memref_slice %arg11[%add3A_25, %dma_start3A_49] : memref<10112x128xf32, #tpu.memory_space<vmem_shared>> -> memref<128x128xf32, #tpu.memory_space<vmem_shared>>
      tpu.enqueue_dma source(%arg9 : memref<128x128xf32, #tpu.memory_space<vmem>>) target(%dma_start3A_50 : memref<128x128xf32, #tpu.memory_space<vmem_shared>>) target_semaphore(%run_scoped3A : memref<!tpu.dma_semaphore, #tpu.memory_space<semaphore_mem>>)
      %dma_wait3A = arith.constant 0 : i32
      %dma_wait3A_51 = tpu.memref_slice %arg11[%add3A_25, %dma_wait3A] : memref<10112x128xf32, #tpu.memory_space<vmem_shared>> -> memref<128x128xf32, #tpu.memory_space<vmem_shared>>
      %dma_wait3A_52 = arith.constant 0 : i32
      %dma_wait3A_53 = tpu.memref_slice %arg11[%add3A_25, %dma_wait3A_52] : memref<10112x128xf32, #tpu.memory_space<vmem_shared>> -> memref<128x128xf32, #tpu.memory_space<vmem_shared>>
      tpu.wait_dma2 semaphore(%run_scoped3A : memref<!tpu.dma_semaphore, #tpu.memory_space<semaphore_mem>>) src(%arg9 : memref<128x128xf32, #tpu.memory_space<vmem>>) dst(%dma_wait3A_53 : memref<128x128xf32, #tpu.memory_space<vmem_shared>>)
      tpu.yield
    }) : () -> ()
    %add3A_26 = arith.constant 512 : i32
    %add3A_27 = arith.addi %mul3A_11, %add3A_26 : i32
    "tpu.region"() ({
      %run_scoped3A = tpu.sem_alloc : memref<!tpu.dma_semaphore, #tpu.memory_space<semaphore_mem>>
      %dma_start3A = arith.constant 0 : i32
      %dma_start3A_48 = arith.constant 0 : i32
      %dma_start3A_49 = tpu.memref_slice %arg9[%dma_start3A, %dma_start3A_48] : memref<128x128xf32, #tpu.memory_space<vmem>> -> memref<120x128xf32, #tpu.memory_space<vmem>>
      %dma_start3A_50 = arith.constant 0 : i32
      %dma_start3A_51 = tpu.memref_slice %arg11[%add3A_27, %dma_start3A_50] : memref<10112x128xf32, #tpu.memory_space<vmem_shared>> -> memref<120x128xf32, #tpu.memory_space<vmem_shared>>
      %dma_start3A_52 = arith.constant 0 : i32
      %dma_start3A_53 = tpu.memref_slice %arg11[%add3A_27, %dma_start3A_52] : memref<10112x128xf32, #tpu.memory_space<vmem_shared>> -> memref<120x128xf32, #tpu.memory_space<vmem_shared>>
      %dma_start3A_54 = arith.constant 0 : i32
      %dma_start3A_55 = arith.constant 0 : i32
      %dma_start3A_56 = tpu.memref_slice %arg9[%dma_start3A_54, %dma_start3A_55] : memref<128x128xf32, #tpu.memory_space<vmem>> -> memref<120x128xf32, #tpu.memory_space<vmem>>
      tpu.enqueue_dma source(%dma_start3A_56 : memref<120x128xf32, #tpu.memory_space<vmem>>) target(%dma_start3A_53 : memref<120x128xf32, #tpu.memory_space<vmem_shared>>) target_semaphore(%run_scoped3A : memref<!tpu.dma_semaphore, #tpu.memory_space<semaphore_mem>>)
      %dma_wait3A = arith.constant 0 : i32
      %dma_wait3A_57 = arith.constant 0 : i32
      %dma_wait3A_58 = tpu.memref_slice %arg9[%dma_wait3A, %dma_wait3A_57] : memref<128x128xf32, #tpu.memory_space<vmem>> -> memref<120x128xf32, #tpu.memory_space<vmem>>
      %dma_wait3A_59 = arith.constant 0 : i32
      %dma_wait3A_60 = tpu.memref_slice %arg11[%add3A_27, %dma_wait3A_59] : memref<10112x128xf32, #tpu.memory_space<vmem_shared>> -> memref<120x128xf32, #tpu.memory_space<vmem_shared>>
      %dma_wait3A_61 = arith.constant 0 : i32
      %dma_wait3A_62 = tpu.memref_slice %arg11[%add3A_27, %dma_wait3A_61] : memref<10112x128xf32, #tpu.memory_space<vmem_shared>> -> memref<120x128xf32, #tpu.memory_space<vmem_shared>>
      %dma_wait3A_63 = arith.constant 0 : i32
      %dma_wait3A_64 = arith.constant 0 : i32
      %dma_wait3A_65 = tpu.memref_slice %arg9[%dma_wait3A_63, %dma_wait3A_64] : memref<128x128xf32, #tpu.memory_space<vmem>> -> memref<120x128xf32, #tpu.memory_space<vmem>>
      tpu.wait_dma2 semaphore(%run_scoped3A : memref<!tpu.dma_semaphore, #tpu.memory_space<semaphore_mem>>) src(%dma_wait3A_65 : memref<120x128xf32, #tpu.memory_space<vmem>>) dst(%dma_wait3A_62 : memref<120x128xf32, #tpu.memory_space<vmem_shared>>)
      tpu.yield
    }) : () -> ()
    %add3A_28 = arith.constant 0 : i32
    %add3A_29 = arith.addi %mul3A_11, %add3A_28 : i32
    "tpu.region"() ({
      %run_scoped3A = tpu.sem_alloc : memref<!tpu.dma_semaphore, #tpu.memory_space<semaphore_mem>>
      %dma_start3A = arith.constant 0 : i32
      %dma_start3A_48 = arith.constant 0 : i32
      %dma_start3A_49 = tpu.memref_slice %arg9[%dma_start3A, %dma_start3A_48] : memref<128x128xf32, #tpu.memory_space<vmem>> -> memref<128x16xf32, #tpu.memory_space<vmem>>
      %dma_start3A_50 = arith.constant 0 : i32
      %dma_start3A_51 = tpu.memref_slice %arg17[%add3A_29, %dma_start3A_50] : memref<10112x16xf32, #tpu.memory_space<vmem_shared>> -> memref<128x16xf32, #tpu.memory_space<vmem_shared>>
      %dma_start3A_52 = arith.constant 0 : i32
      %dma_start3A_53 = tpu.memref_slice %arg17[%add3A_29, %dma_start3A_52] : memref<10112x16xf32, #tpu.memory_space<vmem_shared>> -> memref<128x16xf32, #tpu.memory_space<vmem_shared>>
      %dma_start3A_54 = arith.constant 0 : i32
      %dma_start3A_55 = arith.constant 0 : i32
      %dma_start3A_56 = tpu.memref_slice %arg9[%dma_start3A_54, %dma_start3A_55] : memref<128x128xf32, #tpu.memory_space<vmem>> -> memref<128x16xf32, #tpu.memory_space<vmem>>
      tpu.enqueue_dma source(%dma_start3A_56 : memref<128x16xf32, #tpu.memory_space<vmem>>) target(%dma_start3A_53 : memref<128x16xf32, #tpu.memory_space<vmem_shared>>) target_semaphore(%run_scoped3A : memref<!tpu.dma_semaphore, #tpu.memory_space<semaphore_mem>>)
      %dma_wait3A = arith.constant 0 : i32
      %dma_wait3A_57 = arith.constant 0 : i32
      %dma_wait3A_58 = tpu.memref_slice %arg9[%dma_wait3A, %dma_wait3A_57] : memref<128x128xf32, #tpu.memory_space<vmem>> -> memref<128x16xf32, #tpu.memory_space<vmem>>
      %dma_wait3A_59 = arith.constant 0 : i32
      %dma_wait3A_60 = tpu.memref_slice %arg17[%add3A_29, %dma_wait3A_59] : memref<10112x16xf32, #tpu.memory_space<vmem_shared>> -> memref<128x16xf32, #tpu.memory_space<vmem_shared>>
      %dma_wait3A_61 = arith.constant 0 : i32
      %dma_wait3A_62 = tpu.memref_slice %arg17[%add3A_29, %dma_wait3A_61] : memref<10112x16xf32, #tpu.memory_space<vmem_shared>> -> memref<128x16xf32, #tpu.memory_space<vmem_shared>>
      %dma_wait3A_63 = arith.constant 0 : i32
      %dma_wait3A_64 = arith.constant 0 : i32
      %dma_wait3A_65 = tpu.memref_slice %arg9[%dma_wait3A_63, %dma_wait3A_64] : memref<128x128xf32, #tpu.memory_space<vmem>> -> memref<128x16xf32, #tpu.memory_space<vmem>>
      tpu.wait_dma2 semaphore(%run_scoped3A : memref<!tpu.dma_semaphore, #tpu.memory_space<semaphore_mem>>) src(%dma_wait3A_65 : memref<128x16xf32, #tpu.memory_space<vmem>>) dst(%dma_wait3A_62 : memref<128x16xf32, #tpu.memory_space<vmem_shared>>)
      tpu.yield
    }) : () -> ()
    %add3A_30 = arith.constant 128 : i32
    %add3A_31 = arith.addi %mul3A_11, %add3A_30 : i32
    "tpu.region"() ({
      %run_scoped3A = tpu.sem_alloc : memref<!tpu.dma_semaphore, #tpu.memory_space<semaphore_mem>>
      %dma_start3A = arith.constant 0 : i32
      %dma_start3A_48 = arith.constant 0 : i32
      %dma_start3A_49 = tpu.memref_slice %arg9[%dma_start3A, %dma_start3A_48] : memref<128x128xf32, #tpu.memory_space<vmem>> -> memref<128x16xf32, #tpu.memory_space<vmem>>
      %dma_start3A_50 = arith.constant 0 : i32
      %dma_start3A_51 = tpu.memref_slice %arg17[%add3A_31, %dma_start3A_50] : memref<10112x16xf32, #tpu.memory_space<vmem_shared>> -> memref<128x16xf32, #tpu.memory_space<vmem_shared>>
      %dma_start3A_52 = arith.constant 0 : i32
      %dma_start3A_53 = tpu.memref_slice %arg17[%add3A_31, %dma_start3A_52] : memref<10112x16xf32, #tpu.memory_space<vmem_shared>> -> memref<128x16xf32, #tpu.memory_space<vmem_shared>>
      %dma_start3A_54 = arith.constant 0 : i32
      %dma_start3A_55 = arith.constant 0 : i32
      %dma_start3A_56 = tpu.memref_slice %arg9[%dma_start3A_54, %dma_start3A_55] : memref<128x128xf32, #tpu.memory_space<vmem>> -> memref<128x16xf32, #tpu.memory_space<vmem>>
      tpu.enqueue_dma source(%dma_start3A_56 : memref<128x16xf32, #tpu.memory_space<vmem>>) target(%dma_start3A_53 : memref<128x16xf32, #tpu.memory_space<vmem_shared>>) target_semaphore(%run_scoped3A : memref<!tpu.dma_semaphore, #tpu.memory_space<semaphore_mem>>)
      %dma_wait3A = arith.constant 0 : i32
      %dma_wait3A_57 = arith.constant 0 : i32
      %dma_wait3A_58 = tpu.memref_slice %arg9[%dma_wait3A, %dma_wait3A_57] : memref<128x128xf32, #tpu.memory_space<vmem>> -> memref<128x16xf32, #tpu.memory_space<vmem>>
      %dma_wait3A_59 = arith.constant 0 : i32
      %dma_wait3A_60 = tpu.memref_slice %arg17[%add3A_31, %dma_wait3A_59] : memref<10112x16xf32, #tpu.memory_space<vmem_shared>> -> memref<128x16xf32, #tpu.memory_space<vmem_shared>>
      %dma_wait3A_61 = arith.constant 0 : i32
      %dma_wait3A_62 = tpu.memref_slice %arg17[%add3A_31, %dma_wait3A_61] : memref<10112x16xf32, #tpu.memory_space<vmem_shared>> -> memref<128x16xf32, #tpu.memory_space<vmem_shared>>
      %dma_wait3A_63 = arith.constant 0 : i32
      %dma_wait3A_64 = arith.constant 0 : i32
      %dma_wait3A_65 = tpu.memref_slice %arg9[%dma_wait3A_63, %dma_wait3A_64] : memref<128x128xf32, #tpu.memory_space<vmem>> -> memref<128x16xf32, #tpu.memory_space<vmem>>
      tpu.wait_dma2 semaphore(%run_scoped3A : memref<!tpu.dma_semaphore, #tpu.memory_space<semaphore_mem>>) src(%dma_wait3A_65 : memref<128x16xf32, #tpu.memory_space<vmem>>) dst(%dma_wait3A_62 : memref<128x16xf32, #tpu.memory_space<vmem_shared>>)
      tpu.yield
    }) : () -> ()
    %add3A_32 = arith.constant 256 : i32
    %add3A_33 = arith.addi %mul3A_11, %add3A_32 : i32
    "tpu.region"() ({
      %run_scoped3A = tpu.sem_alloc : memref<!tpu.dma_semaphore, #tpu.memory_space<semaphore_mem>>
      %dma_start3A = arith.constant 0 : i32
      %dma_start3A_48 = arith.constant 0 : i32
      %dma_start3A_49 = tpu.memref_slice %arg9[%dma_start3A, %dma_start3A_48] : memref<128x128xf32, #tpu.memory_space<vmem>> -> memref<128x16xf32, #tpu.memory_space<vmem>>
      %dma_start3A_50 = arith.constant 0 : i32
      %dma_start3A_51 = tpu.memref_slice %arg17[%add3A_33, %dma_start3A_50] : memref<10112x16xf32, #tpu.memory_space<vmem_shared>> -> memref<128x16xf32, #tpu.memory_space<vmem_shared>>
      %dma_start3A_52 = arith.constant 0 : i32
      %dma_start3A_53 = tpu.memref_slice %arg17[%add3A_33, %dma_start3A_52] : memref<10112x16xf32, #tpu.memory_space<vmem_shared>> -> memref<128x16xf32, #tpu.memory_space<vmem_shared>>
      %dma_start3A_54 = arith.constant 0 : i32
      %dma_start3A_55 = arith.constant 0 : i32
      %dma_start3A_56 = tpu.memref_slice %arg9[%dma_start3A_54, %dma_start3A_55] : memref<128x128xf32, #tpu.memory_space<vmem>> -> memref<128x16xf32, #tpu.memory_space<vmem>>
      tpu.enqueue_dma source(%dma_start3A_56 : memref<128x16xf32, #tpu.memory_space<vmem>>) target(%dma_start3A_53 : memref<128x16xf32, #tpu.memory_space<vmem_shared>>) target_semaphore(%run_scoped3A : memref<!tpu.dma_semaphore, #tpu.memory_space<semaphore_mem>>)
      %dma_wait3A = arith.constant 0 : i32
      %dma_wait3A_57 = arith.constant 0 : i32
      %dma_wait3A_58 = tpu.memref_slice %arg9[%dma_wait3A, %dma_wait3A_57] : memref<128x128xf32, #tpu.memory_space<vmem>> -> memref<128x16xf32, #tpu.memory_space<vmem>>
      %dma_wait3A_59 = arith.constant 0 : i32
      %dma_wait3A_60 = tpu.memref_slice %arg17[%add3A_33, %dma_wait3A_59] : memref<10112x16xf32, #tpu.memory_space<vmem_shared>> -> memref<128x16xf32, #tpu.memory_space<vmem_shared>>
      %dma_wait3A_61 = arith.constant 0 : i32
      %dma_wait3A_62 = tpu.memref_slice %arg17[%add3A_33, %dma_wait3A_61] : memref<10112x16xf32, #tpu.memory_space<vmem_shared>> -> memref<128x16xf32, #tpu.memory_space<vmem_shared>>
      %dma_wait3A_63 = arith.constant 0 : i32
      %dma_wait3A_64 = arith.constant 0 : i32
      %dma_wait3A_65 = tpu.memref_slice %arg9[%dma_wait3A_63, %dma_wait3A_64] : memref<128x128xf32, #tpu.memory_space<vmem>> -> memref<128x16xf32, #tpu.memory_space<vmem>>
      tpu.wait_dma2 semaphore(%run_scoped3A : memref<!tpu.dma_semaphore, #tpu.memory_space<semaphore_mem>>) src(%dma_wait3A_65 : memref<128x16xf32, #tpu.memory_space<vmem>>) dst(%dma_wait3A_62 : memref<128x16xf32, #tpu.memory_space<vmem_shared>>)
      tpu.yield
    }) : () -> ()
    %add3A_34 = arith.constant 384 : i32
    %add3A_35 = arith.addi %mul3A_11, %add3A_34 : i32
    "tpu.region"() ({
      %run_scoped3A = tpu.sem_alloc : memref<!tpu.dma_semaphore, #tpu.memory_space<semaphore_mem>>
      %dma_start3A = arith.constant 0 : i32
      %dma_start3A_48 = arith.constant 0 : i32
      %dma_start3A_49 = tpu.memref_slice %arg9[%dma_start3A, %dma_start3A_48] : memref<128x128xf32, #tpu.memory_space<vmem>> -> memref<128x16xf32, #tpu.memory_space<vmem>>
      %dma_start3A_50 = arith.constant 0 : i32
      %dma_start3A_51 = tpu.memref_slice %arg17[%add3A_35, %dma_start3A_50] : memref<10112x16xf32, #tpu.memory_space<vmem_shared>> -> memref<128x16xf32, #tpu.memory_space<vmem_shared>>
      %dma_start3A_52 = arith.constant 0 : i32
      %dma_start3A_53 = tpu.memref_slice %arg17[%add3A_35, %dma_start3A_52] : memref<10112x16xf32, #tpu.memory_space<vmem_shared>> -> memref<128x16xf32, #tpu.memory_space<vmem_shared>>
      %dma_start3A_54 = arith.constant 0 : i32
      %dma_start3A_55 = arith.constant 0 : i32
      %dma_start3A_56 = tpu.memref_slice %arg9[%dma_start3A_54, %dma_start3A_55] : memref<128x128xf32, #tpu.memory_space<vmem>> -> memref<128x16xf32, #tpu.memory_space<vmem>>
      tpu.enqueue_dma source(%dma_start3A_56 : memref<128x16xf32, #tpu.memory_space<vmem>>) target(%dma_start3A_53 : memref<128x16xf32, #tpu.memory_space<vmem_shared>>) target_semaphore(%run_scoped3A : memref<!tpu.dma_semaphore, #tpu.memory_space<semaphore_mem>>)
      %dma_wait3A = arith.constant 0 : i32
      %dma_wait3A_57 = arith.constant 0 : i32
      %dma_wait3A_58 = tpu.memref_slice %arg9[%dma_wait3A, %dma_wait3A_57] : memref<128x128xf32, #tpu.memory_space<vmem>> -> memref<128x16xf32, #tpu.memory_space<vmem>>
      %dma_wait3A_59 = arith.constant 0 : i32
      %dma_wait3A_60 = tpu.memref_slice %arg17[%add3A_35, %dma_wait3A_59] : memref<10112x16xf32, #tpu.memory_space<vmem_shared>> -> memref<128x16xf32, #tpu.memory_space<vmem_shared>>
      %dma_wait3A_61 = arith.constant 0 : i32
      %dma_wait3A_62 = tpu.memref_slice %arg17[%add3A_35, %dma_wait3A_61] : memref<10112x16xf32, #tpu.memory_space<vmem_shared>> -> memref<128x16xf32, #tpu.memory_space<vmem_shared>>
      %dma_wait3A_63 = arith.constant 0 : i32
      %dma_wait3A_64 = arith.constant 0 : i32
      %dma_wait3A_65 = tpu.memref_slice %arg9[%dma_wait3A_63, %dma_wait3A_64] : memref<128x128xf32, #tpu.memory_space<vmem>> -> memref<128x16xf32, #tpu.memory_space<vmem>>
      tpu.wait_dma2 semaphore(%run_scoped3A : memref<!tpu.dma_semaphore, #tpu.memory_space<semaphore_mem>>) src(%dma_wait3A_65 : memref<128x16xf32, #tpu.memory_space<vmem>>) dst(%dma_wait3A_62 : memref<128x16xf32, #tpu.memory_space<vmem_shared>>)
      tpu.yield
    }) : () -> ()
    %add3A_36 = arith.constant 512 : i32
    %add3A_37 = arith.addi %mul3A_11, %add3A_36 : i32
    "tpu.region"() ({
      %run_scoped3A = tpu.sem_alloc : memref<!tpu.dma_semaphore, #tpu.memory_space<semaphore_mem>>
      %dma_start3A = arith.constant 0 : i32
      %dma_start3A_48 = arith.constant 0 : i32
      %dma_start3A_49 = tpu.memref_slice %arg9[%dma_start3A, %dma_start3A_48] : memref<128x128xf32, #tpu.memory_space<vmem>> -> memref<120x16xf32, #tpu.memory_space<vmem>>
      %dma_start3A_50 = arith.constant 0 : i32
      %dma_start3A_51 = tpu.memref_slice %arg17[%add3A_37, %dma_start3A_50] : memref<10112x16xf32, #tpu.memory_space<vmem_shared>> -> memref<120x16xf32, #tpu.memory_space<vmem_shared>>
      %dma_start3A_52 = arith.constant 0 : i32
      %dma_start3A_53 = tpu.memref_slice %arg17[%add3A_37, %dma_start3A_52] : memref<10112x16xf32, #tpu.memory_space<vmem_shared>> -> memref<120x16xf32, #tpu.memory_space<vmem_shared>>
      %dma_start3A_54 = arith.constant 0 : i32
      %dma_start3A_55 = arith.constant 0 : i32
      %dma_start3A_56 = tpu.memref_slice %arg9[%dma_start3A_54, %dma_start3A_55] : memref<128x128xf32, #tpu.memory_space<vmem>> -> memref<120x16xf32, #tpu.memory_space<vmem>>
      tpu.enqueue_dma source(%dma_start3A_56 : memref<120x16xf32, #tpu.memory_space<vmem>>) target(%dma_start3A_53 : memref<120x16xf32, #tpu.memory_space<vmem_shared>>) target_semaphore(%run_scoped3A : memref<!tpu.dma_semaphore, #tpu.memory_space<semaphore_mem>>)
      %dma_wait3A = arith.constant 0 : i32
      %dma_wait3A_57 = arith.constant 0 : i32
      %dma_wait3A_58 = tpu.memref_slice %arg9[%dma_wait3A, %dma_wait3A_57] : memref<128x128xf32, #tpu.memory_space<vmem>> -> memref<120x16xf32, #tpu.memory_space<vmem>>
      %dma_wait3A_59 = arith.constant 0 : i32
      %dma_wait3A_60 = tpu.memref_slice %arg17[%add3A_37, %dma_wait3A_59] : memref<10112x16xf32, #tpu.memory_space<vmem_shared>> -> memref<120x16xf32, #tpu.memory_space<vmem_shared>>
      %dma_wait3A_61 = arith.constant 0 : i32
      %dma_wait3A_62 = tpu.memref_slice %arg17[%add3A_37, %dma_wait3A_61] : memref<10112x16xf32, #tpu.memory_space<vmem_shared>> -> memref<120x16xf32, #tpu.memory_space<vmem_shared>>
      %dma_wait3A_63 = arith.constant 0 : i32
      %dma_wait3A_64 = arith.constant 0 : i32
      %dma_wait3A_65 = tpu.memref_slice %arg9[%dma_wait3A_63, %dma_wait3A_64] : memref<128x128xf32, #tpu.memory_space<vmem>> -> memref<120x16xf32, #tpu.memory_space<vmem>>
      tpu.wait_dma2 semaphore(%run_scoped3A : memref<!tpu.dma_semaphore, #tpu.memory_space<semaphore_mem>>) src(%dma_wait3A_65 : memref<120x16xf32, #tpu.memory_space<vmem>>) dst(%dma_wait3A_62 : memref<120x16xf32, #tpu.memory_space<vmem_shared>>)
      tpu.yield
    }) : () -> ()
    %barrier3A = arith.constant 0 : index
    tpu.barrier barrier_id(%barrier3A)
    %while3A = arith.constant 0 : i32
    %while3A_38 = arith.constant 0 : i32
    %while3A_39 = arith.subi %select_n3A_9, %while3A_38 : i32
    %while3A_40 = arith.addi %while3A_38, %while3A_39 : i32
    %while3A_41 = arith.constant 1 : i32
    %while3A_42 = arith.divsi %while3A_39, %while3A_41 : i32
    %while3A_43 = arith.muli %while3A_42, %while3A_41 : i32
    %while3A_44 = arith.addi %while3A_38, %while3A_43 : i32
    %while3A_45 = arith.constant 1 : i32
    scf.for %while3A_48 = %while3A_38 to %while3A_44 step %while3A_45  : i32 {
      %mul3A_49 = arith.constant 8 : i32
      %mul3A_50 = arith.muli %while3A_48, %mul3A_49 : i32
      %add3A_51 = arith.addi %select_n3A, %mul3A_50 : i32
      %mul3A_52 = arith.constant 128 : i32
      %mul3A_53 = arith.muli %add3A_51, %mul3A_52 : i32
      "tpu.region"() ({
        %run_scoped3A = tpu.sem_alloc : memref<!tpu.dma_semaphore, #tpu.memory_space<semaphore_mem>>
        %dma_start3A_356 = tpu.memref_slice %arg3[%mul3A_53] : memref<327680xi32, #tpu.memory_space<hbm>> -> memref<1024xi32, #tpu.memory_space<hbm>>
        %dma_start3A_357 = tpu.memref_slice %arg3[%mul3A_53] : memref<327680xi32, #tpu.memory_space<hbm>> -> memref<1024xi32, #tpu.memory_space<hbm>>
        tpu.enqueue_dma source(%dma_start3A_357 : memref<1024xi32, #tpu.memory_space<hbm>>) target(%arg7 : memref<1024xi32, #tpu.memory_space<vmem>>) target_semaphore(%run_scoped3A : memref<!tpu.dma_semaphore, #tpu.memory_space<semaphore_mem>>)
        %dma_wait3A_358 = tpu.memref_slice %arg3[%mul3A_53] : memref<327680xi32, #tpu.memory_space<hbm>> -> memref<1024xi32, #tpu.memory_space<hbm>>
        %dma_wait3A_359 = tpu.memref_slice %arg3[%mul3A_53] : memref<327680xi32, #tpu.memory_space<hbm>> -> memref<1024xi32, #tpu.memory_space<hbm>>
        tpu.wait_dma2 semaphore(%run_scoped3A : memref<!tpu.dma_semaphore, #tpu.memory_space<semaphore_mem>>) src(%dma_wait3A_359 : memref<1024xi32, #tpu.memory_space<hbm>>) dst(%arg7 : memref<1024xi32, #tpu.memory_space<vmem>>)
        tpu.yield
      }) : () -> ()
      "tpu.region"() ({
        %run_scoped3A = tpu.sem_alloc : memref<!tpu.dma_semaphore, #tpu.memory_space<semaphore_mem>>
        %dma_start3A_356 = arith.constant 0 : i32
        %dma_start3A_357 = tpu.memref_slice %arg4[%add3A_51, %dma_start3A_356] : memref<2560x128xi32, #tpu.memory_space<hbm>> -> memref<8x128xi32, #tpu.memory_space<hbm>>
        %dma_start3A_358 = arith.constant 0 : i32
        %dma_start3A_359 = tpu.memref_slice %arg4[%add3A_51, %dma_start3A_358] : memref<2560x128xi32, #tpu.memory_space<hbm>> -> memref<8x128xi32, #tpu.memory_space<hbm>>
        tpu.enqueue_dma source(%dma_start3A_359 : memref<8x128xi32, #tpu.memory_space<hbm>>) target(%arg8 : memref<8x128xi32, #tpu.memory_space<vmem>>) target_semaphore(%run_scoped3A : memref<!tpu.dma_semaphore, #tpu.memory_space<semaphore_mem>>)
        %dma_wait3A_360 = arith.constant 0 : i32
        %dma_wait3A_361 = tpu.memref_slice %arg4[%add3A_51, %dma_wait3A_360] : memref<2560x128xi32, #tpu.memory_space<hbm>> -> memref<8x128xi32, #tpu.memory_space<hbm>>
        %dma_wait3A_362 = arith.constant 0 : i32
        %dma_wait3A_363 = tpu.memref_slice %arg4[%add3A_51, %dma_wait3A_362] : memref<2560x128xi32, #tpu.memory_space<hbm>> -> memref<8x128xi32, #tpu.memory_space<hbm>>
        tpu.wait_dma2 semaphore(%run_scoped3A : memref<!tpu.dma_semaphore, #tpu.memory_space<semaphore_mem>>) src(%dma_wait3A_363 : memref<8x128xi32, #tpu.memory_space<hbm>>) dst(%arg8 : memref<8x128xi32, #tpu.memory_space<vmem>>)
        tpu.yield
      }) : () -> ()
      %dma_start3A = arith.constant 0 : i32
      %dma_start3A_54 = tpu.memref_slice %arg7[%dma_start3A] : memref<1024xi32, #tpu.memory_space<vmem>> -> memref<128xi32, #tpu.memory_space<vmem>>
      %dma_start3A_55 = arith.constant 0 : i32
      %dma_start3A_56 = arith.constant 0 : i32
      %dma_start3A_57 = tpu.memref_slice %arg2[%dma_start3A_55, %dma_start3A_56] : memref<10000x128xf32, #tpu.memory_space<hbm>> -> memref<10000x128xf32, #tpu.memory_space<hbm>>
      tpu.enqueue_indirect_dma source(%dma_start3A_57 : memref<10000x128xf32, #tpu.memory_space<hbm>>) target(%arg9 : memref<128x128xf32, #tpu.memory_space<vmem>>) offsets(%dma_start3A_54 : memref<128xi32, #tpu.memory_space<vmem>>) semaphore(%arg12 : memref<!tpu.dma_semaphore, #tpu.memory_space<semaphore_mem>>)
      %dma_wait3A = arith.constant 0 : i32
      %dma_wait3A_58 = tpu.memref_slice %arg7[%dma_wait3A] : memref<1024xi32, #tpu.memory_space<vmem>> -> memref<128xi32, #tpu.memory_space<vmem>>
      %dma_wait3A_59 = arith.constant 0 : i32
      %dma_wait3A_60 = arith.constant 0 : i32
      %dma_wait3A_61 = tpu.memref_slice %arg2[%dma_wait3A_59, %dma_wait3A_60] : memref<10000x128xf32, #tpu.memory_space<hbm>> -> memref<10000x128xf32, #tpu.memory_space<hbm>>
      tpu.wait_indirect_dma semaphore(%arg12 : memref<!tpu.dma_semaphore, #tpu.memory_space<semaphore_mem>>) src(%dma_wait3A_61 : memref<10000x128xf32, #tpu.memory_space<hbm>>) dst(%arg9 : memref<128x128xf32, #tpu.memory_space<vmem>>)
      %dma_start3A_62 = arith.constant 0 : i32
      %dma_start3A_63 = arith.constant 0 : i32
      %dma_start3A_64 = tpu.memref_slice %arg8[%dma_start3A_62, %dma_start3A_63] : memref<8x128xi32, #tpu.memory_space<vmem>> -> memref<1x128xi32, #tpu.memory_space<vmem>>
      %dma_start3A_65 = tpu.memref_squeeze %dma_start3A_64 : memref<1x128xi32, #tpu.memory_space<vmem>> -> memref<128xi32, #tpu.memory_space<vmem>>
      %dma_start3A_66 = arith.constant 0 : i32
      %dma_start3A_67 = arith.constant 0 : i32
      %dma_start3A_68 = tpu.memref_slice %arg11[%dma_start3A_66, %dma_start3A_67] : memref<10112x128xf32, #tpu.memory_space<vmem_shared>> -> memref<10112x128xf32, #tpu.memory_space<vmem_shared>>
      tpu.enqueue_indirect_dma source(%arg9 : memref<128x128xf32, #tpu.memory_space<vmem>>) target(%dma_start3A_68 : memref<10112x128xf32, #tpu.memory_space<vmem_shared>>) offsets(%dma_start3A_65 : memref<128xi32, #tpu.memory_space<vmem>>) semaphore(%arg14 : memref<!tpu.dma_semaphore, #tpu.memory_space<semaphore_mem>>) {add = true}
      %dma_start3A_69 = arith.constant 0 : i32
      %dma_start3A_70 = arith.constant 0 : i32
      %dma_start3A_71 = tpu.memref_slice %arg8[%dma_start3A_69, %dma_start3A_70] : memref<8x128xi32, #tpu.memory_space<vmem>> -> memref<1x128xi32, #tpu.memory_space<vmem>>
      %dma_start3A_72 = tpu.memref_squeeze %dma_start3A_71 : memref<1x128xi32, #tpu.memory_space<vmem>> -> memref<128xi32, #tpu.memory_space<vmem>>
      %dma_start3A_73 = arith.constant 0 : i32
      %dma_start3A_74 = arith.constant 0 : i32
      %dma_start3A_75 = tpu.memref_slice %arg17[%dma_start3A_73, %dma_start3A_74] : memref<10112x16xf32, #tpu.memory_space<vmem_shared>> -> memref<10112x16xf32, #tpu.memory_space<vmem_shared>>
      tpu.enqueue_indirect_dma source(%arg16 : memref<128x16xf32, #tpu.memory_space<vmem>>) target(%dma_start3A_75 : memref<10112x16xf32, #tpu.memory_space<vmem_shared>>) offsets(%dma_start3A_72 : memref<128xi32, #tpu.memory_space<vmem>>) semaphore(%arg18 : memref<!tpu.dma_semaphore, #tpu.memory_space<semaphore_mem>>) {add = true}
      %dma_start3A_76 = arith.constant 128 : i32
      %dma_start3A_77 = tpu.memref_slice %arg7[%dma_start3A_76] : memref<1024xi32, #tpu.memory_space<vmem>> -> memref<128xi32, #tpu.memory_space<vmem>>
      %dma_start3A_78 = arith.constant 0 : i32
      %dma_start3A_79 = arith.constant 0 : i32
      %dma_start3A_80 = tpu.memref_slice %arg2[%dma_start3A_78, %dma_start3A_79] : memref<10000x128xf32, #tpu.memory_space<hbm>> -> memref<10000x128xf32, #tpu.memory_space<hbm>>
      tpu.enqueue_indirect_dma source(%dma_start3A_80 : memref<10000x128xf32, #tpu.memory_space<hbm>>) target(%arg10 : memref<128x128xf32, #tpu.memory_space<vmem>>) offsets(%dma_start3A_77 : memref<128xi32, #tpu.memory_space<vmem>>) semaphore(%arg13 : memref<!tpu.dma_semaphore, #tpu.memory_space<semaphore_mem>>)
      %dma_wait3A_81 = arith.constant 128 : i32
      %dma_wait3A_82 = tpu.memref_slice %arg7[%dma_wait3A_81] : memref<1024xi32, #tpu.memory_space<vmem>> -> memref<128xi32, #tpu.memory_space<vmem>>
      %dma_wait3A_83 = arith.constant 0 : i32
      %dma_wait3A_84 = arith.constant 0 : i32
      %dma_wait3A_85 = tpu.memref_slice %arg2[%dma_wait3A_83, %dma_wait3A_84] : memref<10000x128xf32, #tpu.memory_space<hbm>> -> memref<10000x128xf32, #tpu.memory_space<hbm>>
      tpu.wait_indirect_dma semaphore(%arg13 : memref<!tpu.dma_semaphore, #tpu.memory_space<semaphore_mem>>) src(%dma_wait3A_85 : memref<10000x128xf32, #tpu.memory_space<hbm>>) dst(%arg10 : memref<128x128xf32, #tpu.memory_space<vmem>>)
      %dma_start3A_86 = arith.constant 1 : i32
      %dma_start3A_87 = arith.constant 0 : i32
      %dma_start3A_88 = tpu.memref_slice %arg8[%dma_start3A_86, %dma_start3A_87] : memref<8x128xi32, #tpu.memory_space<vmem>> -> memref<1x128xi32, #tpu.memory_space<vmem>>
      %dma_start3A_89 = tpu.memref_squeeze %dma_start3A_88 : memref<1x128xi32, #tpu.memory_space<vmem>> -> memref<128xi32, #tpu.memory_space<vmem>>
      %dma_start3A_90 = arith.constant 0 : i32
      %dma_start3A_91 = arith.constant 0 : i32
      %dma_start3A_92 = tpu.memref_slice %arg11[%dma_start3A_90, %dma_start3A_91] : memref<10112x128xf32, #tpu.memory_space<vmem_shared>> -> memref<10112x128xf32, #tpu.memory_space<vmem_shared>>
      tpu.enqueue_indirect_dma source(%arg10 : memref<128x128xf32, #tpu.memory_space<vmem>>) target(%dma_start3A_92 : memref<10112x128xf32, #tpu.memory_space<vmem_shared>>) offsets(%dma_start3A_89 : memref<128xi32, #tpu.memory_space<vmem>>) semaphore(%arg15 : memref<!tpu.dma_semaphore, #tpu.memory_space<semaphore_mem>>) {add = true}
      %dma_start3A_93 = arith.constant 1 : i32
      %dma_start3A_94 = arith.constant 0 : i32
      %dma_start3A_95 = tpu.memref_slice %arg8[%dma_start3A_93, %dma_start3A_94] : memref<8x128xi32, #tpu.memory_space<vmem>> -> memref<1x128xi32, #tpu.memory_space<vmem>>
      %dma_start3A_96 = tpu.memref_squeeze %dma_start3A_95 : memref<1x128xi32, #tpu.memory_space<vmem>> -> memref<128xi32, #tpu.memory_space<vmem>>
      %dma_start3A_97 = arith.constant 0 : i32
      %dma_start3A_98 = arith.constant 0 : i32
      %dma_start3A_99 = tpu.memref_slice %arg17[%dma_start3A_97, %dma_start3A_98] : memref<10112x16xf32, #tpu.memory_space<vmem_shared>> -> memref<10112x16xf32, #tpu.memory_space<vmem_shared>>
      tpu.enqueue_indirect_dma source(%arg16 : memref<128x16xf32, #tpu.memory_space<vmem>>) target(%dma_start3A_99 : memref<10112x16xf32, #tpu.memory_space<vmem_shared>>) offsets(%dma_start3A_96 : memref<128xi32, #tpu.memory_space<vmem>>) semaphore(%arg18 : memref<!tpu.dma_semaphore, #tpu.memory_space<semaphore_mem>>) {add = true}
      %dma_wait3A_100 = arith.constant 0 : i32
      %dma_wait3A_101 = arith.constant 0 : i32
      %dma_wait3A_102 = tpu.memref_slice %arg8[%dma_wait3A_100, %dma_wait3A_101] : memref<8x128xi32, #tpu.memory_space<vmem>> -> memref<1x128xi32, #tpu.memory_space<vmem>>
      %dma_wait3A_103 = tpu.memref_squeeze %dma_wait3A_102 : memref<1x128xi32, #tpu.memory_space<vmem>> -> memref<128xi32, #tpu.memory_space<vmem>>
      %dma_wait3A_104 = arith.constant 0 : i32
      %dma_wait3A_105 = arith.constant 0 : i32
      %dma_wait3A_106 = tpu.memref_slice %arg11[%dma_wait3A_104, %dma_wait3A_105] : memref<10112x128xf32, #tpu.memory_space<vmem_shared>> -> memref<10112x128xf32, #tpu.memory_space<vmem_shared>>
      tpu.wait_indirect_dma semaphore(%arg14 : memref<!tpu.dma_semaphore, #tpu.memory_space<semaphore_mem>>) src(%arg9 : memref<128x128xf32, #tpu.memory_space<vmem>>) dst(%dma_wait3A_106 : memref<10112x128xf32, #tpu.memory_space<vmem_shared>>)
      %dma_start3A_107 = arith.constant 256 : i32
      %dma_start3A_108 = tpu.memref_slice %arg7[%dma_start3A_107] : memref<1024xi32, #tpu.memory_space<vmem>> -> memref<128xi32, #tpu.memory_space<vmem>>
      %dma_start3A_109 = arith.constant 0 : i32
      %dma_start3A_110 = arith.constant 0 : i32
      %dma_start3A_111 = tpu.memref_slice %arg2[%dma_start3A_109, %dma_start3A_110] : memref<10000x128xf32, #tpu.memory_space<hbm>> -> memref<10000x128xf32, #tpu.memory_space<hbm>>
      tpu.enqueue_indirect_dma source(%dma_start3A_111 : memref<10000x128xf32, #tpu.memory_space<hbm>>) target(%arg9 : memref<128x128xf32, #tpu.memory_space<vmem>>) offsets(%dma_start3A_108 : memref<128xi32, #tpu.memory_space<vmem>>) semaphore(%arg12 : memref<!tpu.dma_semaphore, #tpu.memory_space<semaphore_mem>>)
      %dma_wait3A_112 = arith.constant 256 : i32
      %dma_wait3A_113 = tpu.memref_slice %arg7[%dma_wait3A_112] : memref<1024xi32, #tpu.memory_space<vmem>> -> memref<128xi32, #tpu.memory_space<vmem>>
      %dma_wait3A_114 = arith.constant 0 : i32
      %dma_wait3A_115 = arith.constant 0 : i32
      %dma_wait3A_116 = tpu.memref_slice %arg2[%dma_wait3A_114, %dma_wait3A_115] : memref<10000x128xf32, #tpu.memory_space<hbm>> -> memref<10000x128xf32, #tpu.memory_space<hbm>>
      tpu.wait_indirect_dma semaphore(%arg12 : memref<!tpu.dma_semaphore, #tpu.memory_space<semaphore_mem>>) src(%dma_wait3A_116 : memref<10000x128xf32, #tpu.memory_space<hbm>>) dst(%arg9 : memref<128x128xf32, #tpu.memory_space<vmem>>)
      %dma_start3A_117 = arith.constant 2 : i32
      %dma_start3A_118 = arith.constant 0 : i32
      %dma_start3A_119 = tpu.memref_slice %arg8[%dma_start3A_117, %dma_start3A_118] : memref<8x128xi32, #tpu.memory_space<vmem>> -> memref<1x128xi32, #tpu.memory_space<vmem>>
      %dma_start3A_120 = tpu.memref_squeeze %dma_start3A_119 : memref<1x128xi32, #tpu.memory_space<vmem>> -> memref<128xi32, #tpu.memory_space<vmem>>
      %dma_start3A_121 = arith.constant 0 : i32
      %dma_start3A_122 = arith.constant 0 : i32
      %dma_start3A_123 = tpu.memref_slice %arg11[%dma_start3A_121, %dma_start3A_122] : memref<10112x128xf32, #tpu.memory_space<vmem_shared>> -> memref<10112x128xf32, #tpu.memory_space<vmem_shared>>
      tpu.enqueue_indirect_dma source(%arg9 : memref<128x128xf32, #tpu.memory_space<vmem>>) target(%dma_start3A_123 : memref<10112x128xf32, #tpu.memory_space<vmem_shared>>) offsets(%dma_start3A_120 : memref<128xi32, #tpu.memory_space<vmem>>) semaphore(%arg14 : memref<!tpu.dma_semaphore, #tpu.memory_space<semaphore_mem>>) {add = true}
      %dma_start3A_124 = arith.constant 2 : i32
      %dma_start3A_125 = arith.constant 0 : i32
      %dma_start3A_126 = tpu.memref_slice %arg8[%dma_start3A_124, %dma_start3A_125] : memref<8x128xi32, #tpu.memory_space<vmem>> -> memref<1x128xi32, #tpu.memory_space<vmem>>
      %dma_start3A_127 = tpu.memref_squeeze %dma_start3A_126 : memref<1x128xi32, #tpu.memory_space<vmem>> -> memref<128xi32, #tpu.memory_space<vmem>>
      %dma_start3A_128 = arith.constant 0 : i32
      %dma_start3A_129 = arith.constant 0 : i32
      %dma_start3A_130 = tpu.memref_slice %arg17[%dma_start3A_128, %dma_start3A_129] : memref<10112x16xf32, #tpu.memory_space<vmem_shared>> -> memref<10112x16xf32, #tpu.memory_space<vmem_shared>>
      tpu.enqueue_indirect_dma source(%arg16 : memref<128x16xf32, #tpu.memory_space<vmem>>) target(%dma_start3A_130 : memref<10112x16xf32, #tpu.memory_space<vmem_shared>>) offsets(%dma_start3A_127 : memref<128xi32, #tpu.memory_space<vmem>>) semaphore(%arg18 : memref<!tpu.dma_semaphore, #tpu.memory_space<semaphore_mem>>) {add = true}
      %dma_wait3A_131 = arith.constant 1 : i32
      %dma_wait3A_132 = arith.constant 0 : i32
      %dma_wait3A_133 = tpu.memref_slice %arg8[%dma_wait3A_131, %dma_wait3A_132] : memref<8x128xi32, #tpu.memory_space<vmem>> -> memref<1x128xi32, #tpu.memory_space<vmem>>
      %dma_wait3A_134 = tpu.memref_squeeze %dma_wait3A_133 : memref<1x128xi32, #tpu.memory_space<vmem>> -> memref<128xi32, #tpu.memory_space<vmem>>
      %dma_wait3A_135 = arith.constant 0 : i32
      %dma_wait3A_136 = arith.constant 0 : i32
      %dma_wait3A_137 = tpu.memref_slice %arg11[%dma_wait3A_135, %dma_wait3A_136] : memref<10112x128xf32, #tpu.memory_space<vmem_shared>> -> memref<10112x128xf32, #tpu.memory_space<vmem_shared>>
      tpu.wait_indirect_dma semaphore(%arg15 : memref<!tpu.dma_semaphore, #tpu.memory_space<semaphore_mem>>) src(%arg10 : memref<128x128xf32, #tpu.memory_space<vmem>>) dst(%dma_wait3A_137 : memref<10112x128xf32, #tpu.memory_space<vmem_shared>>)
      %dma_start3A_138 = arith.constant 384 : i32
      %dma_start3A_139 = tpu.memref_slice %arg7[%dma_start3A_138] : memref<1024xi32, #tpu.memory_space<vmem>> -> memref<128xi32, #tpu.memory_space<vmem>>
      %dma_start3A_140 = arith.constant 0 : i32
      %dma_start3A_141 = arith.constant 0 : i32
      %dma_start3A_142 = tpu.memref_slice %arg2[%dma_start3A_140, %dma_start3A_141] : memref<10000x128xf32, #tpu.memory_space<hbm>> -> memref<10000x128xf32, #tpu.memory_space<hbm>>
      tpu.enqueue_indirect_dma source(%dma_start3A_142 : memref<10000x128xf32, #tpu.memory_space<hbm>>) target(%arg10 : memref<128x128xf32, #tpu.memory_space<vmem>>) offsets(%dma_start3A_139 : memref<128xi32, #tpu.memory_space<vmem>>) semaphore(%arg13 : memref<!tpu.dma_semaphore, #tpu.memory_space<semaphore_mem>>)
      %dma_wait3A_143 = arith.constant 384 : i32
      %dma_wait3A_144 = tpu.memref_slice %arg7[%dma_wait3A_143] : memref<1024xi32, #tpu.memory_space<vmem>> -> memref<128xi32, #tpu.memory_space<vmem>>
      %dma_wait3A_145 = arith.constant 0 : i32
      %dma_wait3A_146 = arith.constant 0 : i32
      %dma_wait3A_147 = tpu.memref_slice %arg2[%dma_wait3A_145, %dma_wait3A_146] : memref<10000x128xf32, #tpu.memory_space<hbm>> -> memref<10000x128xf32, #tpu.memory_space<hbm>>
      tpu.wait_indirect_dma semaphore(%arg13 : memref<!tpu.dma_semaphore, #tpu.memory_space<semaphore_mem>>) src(%dma_wait3A_147 : memref<10000x128xf32, #tpu.memory_space<hbm>>) dst(%arg10 : memref<128x128xf32, #tpu.memory_space<vmem>>)
      %dma_start3A_148 = arith.constant 3 : i32
      %dma_start3A_149 = arith.constant 0 : i32
      %dma_start3A_150 = tpu.memref_slice %arg8[%dma_start3A_148, %dma_start3A_149] : memref<8x128xi32, #tpu.memory_space<vmem>> -> memref<1x128xi32, #tpu.memory_space<vmem>>
      %dma_start3A_151 = tpu.memref_squeeze %dma_start3A_150 : memref<1x128xi32, #tpu.memory_space<vmem>> -> memref<128xi32, #tpu.memory_space<vmem>>
      %dma_start3A_152 = arith.constant 0 : i32
      %dma_start3A_153 = arith.constant 0 : i32
      %dma_start3A_154 = tpu.memref_slice %arg11[%dma_start3A_152, %dma_start3A_153] : memref<10112x128xf32, #tpu.memory_space<vmem_shared>> -> memref<10112x128xf32, #tpu.memory_space<vmem_shared>>
      tpu.enqueue_indirect_dma source(%arg10 : memref<128x128xf32, #tpu.memory_space<vmem>>) target(%dma_start3A_154 : memref<10112x128xf32, #tpu.memory_space<vmem_shared>>) offsets(%dma_start3A_151 : memref<128xi32, #tpu.memory_space<vmem>>) semaphore(%arg15 : memref<!tpu.dma_semaphore, #tpu.memory_space<semaphore_mem>>) {add = true}
      %dma_start3A_155 = arith.constant 3 : i32
      %dma_start3A_156 = arith.constant 0 : i32
      %dma_start3A_157 = tpu.memref_slice %arg8[%dma_start3A_155, %dma_start3A_156] : memref<8x128xi32, #tpu.memory_space<vmem>> -> memref<1x128xi32, #tpu.memory_space<vmem>>
      %dma_start3A_158 = tpu.memref_squeeze %dma_start3A_157 : memref<1x128xi32, #tpu.memory_space<vmem>> -> memref<128xi32, #tpu.memory_space<vmem>>
      %dma_start3A_159 = arith.constant 0 : i32
      %dma_start3A_160 = arith.constant 0 : i32
      %dma_start3A_161 = tpu.memref_slice %arg17[%dma_start3A_159, %dma_start3A_160] : memref<10112x16xf32, #tpu.memory_space<vmem_shared>> -> memref<10112x16xf32, #tpu.memory_space<vmem_shared>>
      tpu.enqueue_indirect_dma source(%arg16 : memref<128x16xf32, #tpu.memory_space<vmem>>) target(%dma_start3A_161 : memref<10112x16xf32, #tpu.memory_space<vmem_shared>>) offsets(%dma_start3A_158 : memref<128xi32, #tpu.memory_space<vmem>>) semaphore(%arg18 : memref<!tpu.dma_semaphore, #tpu.memory_space<semaphore_mem>>) {add = true}
      %dma_wait3A_162 = arith.constant 2 : i32
      %dma_wait3A_163 = arith.constant 0 : i32
      %dma_wait3A_164 = tpu.memref_slice %arg8[%dma_wait3A_162, %dma_wait3A_163] : memref<8x128xi32, #tpu.memory_space<vmem>> -> memref<1x128xi32, #tpu.memory_space<vmem>>
      %dma_wait3A_165 = tpu.memref_squeeze %dma_wait3A_164 : memref<1x128xi32, #tpu.memory_space<vmem>> -> memref<128xi32, #tpu.memory_space<vmem>>
      %dma_wait3A_166 = arith.constant 0 : i32
      %dma_wait3A_167 = arith.constant 0 : i32
      %dma_wait3A_168 = tpu.memref_slice %arg11[%dma_wait3A_166, %dma_wait3A_167] : memref<10112x128xf32, #tpu.memory_space<vmem_shared>> -> memref<10112x128xf32, #tpu.memory_space<vmem_shared>>
      tpu.wait_indirect_dma semaphore(%arg14 : memref<!tpu.dma_semaphore, #tpu.memory_space<semaphore_mem>>) src(%arg9 : memref<128x128xf32, #tpu.memory_space<vmem>>) dst(%dma_wait3A_168 : memref<10112x128xf32, #tpu.memory_space<vmem_shared>>)
      %dma_start3A_169 = arith.constant 512 : i32
      %dma_start3A_170 = tpu.memref_slice %arg7[%dma_start3A_169] : memref<1024xi32, #tpu.memory_space<vmem>> -> memref<128xi32, #tpu.memory_space<vmem>>
      %dma_start3A_171 = arith.constant 0 : i32
      %dma_start3A_172 = arith.constant 0 : i32
      %dma_start3A_173 = tpu.memref_slice %arg2[%dma_start3A_171, %dma_start3A_172] : memref<10000x128xf32, #tpu.memory_space<hbm>> -> memref<10000x128xf32, #tpu.memory_space<hbm>>
      tpu.enqueue_indirect_dma source(%dma_start3A_173 : memref<10000x128xf32, #tpu.memory_space<hbm>>) target(%arg9 : memref<128x128xf32, #tpu.memory_space<vmem>>) offsets(%dma_start3A_170 : memref<128xi32, #tpu.memory_space<vmem>>) semaphore(%arg12 : memref<!tpu.dma_semaphore, #tpu.memory_space<semaphore_mem>>)
      %dma_wait3A_174 = arith.constant 512 : i32
      %dma_wait3A_175 = tpu.memref_slice %arg7[%dma_wait3A_174] : memref<1024xi32, #tpu.memory_space<vmem>> -> memref<128xi32, #tpu.memory_space<vmem>>
      %dma_wait3A_176 = arith.constant 0 : i32
      %dma_wait3A_177 = arith.constant 0 : i32
      %dma_wait3A_178 = tpu.memref_slice %arg2[%dma_wait3A_176, %dma_wait3A_177] : memref<10000x128xf32, #tpu.memory_space<hbm>> -> memref<10000x128xf32, #tpu.memory_space<hbm>>
      tpu.wait_indirect_dma semaphore(%arg12 : memref<!tpu.dma_semaphore, #tpu.memory_space<semaphore_mem>>) src(%dma_wait3A_178 : memref<10000x128xf32, #tpu.memory_space<hbm>>) dst(%arg9 : memref<128x128xf32, #tpu.memory_space<vmem>>)
      %dma_start3A_179 = arith.constant 4 : i32
      %dma_start3A_180 = arith.constant 0 : i32
      %dma_start3A_181 = tpu.memref_slice %arg8[%dma_start3A_179, %dma_start3A_180] : memref<8x128xi32, #tpu.memory_space<vmem>> -> memref<1x128xi32, #tpu.memory_space<vmem>>
      %dma_start3A_182 = tpu.memref_squeeze %dma_start3A_181 : memref<1x128xi32, #tpu.memory_space<vmem>> -> memref<128xi32, #tpu.memory_space<vmem>>
      %dma_start3A_183 = arith.constant 0 : i32
      %dma_start3A_184 = arith.constant 0 : i32
      %dma_start3A_185 = tpu.memref_slice %arg11[%dma_start3A_183, %dma_start3A_184] : memref<10112x128xf32, #tpu.memory_space<vmem_shared>> -> memref<10112x128xf32, #tpu.memory_space<vmem_shared>>
      tpu.enqueue_indirect_dma source(%arg9 : memref<128x128xf32, #tpu.memory_space<vmem>>) target(%dma_start3A_185 : memref<10112x128xf32, #tpu.memory_space<vmem_shared>>) offsets(%dma_start3A_182 : memref<128xi32, #tpu.memory_space<vmem>>) semaphore(%arg14 : memref<!tpu.dma_semaphore, #tpu.memory_space<semaphore_mem>>) {add = true}
      %dma_start3A_186 = arith.constant 4 : i32
      %dma_start3A_187 = arith.constant 0 : i32
      %dma_start3A_188 = tpu.memref_slice %arg8[%dma_start3A_186, %dma_start3A_187] : memref<8x128xi32, #tpu.memory_space<vmem>> -> memref<1x128xi32, #tpu.memory_space<vmem>>
      %dma_start3A_189 = tpu.memref_squeeze %dma_start3A_188 : memref<1x128xi32, #tpu.memory_space<vmem>> -> memref<128xi32, #tpu.memory_space<vmem>>
      %dma_start3A_190 = arith.constant 0 : i32
      %dma_start3A_191 = arith.constant 0 : i32
      %dma_start3A_192 = tpu.memref_slice %arg17[%dma_start3A_190, %dma_start3A_191] : memref<10112x16xf32, #tpu.memory_space<vmem_shared>> -> memref<10112x16xf32, #tpu.memory_space<vmem_shared>>
      tpu.enqueue_indirect_dma source(%arg16 : memref<128x16xf32, #tpu.memory_space<vmem>>) target(%dma_start3A_192 : memref<10112x16xf32, #tpu.memory_space<vmem_shared>>) offsets(%dma_start3A_189 : memref<128xi32, #tpu.memory_space<vmem>>) semaphore(%arg18 : memref<!tpu.dma_semaphore, #tpu.memory_space<semaphore_mem>>) {add = true}
      %dma_wait3A_193 = arith.constant 3 : i32
      %dma_wait3A_194 = arith.constant 0 : i32
      %dma_wait3A_195 = tpu.memref_slice %arg8[%dma_wait3A_193, %dma_wait3A_194] : memref<8x128xi32, #tpu.memory_space<vmem>> -> memref<1x128xi32, #tpu.memory_space<vmem>>
      %dma_wait3A_196 = tpu.memref_squeeze %dma_wait3A_195 : memref<1x128xi32, #tpu.memory_space<vmem>> -> memref<128xi32, #tpu.memory_space<vmem>>
      %dma_wait3A_197 = arith.constant 0 : i32
      %dma_wait3A_198 = arith.constant 0 : i32
      %dma_wait3A_199 = tpu.memref_slice %arg11[%dma_wait3A_197, %dma_wait3A_198] : memref<10112x128xf32, #tpu.memory_space<vmem_shared>> -> memref<10112x128xf32, #tpu.memory_space<vmem_shared>>
      tpu.wait_indirect_dma semaphore(%arg15 : memref<!tpu.dma_semaphore, #tpu.memory_space<semaphore_mem>>) src(%arg10 : memref<128x128xf32, #tpu.memory_space<vmem>>) dst(%dma_wait3A_199 : memref<10112x128xf32, #tpu.memory_space<vmem_shared>>)
      %dma_start3A_200 = arith.constant 640 : i32
      %dma_start3A_201 = tpu.memref_slice %arg7[%dma_start3A_200] : memref<1024xi32, #tpu.memory_space<vmem>> -> memref<128xi32, #tpu.memory_space<vmem>>
      %dma_start3A_202 = arith.constant 0 : i32
      %dma_start3A_203 = arith.constant 0 : i32
      %dma_start3A_204 = tpu.memref_slice %arg2[%dma_start3A_202, %dma_start3A_203] : memref<10000x128xf32, #tpu.memory_space<hbm>> -> memref<10000x128xf32, #tpu.memory_space<hbm>>
      tpu.enqueue_indirect_dma source(%dma_start3A_204 : memref<10000x128xf32, #tpu.memory_space<hbm>>) target(%arg10 : memref<128x128xf32, #tpu.memory_space<vmem>>) offsets(%dma_start3A_201 : memref<128xi32, #tpu.memory_space<vmem>>) semaphore(%arg13 : memref<!tpu.dma_semaphore, #tpu.memory_space<semaphore_mem>>)
      %dma_wait3A_205 = arith.constant 640 : i32
      %dma_wait3A_206 = tpu.memref_slice %arg7[%dma_wait3A_205] : memref<1024xi32, #tpu.memory_space<vmem>> -> memref<128xi32, #tpu.memory_space<vmem>>
      %dma_wait3A_207 = arith.constant 0 : i32
      %dma_wait3A_208 = arith.constant 0 : i32
      %dma_wait3A_209 = tpu.memref_slice %arg2[%dma_wait3A_207, %dma_wait3A_208] : memref<10000x128xf32, #tpu.memory_space<hbm>> -> memref<10000x128xf32, #tpu.memory_space<hbm>>
      tpu.wait_indirect_dma semaphore(%arg13 : memref<!tpu.dma_semaphore, #tpu.memory_space<semaphore_mem>>) src(%dma_wait3A_209 : memref<10000x128xf32, #tpu.memory_space<hbm>>) dst(%arg10 : memref<128x128xf32, #tpu.memory_space<vmem>>)
      %dma_start3A_210 = arith.constant 5 : i32
      %dma_start3A_211 = arith.constant 0 : i32
      %dma_start3A_212 = tpu.memref_slice %arg8[%dma_start3A_210, %dma_start3A_211] : memref<8x128xi32, #tpu.memory_space<vmem>> -> memref<1x128xi32, #tpu.memory_space<vmem>>
      %dma_start3A_213 = tpu.memref_squeeze %dma_start3A_212 : memref<1x128xi32, #tpu.memory_space<vmem>> -> memref<128xi32, #tpu.memory_space<vmem>>
      %dma_start3A_214 = arith.constant 0 : i32
      %dma_start3A_215 = arith.constant 0 : i32
      %dma_start3A_216 = tpu.memref_slice %arg11[%dma_start3A_214, %dma_start3A_215] : memref<10112x128xf32, #tpu.memory_space<vmem_shared>> -> memref<10112x128xf32, #tpu.memory_space<vmem_shared>>
      tpu.enqueue_indirect_dma source(%arg10 : memref<128x128xf32, #tpu.memory_space<vmem>>) target(%dma_start3A_216 : memref<10112x128xf32, #tpu.memory_space<vmem_shared>>) offsets(%dma_start3A_213 : memref<128xi32, #tpu.memory_space<vmem>>) semaphore(%arg15 : memref<!tpu.dma_semaphore, #tpu.memory_space<semaphore_mem>>) {add = true}
      %dma_start3A_217 = arith.constant 5 : i32
      %dma_start3A_218 = arith.constant 0 : i32
      %dma_start3A_219 = tpu.memref_slice %arg8[%dma_start3A_217, %dma_start3A_218] : memref<8x128xi32, #tpu.memory_space<vmem>> -> memref<1x128xi32, #tpu.memory_space<vmem>>
      %dma_start3A_220 = tpu.memref_squeeze %dma_start3A_219 : memref<1x128xi32, #tpu.memory_space<vmem>> -> memref<128xi32, #tpu.memory_space<vmem>>
      %dma_start3A_221 = arith.constant 0 : i32
      %dma_start3A_222 = arith.constant 0 : i32
      %dma_start3A_223 = tpu.memref_slice %arg17[%dma_start3A_221, %dma_start3A_222] : memref<10112x16xf32, #tpu.memory_space<vmem_shared>> -> memref<10112x16xf32, #tpu.memory_space<vmem_shared>>
      tpu.enqueue_indirect_dma source(%arg16 : memref<128x16xf32, #tpu.memory_space<vmem>>) target(%dma_start3A_223 : memref<10112x16xf32, #tpu.memory_space<vmem_shared>>) offsets(%dma_start3A_220 : memref<128xi32, #tpu.memory_space<vmem>>) semaphore(%arg18 : memref<!tpu.dma_semaphore, #tpu.memory_space<semaphore_mem>>) {add = true}
      %dma_wait3A_224 = arith.constant 4 : i32
      %dma_wait3A_225 = arith.constant 0 : i32
      %dma_wait3A_226 = tpu.memref_slice %arg8[%dma_wait3A_224, %dma_wait3A_225] : memref<8x128xi32, #tpu.memory_space<vmem>> -> memref<1x128xi32, #tpu.memory_space<vmem>>
      %dma_wait3A_227 = tpu.memref_squeeze %dma_wait3A_226 : memref<1x128xi32, #tpu.memory_space<vmem>> -> memref<128xi32, #tpu.memory_space<vmem>>
      %dma_wait3A_228 = arith.constant 0 : i32
      %dma_wait3A_229 = arith.constant 0 : i32
      %dma_wait3A_230 = tpu.memref_slice %arg11[%dma_wait3A_228, %dma_wait3A_229] : memref<10112x128xf32, #tpu.memory_space<vmem_shared>> -> memref<10112x128xf32, #tpu.memory_space<vmem_shared>>
      tpu.wait_indirect_dma semaphore(%arg14 : memref<!tpu.dma_semaphore, #tpu.memory_space<semaphore_mem>>) src(%arg9 : memref<128x128xf32, #tpu.memory_space<vmem>>) dst(%dma_wait3A_230 : memref<10112x128xf32, #tpu.memory_space<vmem_shared>>)
      %dma_start3A_231 = arith.constant 768 : i32
      %dma_start3A_232 = tpu.memref_slice %arg7[%dma_start3A_231] : memref<1024xi32, #tpu.memory_space<vmem>> -> memref<128xi32, #tpu.memory_space<vmem>>
      %dma_start3A_233 = arith.constant 0 : i32
      %dma_start3A_234 = arith.constant 0 : i32
      %dma_start3A_235 = tpu.memref_slice %arg2[%dma_start3A_233, %dma_start3A_234] : memref<10000x128xf32, #tpu.memory_space<hbm>> -> memref<10000x128xf32, #tpu.memory_space<hbm>>
      tpu.enqueue_indirect_dma source(%dma_start3A_235 : memref<10000x128xf32, #tpu.memory_space<hbm>>) target(%arg9 : memref<128x128xf32, #tpu.memory_space<vmem>>) offsets(%dma_start3A_232 : memref<128xi32, #tpu.memory_space<vmem>>) semaphore(%arg12 : memref<!tpu.dma_semaphore, #tpu.memory_space<semaphore_mem>>)
      %dma_wait3A_236 = arith.constant 768 : i32
      %dma_wait3A_237 = tpu.memref_slice %arg7[%dma_wait3A_236] : memref<1024xi32, #tpu.memory_space<vmem>> -> memref<128xi32, #tpu.memory_space<vmem>>
      %dma_wait3A_238 = arith.constant 0 : i32
      %dma_wait3A_239 = arith.constant 0 : i32
      %dma_wait3A_240 = tpu.memref_slice %arg2[%dma_wait3A_238, %dma_wait3A_239] : memref<10000x128xf32, #tpu.memory_space<hbm>> -> memref<10000x128xf32, #tpu.memory_space<hbm>>
      tpu.wait_indirect_dma semaphore(%arg12 : memref<!tpu.dma_semaphore, #tpu.memory_space<semaphore_mem>>) src(%dma_wait3A_240 : memref<10000x128xf32, #tpu.memory_space<hbm>>) dst(%arg9 : memref<128x128xf32, #tpu.memory_space<vmem>>)
      %dma_start3A_241 = arith.constant 6 : i32
      %dma_start3A_242 = arith.constant 0 : i32
      %dma_start3A_243 = tpu.memref_slice %arg8[%dma_start3A_241, %dma_start3A_242] : memref<8x128xi32, #tpu.memory_space<vmem>> -> memref<1x128xi32, #tpu.memory_space<vmem>>
      %dma_start3A_244 = tpu.memref_squeeze %dma_start3A_243 : memref<1x128xi32, #tpu.memory_space<vmem>> -> memref<128xi32, #tpu.memory_space<vmem>>
      %dma_start3A_245 = arith.constant 0 : i32
      %dma_start3A_246 = arith.constant 0 : i32
      %dma_start3A_247 = tpu.memref_slice %arg11[%dma_start3A_245, %dma_start3A_246] : memref<10112x128xf32, #tpu.memory_space<vmem_shared>> -> memref<10112x128xf32, #tpu.memory_space<vmem_shared>>
      tpu.enqueue_indirect_dma source(%arg9 : memref<128x128xf32, #tpu.memory_space<vmem>>) target(%dma_start3A_247 : memref<10112x128xf32, #tpu.memory_space<vmem_shared>>) offsets(%dma_start3A_244 : memref<128xi32, #tpu.memory_space<vmem>>) semaphore(%arg14 : memref<!tpu.dma_semaphore, #tpu.memory_space<semaphore_mem>>) {add = true}
      %dma_start3A_248 = arith.constant 6 : i32
      %dma_start3A_249 = arith.constant 0 : i32
      %dma_start3A_250 = tpu.memref_slice %arg8[%dma_start3A_248, %dma_start3A_249] : memref<8x128xi32, #tpu.memory_space<vmem>> -> memref<1x128xi32, #tpu.memory_space<vmem>>
      %dma_start3A_251 = tpu.memref_squeeze %dma_start3A_250 : memref<1x128xi32, #tpu.memory_space<vmem>> -> memref<128xi32, #tpu.memory_space<vmem>>
      %dma_start3A_252 = arith.constant 0 : i32
      %dma_start3A_253 = arith.constant 0 : i32
      %dma_start3A_254 = tpu.memref_slice %arg17[%dma_start3A_252, %dma_start3A_253] : memref<10112x16xf32, #tpu.memory_space<vmem_shared>> -> memref<10112x16xf32, #tpu.memory_space<vmem_shared>>
      tpu.enqueue_indirect_dma source(%arg16 : memref<128x16xf32, #tpu.memory_space<vmem>>) target(%dma_start3A_254 : memref<10112x16xf32, #tpu.memory_space<vmem_shared>>) offsets(%dma_start3A_251 : memref<128xi32, #tpu.memory_space<vmem>>) semaphore(%arg18 : memref<!tpu.dma_semaphore, #tpu.memory_space<semaphore_mem>>) {add = true}
      %dma_wait3A_255 = arith.constant 5 : i32
      %dma_wait3A_256 = arith.constant 0 : i32
      %dma_wait3A_257 = tpu.memref_slice %arg8[%dma_wait3A_255, %dma_wait3A_256] : memref<8x128xi32, #tpu.memory_space<vmem>> -> memref<1x128xi32, #tpu.memory_space<vmem>>
      %dma_wait3A_258 = tpu.memref_squeeze %dma_wait3A_257 : memref<1x128xi32, #tpu.memory_space<vmem>> -> memref<128xi32, #tpu.memory_space<vmem>>
      %dma_wait3A_259 = arith.constant 0 : i32
      %dma_wait3A_260 = arith.constant 0 : i32
      %dma_wait3A_261 = tpu.memref_slice %arg11[%dma_wait3A_259, %dma_wait3A_260] : memref<10112x128xf32, #tpu.memory_space<vmem_shared>> -> memref<10112x128xf32, #tpu.memory_space<vmem_shared>>
      tpu.wait_indirect_dma semaphore(%arg15 : memref<!tpu.dma_semaphore, #tpu.memory_space<semaphore_mem>>) src(%arg10 : memref<128x128xf32, #tpu.memory_space<vmem>>) dst(%dma_wait3A_261 : memref<10112x128xf32, #tpu.memory_space<vmem_shared>>)
      %dma_start3A_262 = arith.constant 896 : i32
      %dma_start3A_263 = tpu.memref_slice %arg7[%dma_start3A_262] : memref<1024xi32, #tpu.memory_space<vmem>> -> memref<128xi32, #tpu.memory_space<vmem>>
      %dma_start3A_264 = arith.constant 0 : i32
      %dma_start3A_265 = arith.constant 0 : i32
      %dma_start3A_266 = tpu.memref_slice %arg2[%dma_start3A_264, %dma_start3A_265] : memref<10000x128xf32, #tpu.memory_space<hbm>> -> memref<10000x128xf32, #tpu.memory_space<hbm>>
      tpu.enqueue_indirect_dma source(%dma_start3A_266 : memref<10000x128xf32, #tpu.memory_space<hbm>>) target(%arg10 : memref<128x128xf32, #tpu.memory_space<vmem>>) offsets(%dma_start3A_263 : memref<128xi32, #tpu.memory_space<vmem>>) semaphore(%arg13 : memref<!tpu.dma_semaphore, #tpu.memory_space<semaphore_mem>>)
      %dma_wait3A_267 = arith.constant 896 : i32
      %dma_wait3A_268 = tpu.memref_slice %arg7[%dma_wait3A_267] : memref<1024xi32, #tpu.memory_space<vmem>> -> memref<128xi32, #tpu.memory_space<vmem>>
      %dma_wait3A_269 = arith.constant 0 : i32
      %dma_wait3A_270 = arith.constant 0 : i32
      %dma_wait3A_271 = tpu.memref_slice %arg2[%dma_wait3A_269, %dma_wait3A_270] : memref<10000x128xf32, #tpu.memory_space<hbm>> -> memref<10000x128xf32, #tpu.memory_space<hbm>>
      tpu.wait_indirect_dma semaphore(%arg13 : memref<!tpu.dma_semaphore, #tpu.memory_space<semaphore_mem>>) src(%dma_wait3A_271 : memref<10000x128xf32, #tpu.memory_space<hbm>>) dst(%arg10 : memref<128x128xf32, #tpu.memory_space<vmem>>)
      %dma_start3A_272 = arith.constant 7 : i32
      %dma_start3A_273 = arith.constant 0 : i32
      %dma_start3A_274 = tpu.memref_slice %arg8[%dma_start3A_272, %dma_start3A_273] : memref<8x128xi32, #tpu.memory_space<vmem>> -> memref<1x128xi32, #tpu.memory_space<vmem>>
      %dma_start3A_275 = tpu.memref_squeeze %dma_start3A_274 : memref<1x128xi32, #tpu.memory_space<vmem>> -> memref<128xi32, #tpu.memory_space<vmem>>
      %dma_start3A_276 = arith.constant 0 : i32
      %dma_start3A_277 = arith.constant 0 : i32
      %dma_start3A_278 = tpu.memref_slice %arg11[%dma_start3A_276, %dma_start3A_277] : memref<10112x128xf32, #tpu.memory_space<vmem_shared>> -> memref<10112x128xf32, #tpu.memory_space<vmem_shared>>
      tpu.enqueue_indirect_dma source(%arg10 : memref<128x128xf32, #tpu.memory_space<vmem>>) target(%dma_start3A_278 : memref<10112x128xf32, #tpu.memory_space<vmem_shared>>) offsets(%dma_start3A_275 : memref<128xi32, #tpu.memory_space<vmem>>) semaphore(%arg15 : memref<!tpu.dma_semaphore, #tpu.memory_space<semaphore_mem>>) {add = true}
      %dma_start3A_279 = arith.constant 7 : i32
      %dma_start3A_280 = arith.constant 0 : i32
      %dma_start3A_281 = tpu.memref_slice %arg8[%dma_start3A_279, %dma_start3A_280] : memref<8x128xi32, #tpu.memory_space<vmem>> -> memref<1x128xi32, #tpu.memory_space<vmem>>
      %dma_start3A_282 = tpu.memref_squeeze %dma_start3A_281 : memref<1x128xi32, #tpu.memory_space<vmem>> -> memref<128xi32, #tpu.memory_space<vmem>>
      %dma_start3A_283 = arith.constant 0 : i32
      %dma_start3A_284 = arith.constant 0 : i32
      %dma_start3A_285 = tpu.memref_slice %arg17[%dma_start3A_283, %dma_start3A_284] : memref<10112x16xf32, #tpu.memory_space<vmem_shared>> -> memref<10112x16xf32, #tpu.memory_space<vmem_shared>>
      tpu.enqueue_indirect_dma source(%arg16 : memref<128x16xf32, #tpu.memory_space<vmem>>) target(%dma_start3A_285 : memref<10112x16xf32, #tpu.memory_space<vmem_shared>>) offsets(%dma_start3A_282 : memref<128xi32, #tpu.memory_space<vmem>>) semaphore(%arg18 : memref<!tpu.dma_semaphore, #tpu.memory_space<semaphore_mem>>) {add = true}
      %dma_wait3A_286 = arith.constant 6 : i32
      %dma_wait3A_287 = arith.constant 0 : i32
      %dma_wait3A_288 = tpu.memref_slice %arg8[%dma_wait3A_286, %dma_wait3A_287] : memref<8x128xi32, #tpu.memory_space<vmem>> -> memref<1x128xi32, #tpu.memory_space<vmem>>
      %dma_wait3A_289 = tpu.memref_squeeze %dma_wait3A_288 : memref<1x128xi32, #tpu.memory_space<vmem>> -> memref<128xi32, #tpu.memory_space<vmem>>
      %dma_wait3A_290 = arith.constant 0 : i32
      %dma_wait3A_291 = arith.constant 0 : i32
      %dma_wait3A_292 = tpu.memref_slice %arg11[%dma_wait3A_290, %dma_wait3A_291] : memref<10112x128xf32, #tpu.memory_space<vmem_shared>> -> memref<10112x128xf32, #tpu.memory_space<vmem_shared>>
      tpu.wait_indirect_dma semaphore(%arg14 : memref<!tpu.dma_semaphore, #tpu.memory_space<semaphore_mem>>) src(%arg9 : memref<128x128xf32, #tpu.memory_space<vmem>>) dst(%dma_wait3A_292 : memref<10112x128xf32, #tpu.memory_space<vmem_shared>>)
      %dma_wait3A_293 = arith.constant 7 : i32
      %dma_wait3A_294 = arith.constant 0 : i32
      %dma_wait3A_295 = tpu.memref_slice %arg8[%dma_wait3A_293, %dma_wait3A_294] : memref<8x128xi32, #tpu.memory_space<vmem>> -> memref<1x128xi32, #tpu.memory_space<vmem>>
      %dma_wait3A_296 = tpu.memref_squeeze %dma_wait3A_295 : memref<1x128xi32, #tpu.memory_space<vmem>> -> memref<128xi32, #tpu.memory_space<vmem>>
      %dma_wait3A_297 = arith.constant 0 : i32
      %dma_wait3A_298 = arith.constant 0 : i32
      %dma_wait3A_299 = tpu.memref_slice %arg11[%dma_wait3A_297, %dma_wait3A_298] : memref<10112x128xf32, #tpu.memory_space<vmem_shared>> -> memref<10112x128xf32, #tpu.memory_space<vmem_shared>>
      tpu.wait_indirect_dma semaphore(%arg15 : memref<!tpu.dma_semaphore, #tpu.memory_space<semaphore_mem>>) src(%arg10 : memref<128x128xf32, #tpu.memory_space<vmem>>) dst(%dma_wait3A_299 : memref<10112x128xf32, #tpu.memory_space<vmem_shared>>)
      %dma_wait3A_300 = arith.constant 0 : i32
      %dma_wait3A_301 = arith.constant 0 : i32
      %dma_wait3A_302 = tpu.memref_slice %arg8[%dma_wait3A_300, %dma_wait3A_301] : memref<8x128xi32, #tpu.memory_space<vmem>> -> memref<1x128xi32, #tpu.memory_space<vmem>>
      %dma_wait3A_303 = tpu.memref_squeeze %dma_wait3A_302 : memref<1x128xi32, #tpu.memory_space<vmem>> -> memref<128xi32, #tpu.memory_space<vmem>>
      %dma_wait3A_304 = arith.constant 0 : i32
      %dma_wait3A_305 = arith.constant 0 : i32
      %dma_wait3A_306 = tpu.memref_slice %arg17[%dma_wait3A_304, %dma_wait3A_305] : memref<10112x16xf32, #tpu.memory_space<vmem_shared>> -> memref<10112x16xf32, #tpu.memory_space<vmem_shared>>
      tpu.wait_indirect_dma semaphore(%arg18 : memref<!tpu.dma_semaphore, #tpu.memory_space<semaphore_mem>>) src(%arg16 : memref<128x16xf32, #tpu.memory_space<vmem>>) dst(%dma_wait3A_306 : memref<10112x16xf32, #tpu.memory_space<vmem_shared>>)
      %dma_wait3A_307 = arith.constant 1 : i32
      %dma_wait3A_308 = arith.constant 0 : i32
      %dma_wait3A_309 = tpu.memref_slice %arg8[%dma_wait3A_307, %dma_wait3A_308] : memref<8x128xi32, #tpu.memory_space<vmem>> -> memref<1x128xi32, #tpu.memory_space<vmem>>
      %dma_wait3A_310 = tpu.memref_squeeze %dma_wait3A_309 : memref<1x128xi32, #tpu.memory_space<vmem>> -> memref<128xi32, #tpu.memory_space<vmem>>
      %dma_wait3A_311 = arith.constant 0 : i32
      %dma_wait3A_312 = arith.constant 0 : i32
      %dma_wait3A_313 = tpu.memref_slice %arg17[%dma_wait3A_311, %dma_wait3A_312] : memref<10112x16xf32, #tpu.memory_space<vmem_shared>> -> memref<10112x16xf32, #tpu.memory_space<vmem_shared>>
      tpu.wait_indirect_dma semaphore(%arg18 : memref<!tpu.dma_semaphore, #tpu.memory_space<semaphore_mem>>) src(%arg16 : memref<128x16xf32, #tpu.memory_space<vmem>>) dst(%dma_wait3A_313 : memref<10112x16xf32, #tpu.memory_space<vmem_shared>>)
      %dma_wait3A_314 = arith.constant 2 : i32
      %dma_wait3A_315 = arith.constant 0 : i32
      %dma_wait3A_316 = tpu.memref_slice %arg8[%dma_wait3A_314, %dma_wait3A_315] : memref<8x128xi32, #tpu.memory_space<vmem>> -> memref<1x128xi32, #tpu.memory_space<vmem>>
      %dma_wait3A_317 = tpu.memref_squeeze %dma_wait3A_316 : memref<1x128xi32, #tpu.memory_space<vmem>> -> memref<128xi32, #tpu.memory_space<vmem>>
      %dma_wait3A_318 = arith.constant 0 : i32
      %dma_wait3A_319 = arith.constant 0 : i32
      %dma_wait3A_320 = tpu.memref_slice %arg17[%dma_wait3A_318, %dma_wait3A_319] : memref<10112x16xf32, #tpu.memory_space<vmem_shared>> -> memref<10112x16xf32, #tpu.memory_space<vmem_shared>>
      tpu.wait_indirect_dma semaphore(%arg18 : memref<!tpu.dma_semaphore, #tpu.memory_space<semaphore_mem>>) src(%arg16 : memref<128x16xf32, #tpu.memory_space<vmem>>) dst(%dma_wait3A_320 : memref<10112x16xf32, #tpu.memory_space<vmem_shared>>)
      %dma_wait3A_321 = arith.constant 3 : i32
      %dma_wait3A_322 = arith.constant 0 : i32
      %dma_wait3A_323 = tpu.memref_slice %arg8[%dma_wait3A_321, %dma_wait3A_322] : memref<8x128xi32, #tpu.memory_space<vmem>> -> memref<1x128xi32, #tpu.memory_space<vmem>>
      %dma_wait3A_324 = tpu.memref_squeeze %dma_wait3A_323 : memref<1x128xi32, #tpu.memory_space<vmem>> -> memref<128xi32, #tpu.memory_space<vmem>>
      %dma_wait3A_325 = arith.constant 0 : i32
      %dma_wait3A_326 = arith.constant 0 : i32
      %dma_wait3A_327 = tpu.memref_slice %arg17[%dma_wait3A_325, %dma_wait3A_326] : memref<10112x16xf32, #tpu.memory_space<vmem_shared>> -> memref<10112x16xf32, #tpu.memory_space<vmem_shared>>
      tpu.wait_indirect_dma semaphore(%arg18 : memref<!tpu.dma_semaphore, #tpu.memory_space<semaphore_mem>>) src(%arg16 : memref<128x16xf32, #tpu.memory_space<vmem>>) dst(%dma_wait3A_327 : memref<10112x16xf32, #tpu.memory_space<vmem_shared>>)
      %dma_wait3A_328 = arith.constant 4 : i32
      %dma_wait3A_329 = arith.constant 0 : i32
      %dma_wait3A_330 = tpu.memref_slice %arg8[%dma_wait3A_328, %dma_wait3A_329] : memref<8x128xi32, #tpu.memory_space<vmem>> -> memref<1x128xi32, #tpu.memory_space<vmem>>
      %dma_wait3A_331 = tpu.memref_squeeze %dma_wait3A_330 : memref<1x128xi32, #tpu.memory_space<vmem>> -> memref<128xi32, #tpu.memory_space<vmem>>
      %dma_wait3A_332 = arith.constant 0 : i32
      %dma_wait3A_333 = arith.constant 0 : i32
      %dma_wait3A_334 = tpu.memref_slice %arg17[%dma_wait3A_332, %dma_wait3A_333] : memref<10112x16xf32, #tpu.memory_space<vmem_shared>> -> memref<10112x16xf32, #tpu.memory_space<vmem_shared>>
      tpu.wait_indirect_dma semaphore(%arg18 : memref<!tpu.dma_semaphore, #tpu.memory_space<semaphore_mem>>) src(%arg16 : memref<128x16xf32, #tpu.memory_space<vmem>>) dst(%dma_wait3A_334 : memref<10112x16xf32, #tpu.memory_space<vmem_shared>>)
      %dma_wait3A_335 = arith.constant 5 : i32
      %dma_wait3A_336 = arith.constant 0 : i32
      %dma_wait3A_337 = tpu.memref_slice %arg8[%dma_wait3A_335, %dma_wait3A_336] : memref<8x128xi32, #tpu.memory_space<vmem>> -> memref<1x128xi32, #tpu.memory_space<vmem>>
      %dma_wait3A_338 = tpu.memref_squeeze %dma_wait3A_337 : memref<1x128xi32, #tpu.memory_space<vmem>> -> memref<128xi32, #tpu.memory_space<vmem>>
      %dma_wait3A_339 = arith.constant 0 : i32
      %dma_wait3A_340 = arith.constant 0 : i32
      %dma_wait3A_341 = tpu.memref_slice %arg17[%dma_wait3A_339, %dma_wait3A_340] : memref<10112x16xf32, #tpu.memory_space<vmem_shared>> -> memref<10112x16xf32, #tpu.memory_space<vmem_shared>>
      tpu.wait_indirect_dma semaphore(%arg18 : memref<!tpu.dma_semaphore, #tpu.memory_space<semaphore_mem>>) src(%arg16 : memref<128x16xf32, #tpu.memory_space<vmem>>) dst(%dma_wait3A_341 : memref<10112x16xf32, #tpu.memory_space<vmem_shared>>)
      %dma_wait3A_342 = arith.constant 6 : i32
      %dma_wait3A_343 = arith.constant 0 : i32
      %dma_wait3A_344 = tpu.memref_slice %arg8[%dma_wait3A_342, %dma_wait3A_343] : memref<8x128xi32, #tpu.memory_space<vmem>> -> memref<1x128xi32, #tpu.memory_space<vmem>>
      %dma_wait3A_345 = tpu.memref_squeeze %dma_wait3A_344 : memref<1x128xi32, #tpu.memory_space<vmem>> -> memref<128xi32, #tpu.memory_space<vmem>>
      %dma_wait3A_346 = arith.constant 0 : i32
      %dma_wait3A_347 = arith.constant 0 : i32
      %dma_wait3A_348 = tpu.memref_slice %arg17[%dma_wait3A_346, %dma_wait3A_347] : memref<10112x16xf32, #tpu.memory_space<vmem_shared>> -> memref<10112x16xf32, #tpu.memory_space<vmem_shared>>
      tpu.wait_indirect_dma semaphore(%arg18 : memref<!tpu.dma_semaphore, #tpu.memory_space<semaphore_mem>>) src(%arg16 : memref<128x16xf32, #tpu.memory_space<vmem>>) dst(%dma_wait3A_348 : memref<10112x16xf32, #tpu.memory_space<vmem_shared>>)
      %dma_wait3A_349 = arith.constant 7 : i32
      %dma_wait3A_350 = arith.constant 0 : i32
      %dma_wait3A_351 = tpu.memref_slice %arg8[%dma_wait3A_349, %dma_wait3A_350] : memref<8x128xi32, #tpu.memory_space<vmem>> -> memref<1x128xi32, #tpu.memory_space<vmem>>
      %dma_wait3A_352 = tpu.memref_squeeze %dma_wait3A_351 : memref<1x128xi32, #tpu.memory_space<vmem>> -> memref<128xi32, #tpu.memory_space<vmem>>
      %dma_wait3A_353 = arith.constant 0 : i32
      %dma_wait3A_354 = arith.constant 0 : i32
      %dma_wait3A_355 = tpu.memref_slice %arg17[%dma_wait3A_353, %dma_wait3A_354] : memref<10112x16xf32, #tpu.memory_space<vmem_shared>> -> memref<10112x16xf32, #tpu.memory_space<vmem_shared>>
      tpu.wait_indirect_dma semaphore(%arg18 : memref<!tpu.dma_semaphore, #tpu.memory_space<semaphore_mem>>) src(%arg16 : memref<128x16xf32, #tpu.memory_space<vmem>>) dst(%dma_wait3A_355 : memref<10112x16xf32, #tpu.memory_space<vmem_shared>>)
    }
    %while3A_46 = arith.constant 1 : i32
    scf.for %while3A_48 = %while3A_44 to %while3A_40 step %while3A_46  : i32 {
      %mul3A_49 = arith.constant 8 : i32
      %mul3A_50 = arith.muli %while3A_48, %mul3A_49 : i32
      %add3A_51 = arith.addi %select_n3A, %mul3A_50 : i32
      %mul3A_52 = arith.constant 128 : i32
      %mul3A_53 = arith.muli %add3A_51, %mul3A_52 : i32
      "tpu.region"() ({
        %run_scoped3A = tpu.sem_alloc : memref<!tpu.dma_semaphore, #tpu.memory_space<semaphore_mem>>
        %dma_start3A_356 = tpu.memref_slice %arg3[%mul3A_53] : memref<327680xi32, #tpu.memory_space<hbm>> -> memref<1024xi32, #tpu.memory_space<hbm>>
        %dma_start3A_357 = tpu.memref_slice %arg3[%mul3A_53] : memref<327680xi32, #tpu.memory_space<hbm>> -> memref<1024xi32, #tpu.memory_space<hbm>>
        tpu.enqueue_dma source(%dma_start3A_357 : memref<1024xi32, #tpu.memory_space<hbm>>) target(%arg7 : memref<1024xi32, #tpu.memory_space<vmem>>) target_semaphore(%run_scoped3A : memref<!tpu.dma_semaphore, #tpu.memory_space<semaphore_mem>>)
        %dma_wait3A_358 = tpu.memref_slice %arg3[%mul3A_53] : memref<327680xi32, #tpu.memory_space<hbm>> -> memref<1024xi32, #tpu.memory_space<hbm>>
        %dma_wait3A_359 = tpu.memref_slice %arg3[%mul3A_53] : memref<327680xi32, #tpu.memory_space<hbm>> -> memref<1024xi32, #tpu.memory_space<hbm>>
        tpu.wait_dma2 semaphore(%run_scoped3A : memref<!tpu.dma_semaphore, #tpu.memory_space<semaphore_mem>>) src(%dma_wait3A_359 : memref<1024xi32, #tpu.memory_space<hbm>>) dst(%arg7 : memref<1024xi32, #tpu.memory_space<vmem>>)
        tpu.yield
      }) : () -> ()
      "tpu.region"() ({
        %run_scoped3A = tpu.sem_alloc : memref<!tpu.dma_semaphore, #tpu.memory_space<semaphore_mem>>
        %dma_start3A_356 = arith.constant 0 : i32
        %dma_start3A_357 = tpu.memref_slice %arg4[%add3A_51, %dma_start3A_356] : memref<2560x128xi32, #tpu.memory_space<hbm>> -> memref<8x128xi32, #tpu.memory_space<hbm>>
        %dma_start3A_358 = arith.constant 0 : i32
        %dma_start3A_359 = tpu.memref_slice %arg4[%add3A_51, %dma_start3A_358] : memref<2560x128xi32, #tpu.memory_space<hbm>> -> memref<8x128xi32, #tpu.memory_space<hbm>>
        tpu.enqueue_dma source(%dma_start3A_359 : memref<8x128xi32, #tpu.memory_space<hbm>>) target(%arg8 : memref<8x128xi32, #tpu.memory_space<vmem>>) target_semaphore(%run_scoped3A : memref<!tpu.dma_semaphore, #tpu.memory_space<semaphore_mem>>)
        %dma_wait3A_360 = arith.constant 0 : i32
        %dma_wait3A_361 = tpu.memref_slice %arg4[%add3A_51, %dma_wait3A_360] : memref<2560x128xi32, #tpu.memory_space<hbm>> -> memref<8x128xi32, #tpu.memory_space<hbm>>
        %dma_wait3A_362 = arith.constant 0 : i32
        %dma_wait3A_363 = tpu.memref_slice %arg4[%add3A_51, %dma_wait3A_362] : memref<2560x128xi32, #tpu.memory_space<hbm>> -> memref<8x128xi32, #tpu.memory_space<hbm>>
        tpu.wait_dma2 semaphore(%run_scoped3A : memref<!tpu.dma_semaphore, #tpu.memory_space<semaphore_mem>>) src(%dma_wait3A_363 : memref<8x128xi32, #tpu.memory_space<hbm>>) dst(%arg8 : memref<8x128xi32, #tpu.memory_space<vmem>>)
        tpu.yield
      }) : () -> ()
      %dma_start3A = arith.constant 0 : i32
      %dma_start3A_54 = tpu.memref_slice %arg7[%dma_start3A] : memref<1024xi32, #tpu.memory_space<vmem>> -> memref<128xi32, #tpu.memory_space<vmem>>
      %dma_start3A_55 = arith.constant 0 : i32
      %dma_start3A_56 = arith.constant 0 : i32
      %dma_start3A_57 = tpu.memref_slice %arg2[%dma_start3A_55, %dma_start3A_56] : memref<10000x128xf32, #tpu.memory_space<hbm>> -> memref<10000x128xf32, #tpu.memory_space<hbm>>
      tpu.enqueue_indirect_dma source(%dma_start3A_57 : memref<10000x128xf32, #tpu.memory_space<hbm>>) target(%arg9 : memref<128x128xf32, #tpu.memory_space<vmem>>) offsets(%dma_start3A_54 : memref<128xi32, #tpu.memory_space<vmem>>) semaphore(%arg12 : memref<!tpu.dma_semaphore, #tpu.memory_space<semaphore_mem>>)
      %dma_wait3A = arith.constant 0 : i32
      %dma_wait3A_58 = tpu.memref_slice %arg7[%dma_wait3A] : memref<1024xi32, #tpu.memory_space<vmem>> -> memref<128xi32, #tpu.memory_space<vmem>>
      %dma_wait3A_59 = arith.constant 0 : i32
      %dma_wait3A_60 = arith.constant 0 : i32
      %dma_wait3A_61 = tpu.memref_slice %arg2[%dma_wait3A_59, %dma_wait3A_60] : memref<10000x128xf32, #tpu.memory_space<hbm>> -> memref<10000x128xf32, #tpu.memory_space<hbm>>
      tpu.wait_indirect_dma semaphore(%arg12 : memref<!tpu.dma_semaphore, #tpu.memory_space<semaphore_mem>>) src(%dma_wait3A_61 : memref<10000x128xf32, #tpu.memory_space<hbm>>) dst(%arg9 : memref<128x128xf32, #tpu.memory_space<vmem>>)
      %dma_start3A_62 = arith.constant 0 : i32
      %dma_start3A_63 = arith.constant 0 : i32
      %dma_start3A_64 = tpu.memref_slice %arg8[%dma_start3A_62, %dma_start3A_63] : memref<8x128xi32, #tpu.memory_space<vmem>> -> memref<1x128xi32, #tpu.memory_space<vmem>>
      %dma_start3A_65 = tpu.memref_squeeze %dma_start3A_64 : memref<1x128xi32, #tpu.memory_space<vmem>> -> memref<128xi32, #tpu.memory_space<vmem>>
      %dma_start3A_66 = arith.constant 0 : i32
      %dma_start3A_67 = arith.constant 0 : i32
      %dma_start3A_68 = tpu.memref_slice %arg11[%dma_start3A_66, %dma_start3A_67] : memref<10112x128xf32, #tpu.memory_space<vmem_shared>> -> memref<10112x128xf32, #tpu.memory_space<vmem_shared>>
      tpu.enqueue_indirect_dma source(%arg9 : memref<128x128xf32, #tpu.memory_space<vmem>>) target(%dma_start3A_68 : memref<10112x128xf32, #tpu.memory_space<vmem_shared>>) offsets(%dma_start3A_65 : memref<128xi32, #tpu.memory_space<vmem>>) semaphore(%arg14 : memref<!tpu.dma_semaphore, #tpu.memory_space<semaphore_mem>>) {add = true}
      %dma_start3A_69 = arith.constant 0 : i32
      %dma_start3A_70 = arith.constant 0 : i32
      %dma_start3A_71 = tpu.memref_slice %arg8[%dma_start3A_69, %dma_start3A_70] : memref<8x128xi32, #tpu.memory_space<vmem>> -> memref<1x128xi32, #tpu.memory_space<vmem>>
      %dma_start3A_72 = tpu.memref_squeeze %dma_start3A_71 : memref<1x128xi32, #tpu.memory_space<vmem>> -> memref<128xi32, #tpu.memory_space<vmem>>
      %dma_start3A_73 = arith.constant 0 : i32
      %dma_start3A_74 = arith.constant 0 : i32
      %dma_start3A_75 = tpu.memref_slice %arg17[%dma_start3A_73, %dma_start3A_74] : memref<10112x16xf32, #tpu.memory_space<vmem_shared>> -> memref<10112x16xf32, #tpu.memory_space<vmem_shared>>
      tpu.enqueue_indirect_dma source(%arg16 : memref<128x16xf32, #tpu.memory_space<vmem>>) target(%dma_start3A_75 : memref<10112x16xf32, #tpu.memory_space<vmem_shared>>) offsets(%dma_start3A_72 : memref<128xi32, #tpu.memory_space<vmem>>) semaphore(%arg18 : memref<!tpu.dma_semaphore, #tpu.memory_space<semaphore_mem>>) {add = true}
      %dma_start3A_76 = arith.constant 128 : i32
      %dma_start3A_77 = tpu.memref_slice %arg7[%dma_start3A_76] : memref<1024xi32, #tpu.memory_space<vmem>> -> memref<128xi32, #tpu.memory_space<vmem>>
      %dma_start3A_78 = arith.constant 0 : i32
      %dma_start3A_79 = arith.constant 0 : i32
      %dma_start3A_80 = tpu.memref_slice %arg2[%dma_start3A_78, %dma_start3A_79] : memref<10000x128xf32, #tpu.memory_space<hbm>> -> memref<10000x128xf32, #tpu.memory_space<hbm>>
      tpu.enqueue_indirect_dma source(%dma_start3A_80 : memref<10000x128xf32, #tpu.memory_space<hbm>>) target(%arg10 : memref<128x128xf32, #tpu.memory_space<vmem>>) offsets(%dma_start3A_77 : memref<128xi32, #tpu.memory_space<vmem>>) semaphore(%arg13 : memref<!tpu.dma_semaphore, #tpu.memory_space<semaphore_mem>>)
      %dma_wait3A_81 = arith.constant 128 : i32
      %dma_wait3A_82 = tpu.memref_slice %arg7[%dma_wait3A_81] : memref<1024xi32, #tpu.memory_space<vmem>> -> memref<128xi32, #tpu.memory_space<vmem>>
      %dma_wait3A_83 = arith.constant 0 : i32
      %dma_wait3A_84 = arith.constant 0 : i32
      %dma_wait3A_85 = tpu.memref_slice %arg2[%dma_wait3A_83, %dma_wait3A_84] : memref<10000x128xf32, #tpu.memory_space<hbm>> -> memref<10000x128xf32, #tpu.memory_space<hbm>>
      tpu.wait_indirect_dma semaphore(%arg13 : memref<!tpu.dma_semaphore, #tpu.memory_space<semaphore_mem>>) src(%dma_wait3A_85 : memref<10000x128xf32, #tpu.memory_space<hbm>>) dst(%arg10 : memref<128x128xf32, #tpu.memory_space<vmem>>)
      %dma_start3A_86 = arith.constant 1 : i32
      %dma_start3A_87 = arith.constant 0 : i32
      %dma_start3A_88 = tpu.memref_slice %arg8[%dma_start3A_86, %dma_start3A_87] : memref<8x128xi32, #tpu.memory_space<vmem>> -> memref<1x128xi32, #tpu.memory_space<vmem>>
      %dma_start3A_89 = tpu.memref_squeeze %dma_start3A_88 : memref<1x128xi32, #tpu.memory_space<vmem>> -> memref<128xi32, #tpu.memory_space<vmem>>
      %dma_start3A_90 = arith.constant 0 : i32
      %dma_start3A_91 = arith.constant 0 : i32
      %dma_start3A_92 = tpu.memref_slice %arg11[%dma_start3A_90, %dma_start3A_91] : memref<10112x128xf32, #tpu.memory_space<vmem_shared>> -> memref<10112x128xf32, #tpu.memory_space<vmem_shared>>
      tpu.enqueue_indirect_dma source(%arg10 : memref<128x128xf32, #tpu.memory_space<vmem>>) target(%dma_start3A_92 : memref<10112x128xf32, #tpu.memory_space<vmem_shared>>) offsets(%dma_start3A_89 : memref<128xi32, #tpu.memory_space<vmem>>) semaphore(%arg15 : memref<!tpu.dma_semaphore, #tpu.memory_space<semaphore_mem>>) {add = true}
      %dma_start3A_93 = arith.constant 1 : i32
      %dma_start3A_94 = arith.constant 0 : i32
      %dma_start3A_95 = tpu.memref_slice %arg8[%dma_start3A_93, %dma_start3A_94] : memref<8x128xi32, #tpu.memory_space<vmem>> -> memref<1x128xi32, #tpu.memory_space<vmem>>
      %dma_start3A_96 = tpu.memref_squeeze %dma_start3A_95 : memref<1x128xi32, #tpu.memory_space<vmem>> -> memref<128xi32, #tpu.memory_space<vmem>>
      %dma_start3A_97 = arith.constant 0 : i32
      %dma_start3A_98 = arith.constant 0 : i32
      %dma_start3A_99 = tpu.memref_slice %arg17[%dma_start3A_97, %dma_start3A_98] : memref<10112x16xf32, #tpu.memory_space<vmem_shared>> -> memref<10112x16xf32, #tpu.memory_space<vmem_shared>>
      tpu.enqueue_indirect_dma source(%arg16 : memref<128x16xf32, #tpu.memory_space<vmem>>) target(%dma_start3A_99 : memref<10112x16xf32, #tpu.memory_space<vmem_shared>>) offsets(%dma_start3A_96 : memref<128xi32, #tpu.memory_space<vmem>>) semaphore(%arg18 : memref<!tpu.dma_semaphore, #tpu.memory_space<semaphore_mem>>) {add = true}
      %dma_wait3A_100 = arith.constant 0 : i32
      %dma_wait3A_101 = arith.constant 0 : i32
      %dma_wait3A_102 = tpu.memref_slice %arg8[%dma_wait3A_100, %dma_wait3A_101] : memref<8x128xi32, #tpu.memory_space<vmem>> -> memref<1x128xi32, #tpu.memory_space<vmem>>
      %dma_wait3A_103 = tpu.memref_squeeze %dma_wait3A_102 : memref<1x128xi32, #tpu.memory_space<vmem>> -> memref<128xi32, #tpu.memory_space<vmem>>
      %dma_wait3A_104 = arith.constant 0 : i32
      %dma_wait3A_105 = arith.constant 0 : i32
      %dma_wait3A_106 = tpu.memref_slice %arg11[%dma_wait3A_104, %dma_wait3A_105] : memref<10112x128xf32, #tpu.memory_space<vmem_shared>> -> memref<10112x128xf32, #tpu.memory_space<vmem_shared>>
      tpu.wait_indirect_dma semaphore(%arg14 : memref<!tpu.dma_semaphore, #tpu.memory_space<semaphore_mem>>) src(%arg9 : memref<128x128xf32, #tpu.memory_space<vmem>>) dst(%dma_wait3A_106 : memref<10112x128xf32, #tpu.memory_space<vmem_shared>>)
      %dma_start3A_107 = arith.constant 256 : i32
      %dma_start3A_108 = tpu.memref_slice %arg7[%dma_start3A_107] : memref<1024xi32, #tpu.memory_space<vmem>> -> memref<128xi32, #tpu.memory_space<vmem>>
      %dma_start3A_109 = arith.constant 0 : i32
      %dma_start3A_110 = arith.constant 0 : i32
      %dma_start3A_111 = tpu.memref_slice %arg2[%dma_start3A_109, %dma_start3A_110] : memref<10000x128xf32, #tpu.memory_space<hbm>> -> memref<10000x128xf32, #tpu.memory_space<hbm>>
      tpu.enqueue_indirect_dma source(%dma_start3A_111 : memref<10000x128xf32, #tpu.memory_space<hbm>>) target(%arg9 : memref<128x128xf32, #tpu.memory_space<vmem>>) offsets(%dma_start3A_108 : memref<128xi32, #tpu.memory_space<vmem>>) semaphore(%arg12 : memref<!tpu.dma_semaphore, #tpu.memory_space<semaphore_mem>>)
      %dma_wait3A_112 = arith.constant 256 : i32
      %dma_wait3A_113 = tpu.memref_slice %arg7[%dma_wait3A_112] : memref<1024xi32, #tpu.memory_space<vmem>> -> memref<128xi32, #tpu.memory_space<vmem>>
      %dma_wait3A_114 = arith.constant 0 : i32
      %dma_wait3A_115 = arith.constant 0 : i32
      %dma_wait3A_116 = tpu.memref_slice %arg2[%dma_wait3A_114, %dma_wait3A_115] : memref<10000x128xf32, #tpu.memory_space<hbm>> -> memref<10000x128xf32, #tpu.memory_space<hbm>>
      tpu.wait_indirect_dma semaphore(%arg12 : memref<!tpu.dma_semaphore, #tpu.memory_space<semaphore_mem>>) src(%dma_wait3A_116 : memref<10000x128xf32, #tpu.memory_space<hbm>>) dst(%arg9 : memref<128x128xf32, #tpu.memory_space<vmem>>)
      %dma_start3A_117 = arith.constant 2 : i32
      %dma_start3A_118 = arith.constant 0 : i32
      %dma_start3A_119 = tpu.memref_slice %arg8[%dma_start3A_117, %dma_start3A_118] : memref<8x128xi32, #tpu.memory_space<vmem>> -> memref<1x128xi32, #tpu.memory_space<vmem>>
      %dma_start3A_120 = tpu.memref_squeeze %dma_start3A_119 : memref<1x128xi32, #tpu.memory_space<vmem>> -> memref<128xi32, #tpu.memory_space<vmem>>
      %dma_start3A_121 = arith.constant 0 : i32
      %dma_start3A_122 = arith.constant 0 : i32
      %dma_start3A_123 = tpu.memref_slice %arg11[%dma_start3A_121, %dma_start3A_122] : memref<10112x128xf32, #tpu.memory_space<vmem_shared>> -> memref<10112x128xf32, #tpu.memory_space<vmem_shared>>
      tpu.enqueue_indirect_dma source(%arg9 : memref<128x128xf32, #tpu.memory_space<vmem>>) target(%dma_start3A_123 : memref<10112x128xf32, #tpu.memory_space<vmem_shared>>) offsets(%dma_start3A_120 : memref<128xi32, #tpu.memory_space<vmem>>) semaphore(%arg14 : memref<!tpu.dma_semaphore, #tpu.memory_space<semaphore_mem>>) {add = true}
      %dma_start3A_124 = arith.constant 2 : i32
      %dma_start3A_125 = arith.constant 0 : i32
      %dma_start3A_126 = tpu.memref_slice %arg8[%dma_start3A_124, %dma_start3A_125] : memref<8x128xi32, #tpu.memory_space<vmem>> -> memref<1x128xi32, #tpu.memory_space<vmem>>
      %dma_start3A_127 = tpu.memref_squeeze %dma_start3A_126 : memref<1x128xi32, #tpu.memory_space<vmem>> -> memref<128xi32, #tpu.memory_space<vmem>>
      %dma_start3A_128 = arith.constant 0 : i32
      %dma_start3A_129 = arith.constant 0 : i32
      %dma_start3A_130 = tpu.memref_slice %arg17[%dma_start3A_128, %dma_start3A_129] : memref<10112x16xf32, #tpu.memory_space<vmem_shared>> -> memref<10112x16xf32, #tpu.memory_space<vmem_shared>>
      tpu.enqueue_indirect_dma source(%arg16 : memref<128x16xf32, #tpu.memory_space<vmem>>) target(%dma_start3A_130 : memref<10112x16xf32, #tpu.memory_space<vmem_shared>>) offsets(%dma_start3A_127 : memref<128xi32, #tpu.memory_space<vmem>>) semaphore(%arg18 : memref<!tpu.dma_semaphore, #tpu.memory_space<semaphore_mem>>) {add = true}
      %dma_wait3A_131 = arith.constant 1 : i32
      %dma_wait3A_132 = arith.constant 0 : i32
      %dma_wait3A_133 = tpu.memref_slice %arg8[%dma_wait3A_131, %dma_wait3A_132] : memref<8x128xi32, #tpu.memory_space<vmem>> -> memref<1x128xi32, #tpu.memory_space<vmem>>
      %dma_wait3A_134 = tpu.memref_squeeze %dma_wait3A_133 : memref<1x128xi32, #tpu.memory_space<vmem>> -> memref<128xi32, #tpu.memory_space<vmem>>
      %dma_wait3A_135 = arith.constant 0 : i32
      %dma_wait3A_136 = arith.constant 0 : i32
      %dma_wait3A_137 = tpu.memref_slice %arg11[%dma_wait3A_135, %dma_wait3A_136] : memref<10112x128xf32, #tpu.memory_space<vmem_shared>> -> memref<10112x128xf32, #tpu.memory_space<vmem_shared>>
      tpu.wait_indirect_dma semaphore(%arg15 : memref<!tpu.dma_semaphore, #tpu.memory_space<semaphore_mem>>) src(%arg10 : memref<128x128xf32, #tpu.memory_space<vmem>>) dst(%dma_wait3A_137 : memref<10112x128xf32, #tpu.memory_space<vmem_shared>>)
      %dma_start3A_138 = arith.constant 384 : i32
      %dma_start3A_139 = tpu.memref_slice %arg7[%dma_start3A_138] : memref<1024xi32, #tpu.memory_space<vmem>> -> memref<128xi32, #tpu.memory_space<vmem>>
      %dma_start3A_140 = arith.constant 0 : i32
      %dma_start3A_141 = arith.constant 0 : i32
      %dma_start3A_142 = tpu.memref_slice %arg2[%dma_start3A_140, %dma_start3A_141] : memref<10000x128xf32, #tpu.memory_space<hbm>> -> memref<10000x128xf32, #tpu.memory_space<hbm>>
      tpu.enqueue_indirect_dma source(%dma_start3A_142 : memref<10000x128xf32, #tpu.memory_space<hbm>>) target(%arg10 : memref<128x128xf32, #tpu.memory_space<vmem>>) offsets(%dma_start3A_139 : memref<128xi32, #tpu.memory_space<vmem>>) semaphore(%arg13 : memref<!tpu.dma_semaphore, #tpu.memory_space<semaphore_mem>>)
      %dma_wait3A_143 = arith.constant 384 : i32
      %dma_wait3A_144 = tpu.memref_slice %arg7[%dma_wait3A_143] : memref<1024xi32, #tpu.memory_space<vmem>> -> memref<128xi32, #tpu.memory_space<vmem>>
      %dma_wait3A_145 = arith.constant 0 : i32
      %dma_wait3A_146 = arith.constant 0 : i32
      %dma_wait3A_147 = tpu.memref_slice %arg2[%dma_wait3A_145, %dma_wait3A_146] : memref<10000x128xf32, #tpu.memory_space<hbm>> -> memref<10000x128xf32, #tpu.memory_space<hbm>>
      tpu.wait_indirect_dma semaphore(%arg13 : memref<!tpu.dma_semaphore, #tpu.memory_space<semaphore_mem>>) src(%dma_wait3A_147 : memref<10000x128xf32, #tpu.memory_space<hbm>>) dst(%arg10 : memref<128x128xf32, #tpu.memory_space<vmem>>)
      %dma_start3A_148 = arith.constant 3 : i32
      %dma_start3A_149 = arith.constant 0 : i32
      %dma_start3A_150 = tpu.memref_slice %arg8[%dma_start3A_148, %dma_start3A_149] : memref<8x128xi32, #tpu.memory_space<vmem>> -> memref<1x128xi32, #tpu.memory_space<vmem>>
      %dma_start3A_151 = tpu.memref_squeeze %dma_start3A_150 : memref<1x128xi32, #tpu.memory_space<vmem>> -> memref<128xi32, #tpu.memory_space<vmem>>
      %dma_start3A_152 = arith.constant 0 : i32
      %dma_start3A_153 = arith.constant 0 : i32
      %dma_start3A_154 = tpu.memref_slice %arg11[%dma_start3A_152, %dma_start3A_153] : memref<10112x128xf32, #tpu.memory_space<vmem_shared>> -> memref<10112x128xf32, #tpu.memory_space<vmem_shared>>
      tpu.enqueue_indirect_dma source(%arg10 : memref<128x128xf32, #tpu.memory_space<vmem>>) target(%dma_start3A_154 : memref<10112x128xf32, #tpu.memory_space<vmem_shared>>) offsets(%dma_start3A_151 : memref<128xi32, #tpu.memory_space<vmem>>) semaphore(%arg15 : memref<!tpu.dma_semaphore, #tpu.memory_space<semaphore_mem>>) {add = true}
      %dma_start3A_155 = arith.constant 3 : i32
      %dma_start3A_156 = arith.constant 0 : i32
      %dma_start3A_157 = tpu.memref_slice %arg8[%dma_start3A_155, %dma_start3A_156] : memref<8x128xi32, #tpu.memory_space<vmem>> -> memref<1x128xi32, #tpu.memory_space<vmem>>
      %dma_start3A_158 = tpu.memref_squeeze %dma_start3A_157 : memref<1x128xi32, #tpu.memory_space<vmem>> -> memref<128xi32, #tpu.memory_space<vmem>>
      %dma_start3A_159 = arith.constant 0 : i32
      %dma_start3A_160 = arith.constant 0 : i32
      %dma_start3A_161 = tpu.memref_slice %arg17[%dma_start3A_159, %dma_start3A_160] : memref<10112x16xf32, #tpu.memory_space<vmem_shared>> -> memref<10112x16xf32, #tpu.memory_space<vmem_shared>>
      tpu.enqueue_indirect_dma source(%arg16 : memref<128x16xf32, #tpu.memory_space<vmem>>) target(%dma_start3A_161 : memref<10112x16xf32, #tpu.memory_space<vmem_shared>>) offsets(%dma_start3A_158 : memref<128xi32, #tpu.memory_space<vmem>>) semaphore(%arg18 : memref<!tpu.dma_semaphore, #tpu.memory_space<semaphore_mem>>) {add = true}
      %dma_wait3A_162 = arith.constant 2 : i32
      %dma_wait3A_163 = arith.constant 0 : i32
      %dma_wait3A_164 = tpu.memref_slice %arg8[%dma_wait3A_162, %dma_wait3A_163] : memref<8x128xi32, #tpu.memory_space<vmem>> -> memref<1x128xi32, #tpu.memory_space<vmem>>
      %dma_wait3A_165 = tpu.memref_squeeze %dma_wait3A_164 : memref<1x128xi32, #tpu.memory_space<vmem>> -> memref<128xi32, #tpu.memory_space<vmem>>
      %dma_wait3A_166 = arith.constant 0 : i32
      %dma_wait3A_167 = arith.constant 0 : i32
      %dma_wait3A_168 = tpu.memref_slice %arg11[%dma_wait3A_166, %dma_wait3A_167] : memref<10112x128xf32, #tpu.memory_space<vmem_shared>> -> memref<10112x128xf32, #tpu.memory_space<vmem_shared>>
      tpu.wait_indirect_dma semaphore(%arg14 : memref<!tpu.dma_semaphore, #tpu.memory_space<semaphore_mem>>) src(%arg9 : memref<128x128xf32, #tpu.memory_space<vmem>>) dst(%dma_wait3A_168 : memref<10112x128xf32, #tpu.memory_space<vmem_shared>>)
      %dma_start3A_169 = arith.constant 512 : i32
      %dma_start3A_170 = tpu.memref_slice %arg7[%dma_start3A_169] : memref<1024xi32, #tpu.memory_space<vmem>> -> memref<128xi32, #tpu.memory_space<vmem>>
      %dma_start3A_171 = arith.constant 0 : i32
      %dma_start3A_172 = arith.constant 0 : i32
      %dma_start3A_173 = tpu.memref_slice %arg2[%dma_start3A_171, %dma_start3A_172] : memref<10000x128xf32, #tpu.memory_space<hbm>> -> memref<10000x128xf32, #tpu.memory_space<hbm>>
      tpu.enqueue_indirect_dma source(%dma_start3A_173 : memref<10000x128xf32, #tpu.memory_space<hbm>>) target(%arg9 : memref<128x128xf32, #tpu.memory_space<vmem>>) offsets(%dma_start3A_170 : memref<128xi32, #tpu.memory_space<vmem>>) semaphore(%arg12 : memref<!tpu.dma_semaphore, #tpu.memory_space<semaphore_mem>>)
      %dma_wait3A_174 = arith.constant 512 : i32
      %dma_wait3A_175 = tpu.memref_slice %arg7[%dma_wait3A_174] : memref<1024xi32, #tpu.memory_space<vmem>> -> memref<128xi32, #tpu.memory_space<vmem>>
      %dma_wait3A_176 = arith.constant 0 : i32
      %dma_wait3A_177 = arith.constant 0 : i32
      %dma_wait3A_178 = tpu.memref_slice %arg2[%dma_wait3A_176, %dma_wait3A_177] : memref<10000x128xf32, #tpu.memory_space<hbm>> -> memref<10000x128xf32, #tpu.memory_space<hbm>>
      tpu.wait_indirect_dma semaphore(%arg12 : memref<!tpu.dma_semaphore, #tpu.memory_space<semaphore_mem>>) src(%dma_wait3A_178 : memref<10000x128xf32, #tpu.memory_space<hbm>>) dst(%arg9 : memref<128x128xf32, #tpu.memory_space<vmem>>)
      %dma_start3A_179 = arith.constant 4 : i32
      %dma_start3A_180 = arith.constant 0 : i32
      %dma_start3A_181 = tpu.memref_slice %arg8[%dma_start3A_179, %dma_start3A_180] : memref<8x128xi32, #tpu.memory_space<vmem>> -> memref<1x128xi32, #tpu.memory_space<vmem>>
      %dma_start3A_182 = tpu.memref_squeeze %dma_start3A_181 : memref<1x128xi32, #tpu.memory_space<vmem>> -> memref<128xi32, #tpu.memory_space<vmem>>
      %dma_start3A_183 = arith.constant 0 : i32
      %dma_start3A_184 = arith.constant 0 : i32
      %dma_start3A_185 = tpu.memref_slice %arg11[%dma_start3A_183, %dma_start3A_184] : memref<10112x128xf32, #tpu.memory_space<vmem_shared>> -> memref<10112x128xf32, #tpu.memory_space<vmem_shared>>
      tpu.enqueue_indirect_dma source(%arg9 : memref<128x128xf32, #tpu.memory_space<vmem>>) target(%dma_start3A_185 : memref<10112x128xf32, #tpu.memory_space<vmem_shared>>) offsets(%dma_start3A_182 : memref<128xi32, #tpu.memory_space<vmem>>) semaphore(%arg14 : memref<!tpu.dma_semaphore, #tpu.memory_space<semaphore_mem>>) {add = true}
      %dma_start3A_186 = arith.constant 4 : i32
      %dma_start3A_187 = arith.constant 0 : i32
      %dma_start3A_188 = tpu.memref_slice %arg8[%dma_start3A_186, %dma_start3A_187] : memref<8x128xi32, #tpu.memory_space<vmem>> -> memref<1x128xi32, #tpu.memory_space<vmem>>
      %dma_start3A_189 = tpu.memref_squeeze %dma_start3A_188 : memref<1x128xi32, #tpu.memory_space<vmem>> -> memref<128xi32, #tpu.memory_space<vmem>>
      %dma_start3A_190 = arith.constant 0 : i32
      %dma_start3A_191 = arith.constant 0 : i32
      %dma_start3A_192 = tpu.memref_slice %arg17[%dma_start3A_190, %dma_start3A_191] : memref<10112x16xf32, #tpu.memory_space<vmem_shared>> -> memref<10112x16xf32, #tpu.memory_space<vmem_shared>>
      tpu.enqueue_indirect_dma source(%arg16 : memref<128x16xf32, #tpu.memory_space<vmem>>) target(%dma_start3A_192 : memref<10112x16xf32, #tpu.memory_space<vmem_shared>>) offsets(%dma_start3A_189 : memref<128xi32, #tpu.memory_space<vmem>>) semaphore(%arg18 : memref<!tpu.dma_semaphore, #tpu.memory_space<semaphore_mem>>) {add = true}
      %dma_wait3A_193 = arith.constant 3 : i32
      %dma_wait3A_194 = arith.constant 0 : i32
      %dma_wait3A_195 = tpu.memref_slice %arg8[%dma_wait3A_193, %dma_wait3A_194] : memref<8x128xi32, #tpu.memory_space<vmem>> -> memref<1x128xi32, #tpu.memory_space<vmem>>
      %dma_wait3A_196 = tpu.memref_squeeze %dma_wait3A_195 : memref<1x128xi32, #tpu.memory_space<vmem>> -> memref<128xi32, #tpu.memory_space<vmem>>
      %dma_wait3A_197 = arith.constant 0 : i32
      %dma_wait3A_198 = arith.constant 0 : i32
      %dma_wait3A_199 = tpu.memref_slice %arg11[%dma_wait3A_197, %dma_wait3A_198] : memref<10112x128xf32, #tpu.memory_space<vmem_shared>> -> memref<10112x128xf32, #tpu.memory_space<vmem_shared>>
      tpu.wait_indirect_dma semaphore(%arg15 : memref<!tpu.dma_semaphore, #tpu.memory_space<semaphore_mem>>) src(%arg10 : memref<128x128xf32, #tpu.memory_space<vmem>>) dst(%dma_wait3A_199 : memref<10112x128xf32, #tpu.memory_space<vmem_shared>>)
      %dma_start3A_200 = arith.constant 640 : i32
      %dma_start3A_201 = tpu.memref_slice %arg7[%dma_start3A_200] : memref<1024xi32, #tpu.memory_space<vmem>> -> memref<128xi32, #tpu.memory_space<vmem>>
      %dma_start3A_202 = arith.constant 0 : i32
      %dma_start3A_203 = arith.constant 0 : i32
      %dma_start3A_204 = tpu.memref_slice %arg2[%dma_start3A_202, %dma_start3A_203] : memref<10000x128xf32, #tpu.memory_space<hbm>> -> memref<10000x128xf32, #tpu.memory_space<hbm>>
      tpu.enqueue_indirect_dma source(%dma_start3A_204 : memref<10000x128xf32, #tpu.memory_space<hbm>>) target(%arg10 : memref<128x128xf32, #tpu.memory_space<vmem>>) offsets(%dma_start3A_201 : memref<128xi32, #tpu.memory_space<vmem>>) semaphore(%arg13 : memref<!tpu.dma_semaphore, #tpu.memory_space<semaphore_mem>>)
      %dma_wait3A_205 = arith.constant 640 : i32
      %dma_wait3A_206 = tpu.memref_slice %arg7[%dma_wait3A_205] : memref<1024xi32, #tpu.memory_space<vmem>> -> memref<128xi32, #tpu.memory_space<vmem>>
      %dma_wait3A_207 = arith.constant 0 : i32
      %dma_wait3A_208 = arith.constant 0 : i32
      %dma_wait3A_209 = tpu.memref_slice %arg2[%dma_wait3A_207, %dma_wait3A_208] : memref<10000x128xf32, #tpu.memory_space<hbm>> -> memref<10000x128xf32, #tpu.memory_space<hbm>>
      tpu.wait_indirect_dma semaphore(%arg13 : memref<!tpu.dma_semaphore, #tpu.memory_space<semaphore_mem>>) src(%dma_wait3A_209 : memref<10000x128xf32, #tpu.memory_space<hbm>>) dst(%arg10 : memref<128x128xf32, #tpu.memory_space<vmem>>)
      %dma_start3A_210 = arith.constant 5 : i32
      %dma_start3A_211 = arith.constant 0 : i32
      %dma_start3A_212 = tpu.memref_slice %arg8[%dma_start3A_210, %dma_start3A_211] : memref<8x128xi32, #tpu.memory_space<vmem>> -> memref<1x128xi32, #tpu.memory_space<vmem>>
      %dma_start3A_213 = tpu.memref_squeeze %dma_start3A_212 : memref<1x128xi32, #tpu.memory_space<vmem>> -> memref<128xi32, #tpu.memory_space<vmem>>
      %dma_start3A_214 = arith.constant 0 : i32
      %dma_start3A_215 = arith.constant 0 : i32
      %dma_start3A_216 = tpu.memref_slice %arg11[%dma_start3A_214, %dma_start3A_215] : memref<10112x128xf32, #tpu.memory_space<vmem_shared>> -> memref<10112x128xf32, #tpu.memory_space<vmem_shared>>
      tpu.enqueue_indirect_dma source(%arg10 : memref<128x128xf32, #tpu.memory_space<vmem>>) target(%dma_start3A_216 : memref<10112x128xf32, #tpu.memory_space<vmem_shared>>) offsets(%dma_start3A_213 : memref<128xi32, #tpu.memory_space<vmem>>) semaphore(%arg15 : memref<!tpu.dma_semaphore, #tpu.memory_space<semaphore_mem>>) {add = true}
      %dma_start3A_217 = arith.constant 5 : i32
      %dma_start3A_218 = arith.constant 0 : i32
      %dma_start3A_219 = tpu.memref_slice %arg8[%dma_start3A_217, %dma_start3A_218] : memref<8x128xi32, #tpu.memory_space<vmem>> -> memref<1x128xi32, #tpu.memory_space<vmem>>
      %dma_start3A_220 = tpu.memref_squeeze %dma_start3A_219 : memref<1x128xi32, #tpu.memory_space<vmem>> -> memref<128xi32, #tpu.memory_space<vmem>>
      %dma_start3A_221 = arith.constant 0 : i32
      %dma_start3A_222 = arith.constant 0 : i32
      %dma_start3A_223 = tpu.memref_slice %arg17[%dma_start3A_221, %dma_start3A_222] : memref<10112x16xf32, #tpu.memory_space<vmem_shared>> -> memref<10112x16xf32, #tpu.memory_space<vmem_shared>>
      tpu.enqueue_indirect_dma source(%arg16 : memref<128x16xf32, #tpu.memory_space<vmem>>) target(%dma_start3A_223 : memref<10112x16xf32, #tpu.memory_space<vmem_shared>>) offsets(%dma_start3A_220 : memref<128xi32, #tpu.memory_space<vmem>>) semaphore(%arg18 : memref<!tpu.dma_semaphore, #tpu.memory_space<semaphore_mem>>) {add = true}
      %dma_wait3A_224 = arith.constant 4 : i32
      %dma_wait3A_225 = arith.constant 0 : i32
      %dma_wait3A_226 = tpu.memref_slice %arg8[%dma_wait3A_224, %dma_wait3A_225] : memref<8x128xi32, #tpu.memory_space<vmem>> -> memref<1x128xi32, #tpu.memory_space<vmem>>
      %dma_wait3A_227 = tpu.memref_squeeze %dma_wait3A_226 : memref<1x128xi32, #tpu.memory_space<vmem>> -> memref<128xi32, #tpu.memory_space<vmem>>
      %dma_wait3A_228 = arith.constant 0 : i32
      %dma_wait3A_229 = arith.constant 0 : i32
      %dma_wait3A_230 = tpu.memref_slice %arg11[%dma_wait3A_228, %dma_wait3A_229] : memref<10112x128xf32, #tpu.memory_space<vmem_shared>> -> memref<10112x128xf32, #tpu.memory_space<vmem_shared>>
      tpu.wait_indirect_dma semaphore(%arg14 : memref<!tpu.dma_semaphore, #tpu.memory_space<semaphore_mem>>) src(%arg9 : memref<128x128xf32, #tpu.memory_space<vmem>>) dst(%dma_wait3A_230 : memref<10112x128xf32, #tpu.memory_space<vmem_shared>>)
      %dma_start3A_231 = arith.constant 768 : i32
      %dma_start3A_232 = tpu.memref_slice %arg7[%dma_start3A_231] : memref<1024xi32, #tpu.memory_space<vmem>> -> memref<128xi32, #tpu.memory_space<vmem>>
      %dma_start3A_233 = arith.constant 0 : i32
      %dma_start3A_234 = arith.constant 0 : i32
      %dma_start3A_235 = tpu.memref_slice %arg2[%dma_start3A_233, %dma_start3A_234] : memref<10000x128xf32, #tpu.memory_space<hbm>> -> memref<10000x128xf32, #tpu.memory_space<hbm>>
      tpu.enqueue_indirect_dma source(%dma_start3A_235 : memref<10000x128xf32, #tpu.memory_space<hbm>>) target(%arg9 : memref<128x128xf32, #tpu.memory_space<vmem>>) offsets(%dma_start3A_232 : memref<128xi32, #tpu.memory_space<vmem>>) semaphore(%arg12 : memref<!tpu.dma_semaphore, #tpu.memory_space<semaphore_mem>>)
      %dma_wait3A_236 = arith.constant 768 : i32
      %dma_wait3A_237 = tpu.memref_slice %arg7[%dma_wait3A_236] : memref<1024xi32, #tpu.memory_space<vmem>> -> memref<128xi32, #tpu.memory_space<vmem>>
      %dma_wait3A_238 = arith.constant 0 : i32
      %dma_wait3A_239 = arith.constant 0 : i32
      %dma_wait3A_240 = tpu.memref_slice %arg2[%dma_wait3A_238, %dma_wait3A_239] : memref<10000x128xf32, #tpu.memory_space<hbm>> -> memref<10000x128xf32, #tpu.memory_space<hbm>>
      tpu.wait_indirect_dma semaphore(%arg12 : memref<!tpu.dma_semaphore, #tpu.memory_space<semaphore_mem>>) src(%dma_wait3A_240 : memref<10000x128xf32, #tpu.memory_space<hbm>>) dst(%arg9 : memref<128x128xf32, #tpu.memory_space<vmem>>)
      %dma_start3A_241 = arith.constant 6 : i32
      %dma_start3A_242 = arith.constant 0 : i32
      %dma_start3A_243 = tpu.memref_slice %arg8[%dma_start3A_241, %dma_start3A_242] : memref<8x128xi32, #tpu.memory_space<vmem>> -> memref<1x128xi32, #tpu.memory_space<vmem>>
      %dma_start3A_244 = tpu.memref_squeeze %dma_start3A_243 : memref<1x128xi32, #tpu.memory_space<vmem>> -> memref<128xi32, #tpu.memory_space<vmem>>
      %dma_start3A_245 = arith.constant 0 : i32
      %dma_start3A_246 = arith.constant 0 : i32
      %dma_start3A_247 = tpu.memref_slice %arg11[%dma_start3A_245, %dma_start3A_246] : memref<10112x128xf32, #tpu.memory_space<vmem_shared>> -> memref<10112x128xf32, #tpu.memory_space<vmem_shared>>
      tpu.enqueue_indirect_dma source(%arg9 : memref<128x128xf32, #tpu.memory_space<vmem>>) target(%dma_start3A_247 : memref<10112x128xf32, #tpu.memory_space<vmem_shared>>) offsets(%dma_start3A_244 : memref<128xi32, #tpu.memory_space<vmem>>) semaphore(%arg14 : memref<!tpu.dma_semaphore, #tpu.memory_space<semaphore_mem>>) {add = true}
      %dma_start3A_248 = arith.constant 6 : i32
      %dma_start3A_249 = arith.constant 0 : i32
      %dma_start3A_250 = tpu.memref_slice %arg8[%dma_start3A_248, %dma_start3A_249] : memref<8x128xi32, #tpu.memory_space<vmem>> -> memref<1x128xi32, #tpu.memory_space<vmem>>
      %dma_start3A_251 = tpu.memref_squeeze %dma_start3A_250 : memref<1x128xi32, #tpu.memory_space<vmem>> -> memref<128xi32, #tpu.memory_space<vmem>>
      %dma_start3A_252 = arith.constant 0 : i32
      %dma_start3A_253 = arith.constant 0 : i32
      %dma_start3A_254 = tpu.memref_slice %arg17[%dma_start3A_252, %dma_start3A_253] : memref<10112x16xf32, #tpu.memory_space<vmem_shared>> -> memref<10112x16xf32, #tpu.memory_space<vmem_shared>>
      tpu.enqueue_indirect_dma source(%arg16 : memref<128x16xf32, #tpu.memory_space<vmem>>) target(%dma_start3A_254 : memref<10112x16xf32, #tpu.memory_space<vmem_shared>>) offsets(%dma_start3A_251 : memref<128xi32, #tpu.memory_space<vmem>>) semaphore(%arg18 : memref<!tpu.dma_semaphore, #tpu.memory_space<semaphore_mem>>) {add = true}
      %dma_wait3A_255 = arith.constant 5 : i32
      %dma_wait3A_256 = arith.constant 0 : i32
      %dma_wait3A_257 = tpu.memref_slice %arg8[%dma_wait3A_255, %dma_wait3A_256] : memref<8x128xi32, #tpu.memory_space<vmem>> -> memref<1x128xi32, #tpu.memory_space<vmem>>
      %dma_wait3A_258 = tpu.memref_squeeze %dma_wait3A_257 : memref<1x128xi32, #tpu.memory_space<vmem>> -> memref<128xi32, #tpu.memory_space<vmem>>
      %dma_wait3A_259 = arith.constant 0 : i32
      %dma_wait3A_260 = arith.constant 0 : i32
      %dma_wait3A_261 = tpu.memref_slice %arg11[%dma_wait3A_259, %dma_wait3A_260] : memref<10112x128xf32, #tpu.memory_space<vmem_shared>> -> memref<10112x128xf32, #tpu.memory_space<vmem_shared>>
      tpu.wait_indirect_dma semaphore(%arg15 : memref<!tpu.dma_semaphore, #tpu.memory_space<semaphore_mem>>) src(%arg10 : memref<128x128xf32, #tpu.memory_space<vmem>>) dst(%dma_wait3A_261 : memref<10112x128xf32, #tpu.memory_space<vmem_shared>>)
      %dma_start3A_262 = arith.constant 896 : i32
      %dma_start3A_263 = tpu.memref_slice %arg7[%dma_start3A_262] : memref<1024xi32, #tpu.memory_space<vmem>> -> memref<128xi32, #tpu.memory_space<vmem>>
      %dma_start3A_264 = arith.constant 0 : i32
      %dma_start3A_265 = arith.constant 0 : i32
      %dma_start3A_266 = tpu.memref_slice %arg2[%dma_start3A_264, %dma_start3A_265] : memref<10000x128xf32, #tpu.memory_space<hbm>> -> memref<10000x128xf32, #tpu.memory_space<hbm>>
      tpu.enqueue_indirect_dma source(%dma_start3A_266 : memref<10000x128xf32, #tpu.memory_space<hbm>>) target(%arg10 : memref<128x128xf32, #tpu.memory_space<vmem>>) offsets(%dma_start3A_263 : memref<128xi32, #tpu.memory_space<vmem>>) semaphore(%arg13 : memref<!tpu.dma_semaphore, #tpu.memory_space<semaphore_mem>>)
      %dma_wait3A_267 = arith.constant 896 : i32
      %dma_wait3A_268 = tpu.memref_slice %arg7[%dma_wait3A_267] : memref<1024xi32, #tpu.memory_space<vmem>> -> memref<128xi32, #tpu.memory_space<vmem>>
      %dma_wait3A_269 = arith.constant 0 : i32
      %dma_wait3A_270 = arith.constant 0 : i32
      %dma_wait3A_271 = tpu.memref_slice %arg2[%dma_wait3A_269, %dma_wait3A_270] : memref<10000x128xf32, #tpu.memory_space<hbm>> -> memref<10000x128xf32, #tpu.memory_space<hbm>>
      tpu.wait_indirect_dma semaphore(%arg13 : memref<!tpu.dma_semaphore, #tpu.memory_space<semaphore_mem>>) src(%dma_wait3A_271 : memref<10000x128xf32, #tpu.memory_space<hbm>>) dst(%arg10 : memref<128x128xf32, #tpu.memory_space<vmem>>)
      %dma_start3A_272 = arith.constant 7 : i32
      %dma_start3A_273 = arith.constant 0 : i32
      %dma_start3A_274 = tpu.memref_slice %arg8[%dma_start3A_272, %dma_start3A_273] : memref<8x128xi32, #tpu.memory_space<vmem>> -> memref<1x128xi32, #tpu.memory_space<vmem>>
      %dma_start3A_275 = tpu.memref_squeeze %dma_start3A_274 : memref<1x128xi32, #tpu.memory_space<vmem>> -> memref<128xi32, #tpu.memory_space<vmem>>
      %dma_start3A_276 = arith.constant 0 : i32
      %dma_start3A_277 = arith.constant 0 : i32
      %dma_start3A_278 = tpu.memref_slice %arg11[%dma_start3A_276, %dma_start3A_277] : memref<10112x128xf32, #tpu.memory_space<vmem_shared>> -> memref<10112x128xf32, #tpu.memory_space<vmem_shared>>
      tpu.enqueue_indirect_dma source(%arg10 : memref<128x128xf32, #tpu.memory_space<vmem>>) target(%dma_start3A_278 : memref<10112x128xf32, #tpu.memory_space<vmem_shared>>) offsets(%dma_start3A_275 : memref<128xi32, #tpu.memory_space<vmem>>) semaphore(%arg15 : memref<!tpu.dma_semaphore, #tpu.memory_space<semaphore_mem>>) {add = true}
      %dma_start3A_279 = arith.constant 7 : i32
      %dma_start3A_280 = arith.constant 0 : i32
      %dma_start3A_281 = tpu.memref_slice %arg8[%dma_start3A_279, %dma_start3A_280] : memref<8x128xi32, #tpu.memory_space<vmem>> -> memref<1x128xi32, #tpu.memory_space<vmem>>
      %dma_start3A_282 = tpu.memref_squeeze %dma_start3A_281 : memref<1x128xi32, #tpu.memory_space<vmem>> -> memref<128xi32, #tpu.memory_space<vmem>>
      %dma_start3A_283 = arith.constant 0 : i32
      %dma_start3A_284 = arith.constant 0 : i32
      %dma_start3A_285 = tpu.memref_slice %arg17[%dma_start3A_283, %dma_start3A_284] : memref<10112x16xf32, #tpu.memory_space<vmem_shared>> -> memref<10112x16xf32, #tpu.memory_space<vmem_shared>>
      tpu.enqueue_indirect_dma source(%arg16 : memref<128x16xf32, #tpu.memory_space<vmem>>) target(%dma_start3A_285 : memref<10112x16xf32, #tpu.memory_space<vmem_shared>>) offsets(%dma_start3A_282 : memref<128xi32, #tpu.memory_space<vmem>>) semaphore(%arg18 : memref<!tpu.dma_semaphore, #tpu.memory_space<semaphore_mem>>) {add = true}
      %dma_wait3A_286 = arith.constant 6 : i32
      %dma_wait3A_287 = arith.constant 0 : i32
      %dma_wait3A_288 = tpu.memref_slice %arg8[%dma_wait3A_286, %dma_wait3A_287] : memref<8x128xi32, #tpu.memory_space<vmem>> -> memref<1x128xi32, #tpu.memory_space<vmem>>
      %dma_wait3A_289 = tpu.memref_squeeze %dma_wait3A_288 : memref<1x128xi32, #tpu.memory_space<vmem>> -> memref<128xi32, #tpu.memory_space<vmem>>
      %dma_wait3A_290 = arith.constant 0 : i32
      %dma_wait3A_291 = arith.constant 0 : i32
      %dma_wait3A_292 = tpu.memref_slice %arg11[%dma_wait3A_290, %dma_wait3A_291] : memref<10112x128xf32, #tpu.memory_space<vmem_shared>> -> memref<10112x128xf32, #tpu.memory_space<vmem_shared>>
      tpu.wait_indirect_dma semaphore(%arg14 : memref<!tpu.dma_semaphore, #tpu.memory_space<semaphore_mem>>) src(%arg9 : memref<128x128xf32, #tpu.memory_space<vmem>>) dst(%dma_wait3A_292 : memref<10112x128xf32, #tpu.memory_space<vmem_shared>>)
      %dma_wait3A_293 = arith.constant 7 : i32
      %dma_wait3A_294 = arith.constant 0 : i32
      %dma_wait3A_295 = tpu.memref_slice %arg8[%dma_wait3A_293, %dma_wait3A_294] : memref<8x128xi32, #tpu.memory_space<vmem>> -> memref<1x128xi32, #tpu.memory_space<vmem>>
      %dma_wait3A_296 = tpu.memref_squeeze %dma_wait3A_295 : memref<1x128xi32, #tpu.memory_space<vmem>> -> memref<128xi32, #tpu.memory_space<vmem>>
      %dma_wait3A_297 = arith.constant 0 : i32
      %dma_wait3A_298 = arith.constant 0 : i32
      %dma_wait3A_299 = tpu.memref_slice %arg11[%dma_wait3A_297, %dma_wait3A_298] : memref<10112x128xf32, #tpu.memory_space<vmem_shared>> -> memref<10112x128xf32, #tpu.memory_space<vmem_shared>>
      tpu.wait_indirect_dma semaphore(%arg15 : memref<!tpu.dma_semaphore, #tpu.memory_space<semaphore_mem>>) src(%arg10 : memref<128x128xf32, #tpu.memory_space<vmem>>) dst(%dma_wait3A_299 : memref<10112x128xf32, #tpu.memory_space<vmem_shared>>)
      %dma_wait3A_300 = arith.constant 0 : i32
      %dma_wait3A_301 = arith.constant 0 : i32
      %dma_wait3A_302 = tpu.memref_slice %arg8[%dma_wait3A_300, %dma_wait3A_301] : memref<8x128xi32, #tpu.memory_space<vmem>> -> memref<1x128xi32, #tpu.memory_space<vmem>>
      %dma_wait3A_303 = tpu.memref_squeeze %dma_wait3A_302 : memref<1x128xi32, #tpu.memory_space<vmem>> -> memref<128xi32, #tpu.memory_space<vmem>>
      %dma_wait3A_304 = arith.constant 0 : i32
      %dma_wait3A_305 = arith.constant 0 : i32
      %dma_wait3A_306 = tpu.memref_slice %arg17[%dma_wait3A_304, %dma_wait3A_305] : memref<10112x16xf32, #tpu.memory_space<vmem_shared>> -> memref<10112x16xf32, #tpu.memory_space<vmem_shared>>
      tpu.wait_indirect_dma semaphore(%arg18 : memref<!tpu.dma_semaphore, #tpu.memory_space<semaphore_mem>>) src(%arg16 : memref<128x16xf32, #tpu.memory_space<vmem>>) dst(%dma_wait3A_306 : memref<10112x16xf32, #tpu.memory_space<vmem_shared>>)
      %dma_wait3A_307 = arith.constant 1 : i32
      %dma_wait3A_308 = arith.constant 0 : i32
      %dma_wait3A_309 = tpu.memref_slice %arg8[%dma_wait3A_307, %dma_wait3A_308] : memref<8x128xi32, #tpu.memory_space<vmem>> -> memref<1x128xi32, #tpu.memory_space<vmem>>
      %dma_wait3A_310 = tpu.memref_squeeze %dma_wait3A_309 : memref<1x128xi32, #tpu.memory_space<vmem>> -> memref<128xi32, #tpu.memory_space<vmem>>
      %dma_wait3A_311 = arith.constant 0 : i32
      %dma_wait3A_312 = arith.constant 0 : i32
      %dma_wait3A_313 = tpu.memref_slice %arg17[%dma_wait3A_311, %dma_wait3A_312] : memref<10112x16xf32, #tpu.memory_space<vmem_shared>> -> memref<10112x16xf32, #tpu.memory_space<vmem_shared>>
      tpu.wait_indirect_dma semaphore(%arg18 : memref<!tpu.dma_semaphore, #tpu.memory_space<semaphore_mem>>) src(%arg16 : memref<128x16xf32, #tpu.memory_space<vmem>>) dst(%dma_wait3A_313 : memref<10112x16xf32, #tpu.memory_space<vmem_shared>>)
      %dma_wait3A_314 = arith.constant 2 : i32
      %dma_wait3A_315 = arith.constant 0 : i32
      %dma_wait3A_316 = tpu.memref_slice %arg8[%dma_wait3A_314, %dma_wait3A_315] : memref<8x128xi32, #tpu.memory_space<vmem>> -> memref<1x128xi32, #tpu.memory_space<vmem>>
      %dma_wait3A_317 = tpu.memref_squeeze %dma_wait3A_316 : memref<1x128xi32, #tpu.memory_space<vmem>> -> memref<128xi32, #tpu.memory_space<vmem>>
      %dma_wait3A_318 = arith.constant 0 : i32
      %dma_wait3A_319 = arith.constant 0 : i32
      %dma_wait3A_320 = tpu.memref_slice %arg17[%dma_wait3A_318, %dma_wait3A_319] : memref<10112x16xf32, #tpu.memory_space<vmem_shared>> -> memref<10112x16xf32, #tpu.memory_space<vmem_shared>>
      tpu.wait_indirect_dma semaphore(%arg18 : memref<!tpu.dma_semaphore, #tpu.memory_space<semaphore_mem>>) src(%arg16 : memref<128x16xf32, #tpu.memory_space<vmem>>) dst(%dma_wait3A_320 : memref<10112x16xf32, #tpu.memory_space<vmem_shared>>)
      %dma_wait3A_321 = arith.constant 3 : i32
      %dma_wait3A_322 = arith.constant 0 : i32
      %dma_wait3A_323 = tpu.memref_slice %arg8[%dma_wait3A_321, %dma_wait3A_322] : memref<8x128xi32, #tpu.memory_space<vmem>> -> memref<1x128xi32, #tpu.memory_space<vmem>>
      %dma_wait3A_324 = tpu.memref_squeeze %dma_wait3A_323 : memref<1x128xi32, #tpu.memory_space<vmem>> -> memref<128xi32, #tpu.memory_space<vmem>>
      %dma_wait3A_325 = arith.constant 0 : i32
      %dma_wait3A_326 = arith.constant 0 : i32
      %dma_wait3A_327 = tpu.memref_slice %arg17[%dma_wait3A_325, %dma_wait3A_326] : memref<10112x16xf32, #tpu.memory_space<vmem_shared>> -> memref<10112x16xf32, #tpu.memory_space<vmem_shared>>
      tpu.wait_indirect_dma semaphore(%arg18 : memref<!tpu.dma_semaphore, #tpu.memory_space<semaphore_mem>>) src(%arg16 : memref<128x16xf32, #tpu.memory_space<vmem>>) dst(%dma_wait3A_327 : memref<10112x16xf32, #tpu.memory_space<vmem_shared>>)
      %dma_wait3A_328 = arith.constant 4 : i32
      %dma_wait3A_329 = arith.constant 0 : i32
      %dma_wait3A_330 = tpu.memref_slice %arg8[%dma_wait3A_328, %dma_wait3A_329] : memref<8x128xi32, #tpu.memory_space<vmem>> -> memref<1x128xi32, #tpu.memory_space<vmem>>
      %dma_wait3A_331 = tpu.memref_squeeze %dma_wait3A_330 : memref<1x128xi32, #tpu.memory_space<vmem>> -> memref<128xi32, #tpu.memory_space<vmem>>
      %dma_wait3A_332 = arith.constant 0 : i32
      %dma_wait3A_333 = arith.constant 0 : i32
      %dma_wait3A_334 = tpu.memref_slice %arg17[%dma_wait3A_332, %dma_wait3A_333] : memref<10112x16xf32, #tpu.memory_space<vmem_shared>> -> memref<10112x16xf32, #tpu.memory_space<vmem_shared>>
      tpu.wait_indirect_dma semaphore(%arg18 : memref<!tpu.dma_semaphore, #tpu.memory_space<semaphore_mem>>) src(%arg16 : memref<128x16xf32, #tpu.memory_space<vmem>>) dst(%dma_wait3A_334 : memref<10112x16xf32, #tpu.memory_space<vmem_shared>>)
      %dma_wait3A_335 = arith.constant 5 : i32
      %dma_wait3A_336 = arith.constant 0 : i32
      %dma_wait3A_337 = tpu.memref_slice %arg8[%dma_wait3A_335, %dma_wait3A_336] : memref<8x128xi32, #tpu.memory_space<vmem>> -> memref<1x128xi32, #tpu.memory_space<vmem>>
      %dma_wait3A_338 = tpu.memref_squeeze %dma_wait3A_337 : memref<1x128xi32, #tpu.memory_space<vmem>> -> memref<128xi32, #tpu.memory_space<vmem>>
      %dma_wait3A_339 = arith.constant 0 : i32
      %dma_wait3A_340 = arith.constant 0 : i32
      %dma_wait3A_341 = tpu.memref_slice %arg17[%dma_wait3A_339, %dma_wait3A_340] : memref<10112x16xf32, #tpu.memory_space<vmem_shared>> -> memref<10112x16xf32, #tpu.memory_space<vmem_shared>>
      tpu.wait_indirect_dma semaphore(%arg18 : memref<!tpu.dma_semaphore, #tpu.memory_space<semaphore_mem>>) src(%arg16 : memref<128x16xf32, #tpu.memory_space<vmem>>) dst(%dma_wait3A_341 : memref<10112x16xf32, #tpu.memory_space<vmem_shared>>)
      %dma_wait3A_342 = arith.constant 6 : i32
      %dma_wait3A_343 = arith.constant 0 : i32
      %dma_wait3A_344 = tpu.memref_slice %arg8[%dma_wait3A_342, %dma_wait3A_343] : memref<8x128xi32, #tpu.memory_space<vmem>> -> memref<1x128xi32, #tpu.memory_space<vmem>>
      %dma_wait3A_345 = tpu.memref_squeeze %dma_wait3A_344 : memref<1x128xi32, #tpu.memory_space<vmem>> -> memref<128xi32, #tpu.memory_space<vmem>>
      %dma_wait3A_346 = arith.constant 0 : i32
      %dma_wait3A_347 = arith.constant 0 : i32
      %dma_wait3A_348 = tpu.memref_slice %arg17[%dma_wait3A_346, %dma_wait3A_347] : memref<10112x16xf32, #tpu.memory_space<vmem_shared>> -> memref<10112x16xf32, #tpu.memory_space<vmem_shared>>
      tpu.wait_indirect_dma semaphore(%arg18 : memref<!tpu.dma_semaphore, #tpu.memory_space<semaphore_mem>>) src(%arg16 : memref<128x16xf32, #tpu.memory_space<vmem>>) dst(%dma_wait3A_348 : memref<10112x16xf32, #tpu.memory_space<vmem_shared>>)
      %dma_wait3A_349 = arith.constant 7 : i32
      %dma_wait3A_350 = arith.constant 0 : i32
      %dma_wait3A_351 = tpu.memref_slice %arg8[%dma_wait3A_349, %dma_wait3A_350] : memref<8x128xi32, #tpu.memory_space<vmem>> -> memref<1x128xi32, #tpu.memory_space<vmem>>
      %dma_wait3A_352 = tpu.memref_squeeze %dma_wait3A_351 : memref<1x128xi32, #tpu.memory_space<vmem>> -> memref<128xi32, #tpu.memory_space<vmem>>
      %dma_wait3A_353 = arith.constant 0 : i32
      %dma_wait3A_354 = arith.constant 0 : i32
      %dma_wait3A_355 = tpu.memref_slice %arg17[%dma_wait3A_353, %dma_wait3A_354] : memref<10112x16xf32, #tpu.memory_space<vmem_shared>> -> memref<10112x16xf32, #tpu.memory_space<vmem_shared>>
      tpu.wait_indirect_dma semaphore(%arg18 : memref<!tpu.dma_semaphore, #tpu.memory_space<semaphore_mem>>) src(%arg16 : memref<128x16xf32, #tpu.memory_space<vmem>>) dst(%dma_wait3A_355 : memref<10112x16xf32, #tpu.memory_space<vmem_shared>>)
    }
    %barrier3A_47 = arith.constant 0 : index
    tpu.barrier barrier_id(%barrier3A_47)
    "tpu.region"() ({
      %run_scoped3A = tpu.sem_alloc : memref<!tpu.dma_semaphore, #tpu.memory_space<semaphore_mem>>
      %dma_start3A = arith.constant 0 : i32
      %dma_start3A_48 = tpu.memref_slice %arg5[%arg0, %mul3A_11, %dma_start3A] : memref<2x10112x128xf32, #tpu.memory_space<hbm>> -> memref<1x632x128xf32, #tpu.memory_space<hbm>>
      %dma_start3A_49 = tpu.memref_squeeze %dma_start3A_48 : memref<1x632x128xf32, #tpu.memory_space<hbm>> -> memref<632x128xf32, #tpu.memory_space<hbm>>
      %dma_start3A_50 = arith.constant 0 : i32
      %dma_start3A_51 = tpu.memref_slice %arg11[%mul3A_11, %dma_start3A_50] : memref<10112x128xf32, #tpu.memory_space<vmem_shared>> -> memref<632x128xf32, #tpu.memory_space<vmem_shared>>
      tpu.enqueue_dma source(%dma_start3A_51 : memref<632x128xf32, #tpu.memory_space<vmem_shared>>) target(%dma_start3A_49 : memref<632x128xf32, #tpu.memory_space<hbm>>) target_semaphore(%run_scoped3A : memref<!tpu.dma_semaphore, #tpu.memory_space<semaphore_mem>>)
      %dma_wait3A = arith.constant 0 : i32
      %dma_wait3A_52 = tpu.memref_slice %arg5[%arg0, %mul3A_11, %dma_wait3A] : memref<2x10112x128xf32, #tpu.memory_space<hbm>> -> memref<1x632x128xf32, #tpu.memory_space<hbm>>
      %dma_wait3A_53 = tpu.memref_squeeze %dma_wait3A_52 : memref<1x632x128xf32, #tpu.memory_space<hbm>> -> memref<632x128xf32, #tpu.memory_space<hbm>>
      %dma_wait3A_54 = arith.constant 0 : i32
      %dma_wait3A_55 = tpu.memref_slice %arg11[%mul3A_11, %dma_wait3A_54] : memref<10112x128xf32, #tpu.memory_space<vmem_shared>> -> memref<632x128xf32, #tpu.memory_space<vmem_shared>>
      tpu.wait_dma2 semaphore(%run_scoped3A : memref<!tpu.dma_semaphore, #tpu.memory_space<semaphore_mem>>) src(%dma_wait3A_55 : memref<632x128xf32, #tpu.memory_space<vmem_shared>>) dst(%dma_wait3A_53 : memref<632x128xf32, #tpu.memory_space<hbm>>)
      tpu.yield
    }) : () -> ()
    "tpu.region"() ({
      %run_scoped3A = tpu.sem_alloc : memref<!tpu.dma_semaphore, #tpu.memory_space<semaphore_mem>>
      %dma_start3A = arith.constant 0 : i32
      %dma_start3A_48 = tpu.memref_slice %arg6[%arg0, %mul3A_11, %dma_start3A] : memref<2x10112x16xf32, #tpu.memory_space<hbm>> -> memref<1x632x16xf32, #tpu.memory_space<hbm>>
      %dma_start3A_49 = tpu.memref_squeeze %dma_start3A_48 : memref<1x632x16xf32, #tpu.memory_space<hbm>> -> memref<632x16xf32, #tpu.memory_space<hbm>>
      %dma_start3A_50 = arith.constant 0 : i32
      %dma_start3A_51 = tpu.memref_slice %arg17[%mul3A_11, %dma_start3A_50] : memref<10112x16xf32, #tpu.memory_space<vmem_shared>> -> memref<632x16xf32, #tpu.memory_space<vmem_shared>>
      tpu.enqueue_dma source(%dma_start3A_51 : memref<632x16xf32, #tpu.memory_space<vmem_shared>>) target(%dma_start3A_49 : memref<632x16xf32, #tpu.memory_space<hbm>>) target_semaphore(%run_scoped3A : memref<!tpu.dma_semaphore, #tpu.memory_space<semaphore_mem>>)
      %dma_wait3A = arith.constant 0 : i32
      %dma_wait3A_52 = tpu.memref_slice %arg6[%arg0, %mul3A_11, %dma_wait3A] : memref<2x10112x16xf32, #tpu.memory_space<hbm>> -> memref<1x632x16xf32, #tpu.memory_space<hbm>>
      %dma_wait3A_53 = tpu.memref_squeeze %dma_wait3A_52 : memref<1x632x16xf32, #tpu.memory_space<hbm>> -> memref<632x16xf32, #tpu.memory_space<hbm>>
      %dma_wait3A_54 = arith.constant 0 : i32
      %dma_wait3A_55 = tpu.memref_slice %arg17[%mul3A_11, %dma_wait3A_54] : memref<10112x16xf32, #tpu.memory_space<vmem_shared>> -> memref<632x16xf32, #tpu.memory_space<vmem_shared>>
      tpu.wait_dma2 semaphore(%run_scoped3A : memref<!tpu.dma_semaphore, #tpu.memory_space<semaphore_mem>>) src(%dma_wait3A_55 : memref<632x16xf32, #tpu.memory_space<vmem_shared>>) dst(%dma_wait3A_53 : memref<632x16xf32, #tpu.memory_space<hbm>>)
      tpu.yield
    }) : () -> ()
    return
  }
}

module attributes {stable_mosaic.version = 14 : i64} {
  func.func @_tc_layer1_body(%arg0: i32, %arg1: memref<1000x128xf32, #tpu.memory_space<vmem>>, %arg2: memref<2x1000x128xf32, #tpu.memory_space<vmem>>, %arg3: memref<2x1000x16xf32, #tpu.memory_space<vmem>>, %arg4: memref<128x128xf32, #tpu.memory_space<vmem>>, %arg5: memref<128x128xf32, #tpu.memory_space<vmem>>, %arg6: memref<1x128xf32, #tpu.memory_space<vmem>>, %arg7: memref<128x64xf32, #tpu.memory_space<vmem>>, %arg8: memref<128x64xf32, #tpu.memory_space<vmem>>, %arg9: memref<1000x64xf32, #tpu.memory_space<vmem>>, %arg10: memref<1000x64xf32, #tpu.memory_space<vmem>>, %arg11: memref<1000x8xf32, #tpu.memory_space<vmem>>) attributes {dimension_semantics = [#tpu.dimension_semantics<arbitrary>], iteration_bounds = array<i64: 10>, scalar_prefetch = 0 : i64, scratch_operands = 0 : i64, tpu.core_type = #tpu.core_type<tc>, window_params = [{transform_indices = @transform_0, window_bounds = array<i64: 1000, 128>}, {transform_indices = @transform_1, window_bounds = array<i64: 2, 1000, 128>}, {transform_indices = @transform_2, window_bounds = array<i64: 2, 1000, 16>}, {pipeline_mode = #tpu.pipeline_mode<synchronous>, transform_indices = @transform_3, window_bounds = array<i64: 128, 128>}, {pipeline_mode = #tpu.pipeline_mode<synchronous>, transform_indices = @transform_4, window_bounds = array<i64: 128, 128>}, {pipeline_mode = #tpu.pipeline_mode<synchronous>, transform_indices = @transform_5, window_bounds = array<i64: 1, 128>}, {pipeline_mode = #tpu.pipeline_mode<synchronous>, transform_indices = @transform_6, window_bounds = array<i64: 128, 64>}, {pipeline_mode = #tpu.pipeline_mode<synchronous>, transform_indices = @transform_7, window_bounds = array<i64: 128, 64>}, {transform_indices = @transform_8, window_bounds = array<i64: 1000, 64>}, {transform_indices = @transform_9, window_bounds = array<i64: 1000, 64>}, {transform_indices = @transform_10, window_bounds = array<i64: 1000, 8>}]} {
    %get3A = arith.constant 0 : index
    %get3A_0 = arith.constant 0 : index
    %get3A_1 = arith.constant 0 : index
    %get3A_2 = vector.load %arg2[%get3A, %get3A_0, %get3A_1] : memref<2x1000x128xf32, #tpu.memory_space<vmem>>, vector<1x1000x128xf32>
    %get3A_3 = vector.shape_cast %get3A_2 : vector<1x1000x128xf32> to vector<1000x128xf32>
    %get3A_4 = arith.constant 1 : index
    %get3A_5 = arith.constant 0 : index
    %get3A_6 = arith.constant 0 : index
    %get3A_7 = vector.load %arg2[%get3A_4, %get3A_5, %get3A_6] : memref<2x1000x128xf32, #tpu.memory_space<vmem>>, vector<1x1000x128xf32>
    %get3A_8 = vector.shape_cast %get3A_7 : vector<1x1000x128xf32> to vector<1000x128xf32>
    %add3A = arith.addf %get3A_3, %get3A_8 : vector<1000x128xf32>
    %get3A_9 = arith.constant 0 : index
    %get3A_10 = arith.constant 0 : index
    %get3A_11 = arith.constant 0 : index
    %get3A_12 = vector.load %arg3[%get3A_9, %get3A_10, %get3A_11] : memref<2x1000x16xf32, #tpu.memory_space<vmem>>, vector<1x1000x16xf32>
    %get3A_13 = vector.shape_cast %get3A_12 : vector<1x1000x16xf32> to vector<1000x16xf32>
    %slice3A = vector.extract_strided_slice %get3A_13 {offsets = [0, 0], sizes = [1000, 1], strides = [1, 1]} : vector<1000x16xf32> to vector<1000x1xf32>
    %get3A_14 = arith.constant 1 : index
    %get3A_15 = arith.constant 0 : index
    %get3A_16 = arith.constant 0 : index
    %get3A_17 = vector.load %arg3[%get3A_14, %get3A_15, %get3A_16] : memref<2x1000x16xf32, #tpu.memory_space<vmem>>, vector<1x1000x16xf32>
    %get3A_18 = vector.shape_cast %get3A_17 : vector<1x1000x16xf32> to vector<1000x16xf32>
    %slice3A_19 = vector.extract_strided_slice %get3A_18 {offsets = [0, 0], sizes = [1000, 1], strides = [1, 1]} : vector<1000x16xf32> to vector<1000x1xf32>
    %add3A_20 = arith.addf %slice3A, %slice3A_19 : vector<1000x1xf32>
    %max3A = arith.constant 1.000000e+00 : f32
    %max3A_21 = vector.broadcast %max3A : f32 to vector<1000x1xf32>
    %max3A_22 = arith.maximumf %add3A_20, %max3A_21 : vector<1000x1xf32>
    %div3A = arith.constant 1.000000e+00 : f32
    %div3A_23 = vector.broadcast %div3A : f32 to vector<1000x1xf32>
    %div3A_24 = arith.divf %div3A_23, %max3A_22 : vector<1000x1xf32>
    %mul3A = vector.broadcast %div3A_24 : vector<1000x1xf32> to vector<1000x128xf32>
    %mul3A_25 = arith.mulf %add3A, %mul3A : vector<1000x128xf32>
    %get3A_26 = arith.constant 0 : index
    %get3A_27 = arith.constant 0 : index
    %get3A_28 = vector.load %arg1[%get3A_26, %get3A_27] : memref<1000x128xf32, #tpu.memory_space<vmem>>, vector<1000x128xf32>
    %get3A_29 = arith.constant 0 : index
    %get3A_30 = arith.constant 0 : index
    %get3A_31 = vector.load %arg4[%get3A_29, %get3A_30] : memref<128x128xf32, #tpu.memory_space<vmem>>, vector<128x128xf32>
    %dot_general3A = arith.constant dense<0.000000e+00> : vector<1000x128xf32>
    %dot_general3A_32 = tpu.matmul %get3A_28, %get3A_31, %dot_general3A {dimension_numbers = #tpu.dot_dimension_numbers<[1], [0], [0], [1], [0, 0, 1, 1], [], []>, transpose_lhs_hint = false} : vector<1000x128xf32>, vector<128x128xf32>, vector<1000x128xf32> -> vector<1000x128xf32>
    %get3A_33 = arith.constant 0 : index
    %get3A_34 = arith.constant 0 : index
    %get3A_35 = vector.load %arg5[%get3A_33, %get3A_34] : memref<128x128xf32, #tpu.memory_space<vmem>>, vector<128x128xf32>
    %dot_general3A_36 = arith.constant dense<0.000000e+00> : vector<1000x128xf32>
    %dot_general3A_37 = tpu.matmul %mul3A_25, %get3A_35, %dot_general3A_36 {dimension_numbers = #tpu.dot_dimension_numbers<[1], [0], [0], [1], [0, 0, 1, 1], [], []>, transpose_lhs_hint = false} : vector<1000x128xf32>, vector<128x128xf32>, vector<1000x128xf32> -> vector<1000x128xf32>
    %add3A_38 = arith.addf %dot_general3A_32, %dot_general3A_37 : vector<1000x128xf32>
    %get3A_39 = arith.constant 0 : index
    %get3A_40 = arith.constant 0 : index
    %get3A_41 = vector.load %arg6[%get3A_39, %get3A_40] : memref<1x128xf32, #tpu.memory_space<vmem>>, vector<1x128xf32>
    %add3A_42 = vector.broadcast %get3A_41 : vector<1x128xf32> to vector<1000x128xf32>
    %add3A_43 = arith.addf %add3A_38, %add3A_42 : vector<1000x128xf32>
    %max3A_44 = arith.constant 0.000000e+00 : f32
    %max3A_45 = vector.broadcast %max3A_44 : f32 to vector<1000x128xf32>
    %max3A_46 = arith.maximumf %add3A_43, %max3A_45 : vector<1000x128xf32>
    %get3A_47 = arith.constant 0 : index
    %get3A_48 = arith.constant 0 : index
    %get3A_49 = vector.load %arg7[%get3A_47, %get3A_48] : memref<128x64xf32, #tpu.memory_space<vmem>>, vector<128x64xf32>
    %dot_general3A_50 = arith.constant dense<0.000000e+00> : vector<1000x64xf32>
    %dot_general3A_51 = tpu.matmul %max3A_46, %get3A_49, %dot_general3A_50 {dimension_numbers = #tpu.dot_dimension_numbers<[1], [0], [0], [1], [0, 0, 1, 1], [], []>, transpose_lhs_hint = false} : vector<1000x128xf32>, vector<128x64xf32>, vector<1000x64xf32> -> vector<1000x64xf32>
    %swap3A = arith.constant 0 : index
    %swap3A_52 = arith.constant 0 : index
    %swap3A_53 = vector.load %arg9[%swap3A, %swap3A_52] : memref<1000x64xf32, #tpu.memory_space<vmem>>, vector<1000x64xf32>
    tpu.vector_store %arg9[%swap3A, %swap3A_52], %dot_general3A_51 {strides = array<i32>} : memref<1000x64xf32, #tpu.memory_space<vmem>>, vector<1000x64xf32>,
    %get3A_54 = arith.constant 0 : index
    %get3A_55 = arith.constant 0 : index
    %get3A_56 = vector.load %arg8[%get3A_54, %get3A_55] : memref<128x64xf32, #tpu.memory_space<vmem>>, vector<128x64xf32>
    %dot_general3A_57 = arith.constant dense<0.000000e+00> : vector<1000x64xf32>
    %dot_general3A_58 = tpu.matmul %max3A_46, %get3A_56, %dot_general3A_57 {dimension_numbers = #tpu.dot_dimension_numbers<[1], [0], [0], [1], [0, 0, 1, 1], [], []>, transpose_lhs_hint = false} : vector<1000x128xf32>, vector<128x64xf32>, vector<1000x64xf32> -> vector<1000x64xf32>
    %swap3A_59 = arith.constant 0 : index
    %swap3A_60 = arith.constant 0 : index
    %swap3A_61 = vector.load %arg10[%swap3A_59, %swap3A_60] : memref<1000x64xf32, #tpu.memory_space<vmem>>, vector<1000x64xf32>
    tpu.vector_store %arg10[%swap3A_59, %swap3A_60], %dot_general3A_58 {strides = array<i32>} : memref<1000x64xf32, #tpu.memory_space<vmem>>, vector<1000x64xf32>,
    %broadcast_in_dim3A = vector.shape_cast %div3A_24 : vector<1000x1xf32> to vector<1000x1xf32>
    %broadcast_in_dim3A_62 = vector.broadcast %broadcast_in_dim3A : vector<1000x1xf32> to vector<1000x8xf32>
    %swap3A_63 = arith.constant 0 : index
    %swap3A_64 = arith.constant 0 : index
    %swap3A_65 = vector.load %arg11[%swap3A_63, %swap3A_64] : memref<1000x8xf32, #tpu.memory_space<vmem>>, vector<1000x8xf32>
    tpu.vector_store %arg11[%swap3A_63, %swap3A_64], %broadcast_in_dim3A_62 {strides = array<i32>} : memref<1000x8xf32, #tpu.memory_space<vmem>>, vector<1000x8xf32>,
    return
  }
  func.func @transform_0(%arg0: i32) -> (i32, i32) {
    %c0_i32 = arith.constant 0 : i32
    %c0_i32_0 = arith.constant 0 : i32
    return %arg0, %c0_i32 : i32, i32
  }
  func.func @transform_1(%arg0: i32) -> (i32, i32, i32) {
    %c0_i32 = arith.constant 0 : i32
    %c0_i32_0 = arith.constant 0 : i32
    %c0_i32_1 = arith.constant 0 : i32
    return %c0_i32, %arg0, %c0_i32_0 : i32, i32, i32
  }
  func.func @transform_2(%arg0: i32) -> (i32, i32, i32) {
    %c0_i32 = arith.constant 0 : i32
    %c0_i32_0 = arith.constant 0 : i32
    %c0_i32_1 = arith.constant 0 : i32
    return %c0_i32, %arg0, %c0_i32_0 : i32, i32, i32
  }
  func.func @transform_3(%arg0: i32) -> (i32, i32) {
    %c0_i32 = arith.constant 0 : i32
    %c0_i32_0 = arith.constant 0 : i32
    %c0_i32_1 = arith.constant 0 : i32
    return %c0_i32, %c0_i32_0 : i32, i32
  }
  func.func @transform_4(%arg0: i32) -> (i32, i32) {
    %c0_i32 = arith.constant 0 : i32
    %c0_i32_0 = arith.constant 0 : i32
    %c0_i32_1 = arith.constant 0 : i32
    return %c0_i32, %c0_i32_0 : i32, i32
  }
  func.func @transform_5(%arg0: i32) -> (i32, i32) {
    %c0_i32 = arith.constant 0 : i32
    %c0_i32_0 = arith.constant 0 : i32
    %c0_i32_1 = arith.constant 0 : i32
    return %c0_i32, %c0_i32_0 : i32, i32
  }
  func.func @transform_6(%arg0: i32) -> (i32, i32) {
    %c0_i32 = arith.constant 0 : i32
    %c0_i32_0 = arith.constant 0 : i32
    %c0_i32_1 = arith.constant 0 : i32
    return %c0_i32, %c0_i32_0 : i32, i32
  }
  func.func @transform_7(%arg0: i32) -> (i32, i32) {
    %c0_i32 = arith.constant 0 : i32
    %c0_i32_0 = arith.constant 0 : i32
    %c0_i32_1 = arith.constant 0 : i32
    return %c0_i32, %c0_i32_0 : i32, i32
  }
  func.func @transform_8(%arg0: i32) -> (i32, i32) {
    %c0_i32 = arith.constant 0 : i32
    %c0_i32_0 = arith.constant 0 : i32
    return %arg0, %c0_i32 : i32, i32
  }
  func.func @transform_9(%arg0: i32) -> (i32, i32) {
    %c0_i32 = arith.constant 0 : i32
    %c0_i32_0 = arith.constant 0 : i32
    return %arg0, %c0_i32 : i32, i32
  }
  func.func @transform_10(%arg0: i32) -> (i32, i32) {
    %c0_i32 = arith.constant 0 : i32
    %c0_i32_0 = arith.constant 0 : i32
    return %arg0, %c0_i32 : i32, i32
  }
}

module attributes {stable_mosaic.version = 14 : i64} {
  func.func @_tc_layer2_body(%arg0: i32, %arg1: memref<1000x64xf32, #tpu.memory_space<vmem>>, %arg2: memref<2x1000x64xf32, #tpu.memory_space<vmem>>, %arg3: memref<1000x8xf32, #tpu.memory_space<vmem>>, %arg4: memref<1x64xf32, #tpu.memory_space<vmem>>, %arg5: memref<1000x64xf32, #tpu.memory_space<vmem>>) attributes {dimension_semantics = [#tpu.dimension_semantics<arbitrary>], iteration_bounds = array<i64: 10>, scalar_prefetch = 0 : i64, scratch_operands = 0 : i64, tpu.core_type = #tpu.core_type<tc>, window_params = [{transform_indices = @transform_0, window_bounds = array<i64: 1000, 64>}, {transform_indices = @transform_1, window_bounds = array<i64: 2, 1000, 64>}, {transform_indices = @transform_2, window_bounds = array<i64: 1000, 8>}, {pipeline_mode = #tpu.pipeline_mode<synchronous>, transform_indices = @transform_3, window_bounds = array<i64: 1, 64>}, {transform_indices = @transform_4, window_bounds = array<i64: 1000, 64>}]} {
    %get3A = arith.constant 0 : index
    %get3A_0 = arith.constant 0 : index
    %get3A_1 = arith.constant 0 : index
    %get3A_2 = vector.load %arg2[%get3A, %get3A_0, %get3A_1] : memref<2x1000x64xf32, #tpu.memory_space<vmem>>, vector<1x1000x64xf32>
    %get3A_3 = vector.shape_cast %get3A_2 : vector<1x1000x64xf32> to vector<1000x64xf32>
    %get3A_4 = arith.constant 1 : index
    %get3A_5 = arith.constant 0 : index
    %get3A_6 = arith.constant 0 : index
    %get3A_7 = vector.load %arg2[%get3A_4, %get3A_5, %get3A_6] : memref<2x1000x64xf32, #tpu.memory_space<vmem>>, vector<1x1000x64xf32>
    %get3A_8 = vector.shape_cast %get3A_7 : vector<1x1000x64xf32> to vector<1000x64xf32>
    %add3A = arith.addf %get3A_3, %get3A_8 : vector<1000x64xf32>
    %get3A_9 = arith.constant 0 : index
    %get3A_10 = arith.constant 0 : index
    %get3A_11 = vector.load %arg1[%get3A_9, %get3A_10] : memref<1000x64xf32, #tpu.memory_space<vmem>>, vector<1000x64xf32>
    %get3A_12 = arith.constant 0 : index
    %get3A_13 = arith.constant 0 : index
    %get3A_14 = vector.load %arg3[%get3A_12, %get3A_13] : memref<1000x8xf32, #tpu.memory_space<vmem>>, vector<1000x1xf32>
    %mul3A = vector.broadcast %get3A_14 : vector<1000x1xf32> to vector<1000x64xf32>
    %mul3A_15 = arith.mulf %add3A, %mul3A : vector<1000x64xf32>
    %add3A_16 = arith.addf %get3A_11, %mul3A_15 : vector<1000x64xf32>
    %get3A_17 = arith.constant 0 : index
    %get3A_18 = arith.constant 0 : index
    %get3A_19 = vector.load %arg4[%get3A_17, %get3A_18] : memref<1x64xf32, #tpu.memory_space<vmem>>, vector<1x64xf32>
    %add3A_20 = vector.broadcast %get3A_19 : vector<1x64xf32> to vector<1000x64xf32>
    %add3A_21 = arith.addf %add3A_16, %add3A_20 : vector<1000x64xf32>
    %swap3A = arith.constant 0 : index
    %swap3A_22 = arith.constant 0 : index
    %swap3A_23 = vector.load %arg5[%swap3A, %swap3A_22] : memref<1000x64xf32, #tpu.memory_space<vmem>>, vector<1000x64xf32>
    tpu.vector_store %arg5[%swap3A, %swap3A_22], %add3A_21 {strides = array<i32>} : memref<1000x64xf32, #tpu.memory_space<vmem>>, vector<1000x64xf32>,
    return
  }
  func.func @transform_0(%arg0: i32) -> (i32, i32) {
    %c0_i32 = arith.constant 0 : i32
    %c0_i32_0 = arith.constant 0 : i32
    return %arg0, %c0_i32 : i32, i32
  }
  func.func @transform_1(%arg0: i32) -> (i32, i32, i32) {
    %c0_i32 = arith.constant 0 : i32
    %c0_i32_0 = arith.constant 0 : i32
    %c0_i32_1 = arith.constant 0 : i32
    return %c0_i32, %arg0, %c0_i32_0 : i32, i32, i32
  }
  func.func @transform_2(%arg0: i32) -> (i32, i32) {
    %c0_i32 = arith.constant 0 : i32
    %c0_i32_0 = arith.constant 0 : i32
    return %arg0, %c0_i32 : i32, i32
  }
  func.func @transform_3(%arg0: i32) -> (i32, i32) {
    %c0_i32 = arith.constant 0 : i32
    %c0_i32_0 = arith.constant 0 : i32
    %c0_i32_1 = arith.constant 0 : i32
    return %c0_i32, %c0_i32_0 : i32, i32
  }
  func.func @transform_4(%arg0: i32) -> (i32, i32) {
    %c0_i32 = arith.constant 0 : i32
    %c0_i32_0 = arith.constant 0 : i32
    return %arg0, %c0_i32 : i32, i32
  }
}

</mosaic_0001>

<sc_bundles>
// kernel: kernel.6.cloned.1.call-start
scs
__scs_entry_jumppad:
0x0: {  	(pc) =	sbr.rel $0x88, $3  }
0x1: {  	(tag) =	ssettag $0x0;
	lr =	simm.s32 $0x1  }
0x2: {  	[smem:$0x3F99] =	sst lr;
	_ =	strace $0xD0000000  }
0x3: {  	_ = 	snop  }
0x4: {  	_ = 	snop  }
0x5: {  	_ = 	snop  }
0x6: {  	_ = 	snop  }
0x7: {  	_ = 	snop  }
__scs_overlays_trampoline_lowered:
0x8: {  	[smem:$0x3FA8] =	sst s0  }
0x9: {  	[smem:$0x3FA9] =	sst s1  }
0xa: {  	[smem:$0x3FAA] =	sst s2  }
0xb: {  	[smem:$0x3FAB] =	sst s3  }
0xc: {  	[smem:$0x3FAC] =	sst s4  }
0xd: {  	[smem:$0x3FAD] =	sst s5  }
0xe: {  	[smem:$0x3FAE] =	sst s6  }
0xf: {  	[smem:$0x3FAF] =	sst s7  }
0x10: {  	[smem:$0x3FB0] =	sst s8  }
0x11: {  	[smem:$0x3FB1] =	sst s9;
	s0 =	simm.s32 @!p0 $0x0  }
0x12: {  	s1 =	sld [smem:$0x3F97];
	s0 =	simm.s32 @p0 $0x1  }
0x13: {  	[smem:$0x3FB2] =	sst s0;
	s0 =	simm.s32 @!p1 $0x0  }
0x14: {  	s2 =	sld [smem:$0x3F96];
	s0 =	simm.s32 @p1 $0x1  }
0x15: {  	[smem:$0x3FB3] =	sst s0;
	s0 =	simm.s32 @!p2 $0x0  }
0x16: {  	s3 =	sld [smem:$0x3FDB];
	s0 =	simm.s32 @p2 $0x1  }
0x17: {  	s4 =	simm.s32 $0x1BF5;
	[smem:$0x3FB5] =	sst s0  }
0x18: {  	s0 =	sld [smem:$0x3F98];
	_ =	swait.ge [sflag:s4], $0x0  }
0x19: {  	s7 =	sld [smem:$0x3F99]  }
0x1a: {  	s8 =	sadd.s32 $0xFFFFE003, lr  }
0x1b: {  	s9 =	sadd.s32 $0xFFFFFEF7, lr;
	s5 =	simm.s32 $0xFFFFFFFF;
	p2 =	slt.u32 s8, $0xFFFFF086  }
0x1c: {  	p1 =	slt.u32 s9, $0xF7A;
	s5 =	simm.s32 @!p2 $0x0  }
0x1d: {  	s5 =	simm.s32 @p1 $0x1;
	p0 =	seq.s32 s7, s2  }
0x1e: {  	s7 =	smul.u32 @!p0 $0xF7A, s2;
	p2 =	seq.s32 @!p0 s5, $0x0  }
0x1f: {  	s9 =	smul.u32 $0xF7A, s1;
	s8 =	simm.s32 @!p0 $0x1BF5;
	p2 =	por !p2, p0  }
0x20: {  	[sflag:s8] =	ssyncset.s32 @!p0 $0xFFFFF086;
	s6 =	sadd.s32 @!p0 s3, s7;
	s7 =	simm.s32 @!p0 $0x108  }
0x21: {  	s3 =	sadd.s32 s3, s9;
	s6 =	sadd.s32 @!p0 $0x88, s6;
	s7 =	simm.s32 @p2 $0x1082  }
0x22: {  	[simem:s7], [sflag:s8] =	dma.local @!p0 [hbm:s6], $0xF7A  }
0x23: {  	s9 =	sor.u32 $0xD0000000, s2;
	s6 =	simm.s32 $0x108;
	_ =	swait.ge @!p0 [sflag:s8], $0x0  }
0x24: {  	s3 =	sadd.s32 $0x88, s3;
	s6 =	simm.s32 @!p1 $0x1082;
	[sflag:s4] =	ssyncset.s32 $0xFFFFF086  }
0x25: {  	[simem:s6], [sflag:s4] =	dma.local [hbm:s3], $0xF7A  }
0x26: {  	[smem:$0x3F99] =	sst s1;
	(tag) =	ssettag s2;
	_ =	strace s9  }
0x27: {  	s1 =	sld [smem:$0x3FA9]  }
0x28: {  	s2 =	sld [smem:$0x3FAA]  }
0x29: {  	s4 =	sld [smem:$0x3FAC]  }
0x2a: {  	p0 =	seq.s32 s5, $0x0;
	s5 =	sld [smem:$0x3FAD]  }
0x2b: {  	s6 =	sld [smem:$0x3FAE]  }
0x2c: {  	s7 =	sld [smem:$0x3FAF]  }
0x2d: {  	s3 =	simm.s32 $0x108;
	s8 =	sld [smem:$0x3FB0]  }
0x2e: {  	s3 =	simm.s32 @!p0 $0x1082;
	s9 =	sld [smem:$0x3FB1]  }
0x2f: {  	lr =	sadd.s32 s0, s3;
	s0 =	sld [smem:$0x3FA8]  }
0x30: {  	s3 =	sld [smem:$0x3FAB]  }
0x31: {  	[smem:$0x3FB4] =	sst s10  }
0x32: {  	s10 =	sld [smem:$0x3FB2];
	_ =	sdelay $0x3  }
0x33: {  	p0 =	seq.s32 s10, $0x1;
	s10 =	sld [smem:$0x3FB4];
	_ =	sdelay $0x3  }
0x34: {  	[smem:$0x3FB4] =	sst s10  }
0x35: {  	s10 =	sld [smem:$0x3FB3];
	_ =	sdelay $0x3  }
0x36: {  	p1 =	seq.s32 s10, $0x1;
	s10 =	sld [smem:$0x3FB4];
	_ =	sdelay $0x3  }
0x37: {  	[smem:$0x3FB4] =	sst s10  }
0x38: {  	s10 =	sld [smem:$0x3FB5]  }
0x39: {  	_ = 	snop;
	(pc) =	sbr.ind lr, $3  }
0x3a: {  	_ = 	snop  }
0x3b: {  	_ = 	snop  }
0x3c: {  	p2 =	seq.s32 s10, $0x1;
	s10 =	sld [smem:$0x3FB4]  }
0x3d: {  	_ =	shalt  }
0x3e: {  	_ =	shalt  }
0x3f: {  	_ =	shalt  }
0x40: {  	_ =	shalt  }
0x41: {  	_ =	shalt  }
0x42: {  	_ =	shalt  }
0x43: {  	_ =	shalt  }
0x44: {  	_ =	shalt  }
0x45: {  	_ =	shalt  }
0x46: {  	_ =	shalt  }
0x47: {  	_ =	shalt  }
0x48: {  	_ =	shalt  }
0x49: {  	_ =	shalt  }
0x4a: {  	_ =	shalt  }
0x4b: {  	_ =	shalt  }
0x4c: {  	_ =	shalt  }
0x4d: {  	_ =	shalt  }
0x4e: {  	_ =	shalt  }
0x4f: {  	_ =	shalt  }
0x50: {  	_ =	shalt  }
0x51: {  	_ =	shalt  }
0x52: {  	_ =	shalt  }
0x53: {  	_ =	shalt  }
0x54: {  	_ =	shalt  }
0x55: {  	_ =	shalt  }
0x56: {  	_ =	shalt  }
0x57: {  	_ =	shalt  }
0x58: {  	_ =	shalt  }
0x59: {  	_ =	shalt  }
0x5a: {  	_ =	shalt  }
0x5b: {  	_ =	shalt  }
0x5c: {  	_ =	shalt  }
0x5d: {  	_ =	shalt  }
0x5e: {  	_ =	shalt  }
0x5f: {  	_ =	shalt  }
0x60: {  	_ =	shalt  }
0x61: {  	_ =	shalt  }
0x62: {  	_ =	shalt  }
0x63: {  	_ =	shalt  }
0x64: {  	_ =	shalt  }
0x65: {  	_ =	shalt  }
0x66: {  	_ =	shalt  }
0x67: {  	_ =	shalt  }
0x68: {  	_ =	shalt  }
0x69: {  	_ =	shalt  }
0x6a: {  	_ =	shalt  }
0x6b: {  	_ =	shalt  }
0x6c: {  	_ =	shalt  }
0x6d: {  	_ =	shalt  }
0x6e: {  	_ =	shalt  }
0x6f: {  	_ =	shalt  }
0x70: {  	_ =	shalt  }
0x71: {  	_ =	shalt  }
0x72: {  	_ =	shalt  }
0x73: {  	_ =	shalt  }
0x74: {  	_ =	shalt  }
0x75: {  	_ =	shalt  }
0x76: {  	_ =	shalt  }
0x77: {  	_ =	shalt  }
0x78: {  	_ =	shalt  }
0x79: {  	_ =	shalt  }
0x7a: {  	_ =	shalt  }
0x7b: {  	_ =	shalt  }
0x7c: {  	_ =	shalt  }
0x7d: {  	_ =	shalt  }
0x7e: {  	_ =	shalt  }
0x7f: {  	_ =	shalt  }
0x80: {  	_ =	shalt  }
0x81: {  	_ =	shalt  }
0x82: {  	_ =	shalt  }
0x83: {  	_ =	shalt  }
0x84: {  	_ =	shalt  }
0x85: {  	_ =	shalt  }
0x86: {  	_ =	shalt  }
0x87: {  	_ =	shalt  }
.Lfunc_end0:
.L_simem_size_0:
called_computation_lowered:
.L_overlay_start_0:
0x88: {  	s2 =	sld [smem:$0x3FD9]  }
0x89: {  	s3 =	sld [smem:$0x3FFE];
	_ =	sdelay $0x1  }
0x8a: {  	s1 =	srdreg.scid  }
0x8b: {  	s0 =	sand.u32 $0x1, s1  }
0x8c: {  	s17 =	sshll.u32 s0, $0xA;
	s2 =	sadd.s32 s3, s2  }
0x8d: {  	s2 =	sadd.s32 s2, s17  }
0x8e: {  	[smem:$0x3FC0] =	sst s2  }
0x8f: {  	_ = 	snop  }
0x90: {  	s2 =	sld [smem:$0x3FC9]  }
0x91: {  	s18 =	sld [smem:$0x3FD0];
	(tm) =	ssettm $0x1  }
0x92: {  	s4 =	sld [smem:$0x3FFB];
	_ =	sdelay $0x3  }
0x93: {  	_ =	strace s4  }
0x94: {  	s4 =	sld [smem:$0x3FFC];
	_ =	sdelay $0x3  }
0x95: {  	_ =	strace s4  }
0x96: {  	s4 =	sld [smem:$0x3FFD];
	_ =	sdelay $0x3  }
0x97: {  	_ =	strace s4  }
0x98: {  	_ =	strace $0x8FFFFFFF  }
0x99: {  	s19 =	sld [smem:$0x3FDB];
	_ =	sdelay $0x1  }
0x9a: {  	s5 =	simm.s32 $_scs_section_size  }
0x9b: {  	s6 =	simm.s32 $_size__tile_overlayer_lowered;
	s7 =	simm.s32 $_tile_overlayer_lowered  }
0x9c: {  	s22 =	simm.s32 $0x1BFF;
	s21 =	sshll.u32 s7, $0x1;
	s4 =	sadd.s32 s5, s19  }
0x9d: {  	s8 =	simm.s32 $0x0;
	s20 =	sshll.u32 s6, $0x1;
	s6 =	sadd.s32 s21, s4  }
0x9e: {  	[timem:s8], [sflag:s22] =	dma.local [hbm:s6], s20  }
0x9f: {  	_ =	swait.ge [sflag:s22], s20  }
0xa0: {  	s5 =	ssub.s32 $0x0, s20;
	[sflag:s22] =	ssyncset.done $0x0  }
0xa1: {  	[sflag:s22] =	ssyncadd.s32 s5;
	_ =	sdelay $0x1  }
0xa2: {  	s23 =	simm.s32 $0x1B8B  }
0xa3: {  	_ =	swait.ge [sflag:s23], $0x1  }
0xa4: {  	[sflag:s23] =	ssyncset.done $0x0  }
0xa5: {  	s25 =	simm.s32 $0x1B8E;
	s24 =	sld [smem:$0x3FFE];
	[sflag:s23] =	ssyncadd.s32 $0xFFFFFFFF  }
0xa6: {  	s26 =	simm.s32 $execute0_lowered;
	[smem:$0x3FD2] =	sst s25  }
0xa7: {  	s6 =	sshll.u32 s26, $0x1;
	_ =	strace $0x80000046;
	[dreg:$0x1] =	wrdreg $0xFFFFFFFF  }
0xa8: {  	s28 =	simm.s32 $_size_execute0_lowered;
	s4 =	sadd.s32 s4, s6;
	[dreg:$0x0] =	wrdreg $0x0  }
0xa9: {  	s6 =	sshll.u32 s28, $0x1;
	[dreg:$0x2] =	wrdreg s4  }
0xaa: {  	[dreg:$0x3] =	wrdreg s6  }
0xab: {  	[dreg:$0x4] =	wrdreg $0xC0  }
0xac: {  	_ =	task [dreg:s8], $0x5FFFF  }
0xad: {  	[dreg:$0x1] =	wrdreg $0xFFFFFFFF  }
0xae: {  	[dreg:$0x0] =	wrdreg $0x60  }
0xaf: {  	[dreg:$0x2] =	wrdreg s2  }
0xb0: {  	[dreg:$0x3] =	wrdreg s24  }
0xb1: {  	[dreg:$0x4] =	wrdreg s18  }
0xb2: {  	[dreg:$0x5] =	wrdreg $0x88000  }
0xb3: {  	[dreg:$0x6] =	wrdreg $0x1CC000  }
0xb4: {  	[dreg:$0x7] =	wrdreg $0x9  }
0xb5: {  	_ =	task.clear_ibuf [dreg:s8], $0x8FFFF;
	_ =	strace $0x90000046  }
0xb6: {  	s29 =	simm.s32 $0x9;
	_ =	strace $0x80000048  }
0xb7: {  	_ =	swait.ge [sflag:s29], $0x1  }
0xb8: {  	[sflag:s29] =	ssyncadd.s32 $0xFFFFFFFF  }
0xb9: {  	_ =	strace $0x90000048  }
0xba: {  	_ =	sfence  }
0xbb: {  	s30 =	sld [smem:$0x0];
	_ =	sdelay $0x2  }
0xbc: {  	s31 =	sshll.u32 s1, $0xD;
	s1 =	sshrl.u32 s1, $0x2  }
0xbd: {  	s3 =	sand.u32 $0x4000, s31;
	s1 =	sadd.s32 s1, s30  }
0xbe: {  	s0 =	sor.u32 s3, s0;
	s1 =	sshll.u32 s1, $0x11  }
0xbf: {  	s0 =	sor.u32 s1, s0  }
0xc0: {  	s0 =	sadd.s32 $0x8F2B, s0  }
0xc1: {  	[sflag:s0] =	ssyncadd.remote.s32 $0x1  }
0xc2: {  	_ =	sfence.sel $0xFFFF  }
0xc3: {  	[dreg:$0x0] =	wrdreg $0xFFFFFFFF;
	(pc) =	sbr.abs _section_cstart, $3  }
0xc4: {  	[dreg:$0x1] =	wrdreg $0xFFFFFFFF  }
0xc5: {  	_ =	task.clear_ibuf [dreg:s8], $0x2FFFF;
	_ =	strace $0x9FFFFFFF  }
0xc6: {  	(tm) =	ssettm $0x7FFFFFFF  }
0xc7: {  	_ =	shalt  }
tec
execute0_lowered:
.L_overlay_start_1:
0x0: {  	(tag) =	ssettag $0x1  }
0x1: {  	s0 =	rddreg [dreg:$0x0]  }
0x2: {  	s1 =	rddreg [dreg:$0x1]  }
0x3: {  	s2 =	rddreg [dreg:$0x2]  }
0x4: {  	s3 =	rddreg [dreg:$0x3]  }
0x5: {  	s4 =	rddreg [dreg:$0x4]  }
0x6: {  	s14 =	stileid.u32;
	s5 =	srdreg.scid  }
0x7: {  	s13 =	simm.s32 $0x12;
	s28 =	simm.s32 $0x1C400;
	s6 =	smul.u32 $0x90, s14  }
0x8: {  	s29 =	simm.s32 $0x4800;
	s30 =	simm.s32 $0x2;
	s8 =	smul.u32 $0x13C00, s14  }
0x9: {  	s31 =	simm.s32 $0x480;
	s7 =	sand.u32 $0x1, s5;
	s19 =	smul.u32 $0x278, s14  }
0xa: {  	s5 =	simm.s32 $0x0;
	s9 =	sshll.u32 s14, $0x4;
	s17 =	smul.u32 $0x2780, s14  }
0xb: {  	s10 =	smul.u32 $0x13C000, s7;
	[smem:$0x7FF] =	sst s5;
	p0 =	seq.s32 s7, $0x0  }
0xc: {  	s9 =	sor.u32 $0x900, s9;
	s20 =	ssub.s32 $0x2, s7;
	s7 =	smul.u32 $0x27800, s7  }
0xd: {  	_ =	strace $0x80000047;
	s9 =	smov.u32 @p0 s6;
	s11 =	sshrl.u32 s20, $0x1  }
0xe: {  	s12 =	sadd.s32 $0x80, s19;
	s13 =	simm.s32 @!p0 $0x2;
	s23 =	sadd.s32 $0x100, s19  }
0xf: {  	s15 =	sadd.s32 $0x180, s19;
	s18 =	sadd.s32 s8, s10;
	s9 =	sshll.u32 s9, $0x4  }
0x10: {  	[dreg:$0x9] =	wrdreg s13;
	s21 =	sshll.u32 s12, $0x7;
	s8 =	sadd.s32 s8, s3  }
0x11: {  	s24 =	sshll.u32 s23, $0x7;
	s10 =	sadd.s32 $0x200, s19;
	s25 =	sshll.u32 s15, $0x7  }
0x12: {  	s19 =	sshll.u32 s15, $0x4;
	s7 =	sadd.s32 s17, s7;
	s6 =	sshrl.u32 s18, $0x3  }
0x13: {  	s9 =	sadd.s32 s9, s1;
	[dreg:$0xa] =	wrdreg s8;
	s22 =	sadd.s32 s21, s3  }
0x14: {  	s26 =	sshll.u32 s10, $0x7;
	s18 =	sshll.u32 s12, $0x4;
	s8 =	sshll.u32 s23, $0x4  }
0x15: {  	s12 =	sadd.s32 s17, s4;
	s10 =	sshll.u32 s10, $0x4;
	s15 =	sadd.s32 s19, s4  }
0x16: {  	s7 =	sshrl.u32 s7, $0x3;
	s17 =	simm.s32 $0x680;
	s19 =	simm.s32 $0x700  }
0x17: {  	s1 =	sadd.s32 s6, s1;
	s6 =	ssub.s32 s20, s11;
	[dreg:$0xb] =	wrdreg s22  }
0x18: {  	s11 =	sadd.s32 s24, s3;
	s16 =	sadd.s32 s26, s3;
	[dreg:$0x14] =	wrdreg s12  }
0x19: {  	s13 =	sadd.s32 s18, s4;
	s14 =	sadd.s32 s8, s4;
	[dreg:$0xc] =	wrdreg s11  }
0x1a: {  	s20 =	sadd.s32 s2, s7;
	s22 =	sadd.s32 $0x1A00, s9;
	[dreg:$0xe] =	wrdreg s16  }
0x1b: {  	s23 =	sadd.s32 $0xBA00, s9;
	s24 =	simm.s32 $0x100;
	[dreg:$0x10] =	wrdreg s20  }
0x1c: {  	s26 =	simm.s32 $0x200;
	s2 =	simm.s32 $0x3;
	[dreg:$0x12] =	wrdreg s22  }
0x1d: {  	s8 =	simm.s32 $0x4;
	s9 =	simm.s32 $0x580;
	[dreg:$0x13] =	wrdreg s23  }
0x1e: {  	s11 =	sadd.s32 s25, s3;
	s16 =	sadd.s32 s10, s4;
	[dreg:$0x6] =	wrdreg s24  }
0x1f: {  	s1 =	sadd.s32 $0x15A00, s1;
	s21 =	smax.u32 s6, $0x1;
	[dreg:$0x8] =	wrdreg s26  }
0x20: {  	s22 =	simm.s32 $0x6;
	s25 =	simm.s32 $0x180;
	[dreg:$0xd] =	wrdreg s11  }
0x21: {  	s23 =	simm.s32 $0x400;
	s24 =	simm.s32 $0x80;
	[dreg:$0xf] =	wrdreg s1  }
0x22: {  	s26 =	simm.s32 $0x1;
	s10 =	simm.s32 $0x600;
	[dreg:$0x11] =	wrdreg s21  }
0x23: {  	s6 =	simm.s32 $0x780;
	s20 =	simm.s32 $0x5;
	[dreg:$0x7] =	wrdreg s25  }
0x24: {  	v0 =	vimm.f32 $0.0e+00;
	v1 =	vimm.f32 $1.000000000e+00;
	s25 =	simm.s32 $0x800;
	s1 =	simm.s32 $0x500;
	s11 =	simm.s32 $0x0  }
.LBB2_1:
0x25: {  	[dreg:$0x15] =	wrdreg s11;
	s11 =	simm.s32 $0x840  }
0x26: {  	[tilespmem:s11+$0xFFFFFFD0] =	vst v0  }
0x27: {  	[tilespmem:s11+$0xFFFFFFE0] =	vst v0  }
0x28: {  	[tilespmem:s11+$0xFFFFFFF0] =	vst v0  }
0x29: {  	[tilespmem:s11+$0x0] =	vst v0  }
0x2a: {  	[tilespmem:s11+$0x10] =	vst v0  }
0x2b: {  	[tilespmem:s11+$0x20] =	vst v0  }
0x2c: {  	[tilespmem:s11+$0x30] =	vst v0  }
0x2d: {  	s21 =	simm.s32 $0x0;
	s18 =	simm.s32 $0x40;
	[tilespmem:s11+$0xFFFFFFC0] =	vst v0  }
.LBB2_2:
0x2e: {  	p0 =	sne.s32 s18, $0x1FC0;
	[tilespmem:s21+$0x1C400] =	vst v1;
	s11 =	sadd.s32 $0x80, s11  }
0x2f: {  	[tilespmem:s11+$0xFFFFFFD0] =	vst v0  }
0x30: {  	[tilespmem:s11+$0xFFFFFFE0] =	vst v0  }
0x31: {  	[tilespmem:s11+$0xFFFFFFF0] =	vst v0  }
.Ltmp0:
0x32: {  	[tilespmem:s11+$0x0] =	vst v0;
	(pc) =	sbr.rel @p0 .LBB2_2-.Ltmp0, $4  }
0x33: {  	[tilespmem:s11+$0x10] =	vst v0  }
0x34: {  	[tilespmem:s11+$0x20] =	vst v0  }
0x35: {  	[tilespmem:s11+$0x30] =	vst v0  }
0x36: {  	s21 =	sshra.s32 s18, $0x2;
	s18 =	sadd.s32 $0x40, s18;
	[tilespmem:s11+$0xFFFFFFC0] =	vst v0  }
0x37: {  	[tilespmem:s21+$0x1C400] =	vst v1;
	s11 =	simm.s32 $0x800;
	s7 =	rddreg [dreg:$0xa]  }
0x38: {  	[spmem:s7] =	stream.linear.scatter [tilespmem:s11], [sflag:$0x6], $0x4000, $0x38;
	[tilespmem:$0x1F380] =	vst v63  }
0x39: {  	_ =	swait.ge [sflag:s22], $0x4000  }
0x3a: {  	[sflag:s22] =	ssyncset.done $0x0  }
0x3b: {  	s18 =	rddreg [dreg:$0xb];
	[sflag:s22] =	ssyncadd.s32 $0xFFFFC000  }
0x3c: {  	[spmem:s18] =	stream.linear.scatter [tilespmem:s11], [sflag:$0x6], $0x4000, $0x38;
	[tilespmem:$0x1F380] =	vst v63  }
0x3d: {  	_ =	swait.ge [sflag:s22], $0x4000  }
0x3e: {  	[sflag:s22] =	ssyncset.done $0x0  }
0x3f: {  	s21 =	rddreg [dreg:$0xc];
	[sflag:s22] =	ssyncadd.s32 $0xFFFFC000  }
0x40: {  	[spmem:s21] =	stream.linear.scatter [tilespmem:s11], [sflag:$0x6], $0x4000, $0x38;
	[tilespmem:$0x1F380] =	vst v63  }
0x41: {  	_ =	swait.ge [sflag:s22], $0x4000  }
0x42: {  	[sflag:s22] =	ssyncset.done $0x0  }
0x43: {  	s18 =	rddreg [dreg:$0xd];
	[sflag:s22] =	ssyncadd.s32 $0xFFFFC000  }
0x44: {  	[spmem:s18] =	stream.linear.scatter [tilespmem:s11], [sflag:$0x6], $0x4000, $0x38;
	[tilespmem:$0x1F380] =	vst v63  }
0x45: {  	_ =	swait.ge [sflag:s22], $0x4000  }
0x46: {  	[sflag:s22] =	ssyncset.done $0x0  }
0x47: {  	s21 =	rddreg [dreg:$0xe];
	[sflag:s22] =	ssyncadd.s32 $0xFFFFC000  }
0x48: {  	[spmem:s21] =	stream.linear.scatter [tilespmem:s11], [sflag:$0x6], $0x3C00, $0x38;
	[tilespmem:$0x1F380] =	vst v63  }
0x49: {  	_ =	swait.ge [sflag:s22], $0x3C00  }
0x4a: {  	[sflag:s22] =	ssyncset.done $0x0  }
0x4b: {  	s18 =	sadd.s32 $0x0, s12;
	[sflag:s22] =	ssyncadd.s32 $0xFFFFC400  }
0x4c: {  	[spmem:s18] =	stream.linear.scatter [tilespmem:s11], [sflag:$0x6], $0x10, $0x38;
	[tilespmem:$0x1F380] =	vst v63  }
0x4d: {  	s18 =	simm.s32 $0x40  }
.LBB2_4:
0x4e: {  	p0 =	sne.s32 s18, $0x1FC0  }
.Ltmp1:
0x4f: {  	_ = 	snop;
	(pc) =	sbr.rel @p0 .LBB2_4-.Ltmp1, $4  }
0x50: {  	_ = 	snop  }
0x51: {  	s21 =	sshra.s32 s18, $0x2;
	s18 =	sadd.s32 $0x40, s18  }
0x52: {  	s11 =	sadd.s32 $0x80, s11;
	s21 =	sadd.s32 s21, s12  }
0x53: {  	[spmem:s21] =	stream.linear.scatter [tilespmem:s11], [sflag:$0x6], $0x10, $0x38;
	[tilespmem:$0x1F380] =	vst v63  }
0x54: {  	_ =	swait.ge [sflag:s22], $0x800  }
0x55: {  	[sflag:s22] =	ssyncset.done $0x0  }
0x56: {  	s11 =	simm.s32 $0x800;
	s18 =	sadd.s32 $0x0, s13;
	[sflag:s22] =	ssyncadd.s32 $0xFFFFF800  }
0x57: {  	[spmem:s18] =	stream.linear.scatter [tilespmem:s11], [sflag:$0x6], $0x10, $0x38;
	[tilespmem:$0x1F380] =	vst v63  }
0x58: {  	s18 =	simm.s32 $0x40  }
.LBB2_6:
0x59: {  	p0 =	sne.s32 s18, $0x1FC0  }
.Ltmp2:
0x5a: {  	_ = 	snop;
	(pc) =	sbr.rel @p0 .LBB2_6-.Ltmp2, $4  }
0x5b: {  	_ = 	snop  }
0x5c: {  	s21 =	sshra.s32 s18, $0x2;
	s18 =	sadd.s32 $0x40, s18  }
0x5d: {  	s11 =	sadd.s32 $0x80, s11;
	s21 =	sadd.s32 s21, s13  }
0x5e: {  	[spmem:s21] =	stream.linear.scatter [tilespmem:s11], [sflag:$0x6], $0x10, $0x38;
	[tilespmem:$0x1F380] =	vst v63  }
0x5f: {  	_ =	swait.ge [sflag:s22], $0x800  }
0x60: {  	[sflag:s22] =	ssyncset.done $0x0  }
0x61: {  	s11 =	simm.s32 $0x800;
	s18 =	sadd.s32 $0x0, s14;
	[sflag:s22] =	ssyncadd.s32 $0xFFFFF800  }
0x62: {  	[spmem:s18] =	stream.linear.scatter [tilespmem:s11], [sflag:$0x6], $0x10, $0x38;
	[tilespmem:$0x1F380] =	vst v63  }
0x63: {  	s7 =	simm.s32 $0x280;
	s18 =	simm.s32 $0x40  }
.LBB2_8:
0x64: {  	p0 =	sne.s32 s18, $0x1FC0  }
.Ltmp3:
0x65: {  	_ = 	snop;
	(pc) =	sbr.rel @p0 .LBB2_8-.Ltmp3, $4  }
0x66: {  	_ = 	snop  }
0x67: {  	s21 =	sshra.s32 s18, $0x2;
	s18 =	sadd.s32 $0x40, s18  }
0x68: {  	s11 =	sadd.s32 $0x80, s11;
	s21 =	sadd.s32 s21, s14  }
0x69: {  	[spmem:s21] =	stream.linear.scatter [tilespmem:s11], [sflag:$0x6], $0x10, $0x38;
	[tilespmem:$0x1F380] =	vst v63  }
0x6a: {  	_ =	swait.ge [sflag:s22], $0x800  }
0x6b: {  	[sflag:s22] =	ssyncset.done $0x0  }
0x6c: {  	s11 =	simm.s32 $0x800;
	s18 =	sadd.s32 $0x0, s15;
	[sflag:s22] =	ssyncadd.s32 $0xFFFFF800  }
0x6d: {  	[spmem:s18] =	stream.linear.scatter [tilespmem:s11], [sflag:$0x6], $0x10, $0x38;
	[tilespmem:$0x1F380] =	vst v63  }
0x6e: {  	s18 =	simm.s32 $0x40  }
.LBB2_10:
0x6f: {  	p0 =	sne.s32 s18, $0x1FC0  }
.Ltmp4:
0x70: {  	_ = 	snop;
	(pc) =	sbr.rel @p0 .LBB2_10-.Ltmp4, $4  }
0x71: {  	_ = 	snop  }
0x72: {  	s21 =	sshra.s32 s18, $0x2;
	s18 =	sadd.s32 $0x40, s18  }
0x73: {  	s11 =	sadd.s32 $0x80, s11;
	s21 =	sadd.s32 s21, s15  }
0x74: {  	[spmem:s21] =	stream.linear.scatter [tilespmem:s11], [sflag:$0x6], $0x10, $0x38;
	[tilespmem:$0x1F380] =	vst v63  }
0x75: {  	_ =	swait.ge [sflag:s22], $0x800  }
0x76: {  	[sflag:s22] =	ssyncset.done $0x0  }
0x77: {  	s11 =	simm.s32 $0x800;
	s18 =	sadd.s32 $0x0, s16;
	[sflag:s22] =	ssyncadd.s32 $0xFFFFF800  }
0x78: {  	[spmem:s18] =	stream.linear.scatter [tilespmem:s11], [sflag:$0x6], $0x10, $0x38;
	[tilespmem:$0x1F380] =	vst v63  }
0x79: {  	s18 =	simm.s32 $0x40  }
.LBB2_12:
0x7a: {  	p0 =	sne.s32 s18, $0x1DC0  }
.Ltmp5:
0x7b: {  	_ = 	snop;
	(pc) =	sbr.rel @p0 .LBB2_12-.Ltmp5, $4  }
0x7c: {  	_ = 	snop  }
0x7d: {  	s21 =	sshra.s32 s18, $0x2;
	s18 =	sadd.s32 $0x40, s18  }
0x7e: {  	s11 =	sadd.s32 $0x80, s11;
	s21 =	sadd.s32 s21, s16  }
0x7f: {  	[spmem:s21] =	stream.linear.scatter [tilespmem:s11], [sflag:$0x6], $0x10, $0x38;
	[tilespmem:$0x1F380] =	vst v63  }
0x80: {  	_ =	swait.ge [sflag:s22], $0x780  }
0x81: {  	[sflag:s22] =	ssyncset.done $0x0  }
0x82: {  	[sflag:s22] =	ssyncadd.s32 $0xFFFFF880  }
0x83: {  	[bflag:$0x0] =	sbarrier.arrive $0xFFFF  }
0x84: {  	s11 =	rddreg [dreg:$0x13]  }
0x85: {  	[tilespmem:s5], [sflag:$0x6] =	stream.linear.gather [hbm4b:s11+s5], $0x400, $0x38;
	[tilespmem:$0x1F380] =	vst v63  }
0x86: {  	_ =	swait.ge [sflag:s22], $0x400  }
0x87: {  	[sflag:s22] =	ssyncset.done $0x0  }
0x88: {  	s18 =	rddreg [dreg:$0x12];
	[sflag:s22] =	ssyncadd.s32 $0xFFFFFC00  }
0x89: {  	[tilespmem:s23], [sflag:$0x6] =	stream.linear.gather [hbm4b:s18+s5], $0x400, $0x38;
	[tilespmem:$0x1F380] =	vst v63  }
0x8a: {  	_ =	swait.ge [sflag:s22], $0x400  }
0x8b: {  	[sflag:s22] =	ssyncset.done $0x0  }
0x8c: {  	[sflag:s22] =	ssyncadd.s32 $0xFFFFFC00  }
0x8d: {  	[tilespmem:s25], [sflag:$0x1] =	stream.indirect.gather [hbm4b:s0+s24], $0x80, s5, s24, $0xb8;
	[tilespmem:$0x1F380] =	vst v63  }
0x8e: {  	_ =	swait.ge [sflag:s26], $0x4000  }
0x8f: {  	[sflag:s26] =	ssyncset.done $0x0  }
0x90: {  	[sflag:s26] =	ssyncadd.s32 $0xFFFFC000  }
0x91: {  	[spmem:s3] =	stream.indirect.scatter.add.f32 [tilespmem:s25], [sflag:$0x3], $0x80, s23, s24, $0xb8;
	[tilespmem:$0x1F380] =	vst v63  }
0x92: {  	_ = 	snop  }
0x93: {  	[spmem:s4] =	stream.indirect.scatter.add.f32 [tilespmem:s28], [sflag:$0x5], $0x10, s23, s24, $0xb8;
	[tilespmem:$0x1F380] =	vst v63  }
0x94: {  	_ = 	snop  }
0x95: {  	[tilespmem:s29], [sflag:$0x2] =	stream.indirect.gather [hbm4b:s0+s24], $0x80, s24, s24, $0xb8;
	[tilespmem:$0x1F380] =	vst v63  }
0x96: {  	_ =	swait.ge [sflag:s30], $0x4000  }
0x97: {  	[sflag:s30] =	ssyncset.done $0x0  }
0x98: {  	[sflag:s30] =	ssyncadd.s32 $0xFFFFC000  }
0x99: {  	[spmem:s3] =	stream.indirect.scatter.add.f32 [tilespmem:s29], [sflag:$0x4], $0x80, s31, s24, $0xb8;
	[tilespmem:$0x1F380] =	vst v63  }
0x9a: {  	_ = 	snop  }
0x9b: {  	[spmem:s4] =	stream.indirect.scatter.add.f32 [tilespmem:s28], [sflag:$0x5], $0x10, s31, s24, $0xb8;
	[tilespmem:$0x1F380] =	vst v63  }
0x9c: {  	_ =	swait.ge [sflag:s2], $0x4000  }
0x9d: {  	[sflag:s2] =	ssyncset.done $0x0  }
0x9e: {  	s21 =	rddreg [dreg:$0x6];
	[sflag:s2] =	ssyncadd.s32 $0xFFFFC000  }
0x9f: {  	[tilespmem:s25], [sflag:$0x1] =	stream.indirect.gather [hbm4b:s0+s24], $0x80, s21, s24, $0xb8;
	[tilespmem:$0x1F380] =	vst v63  }
0xa0: {  	_ =	swait.ge [sflag:s26], $0x4000  }
0xa1: {  	[sflag:s26] =	ssyncset.done $0x0  }
0xa2: {  	[sflag:s26] =	ssyncadd.s32 $0xFFFFC000  }
0xa3: {  	[spmem:s3] =	stream.indirect.scatter.add.f32 [tilespmem:s25], [sflag:$0x3], $0x80, s1, s24, $0xb8;
	[tilespmem:$0x1F380] =	vst v63  }
0xa4: {  	_ = 	snop  }
0xa5: {  	[spmem:s4] =	stream.indirect.scatter.add.f32 [tilespmem:s28], [sflag:$0x5], $0x10, s1, s24, $0xb8;
	[tilespmem:$0x1F380] =	vst v63  }
0xa6: {  	_ =	swait.ge [sflag:s8], $0x4000  }
0xa7: {  	[sflag:s8] =	ssyncset.done $0x0  }
0xa8: {  	s12 =	rddreg [dreg:$0x7];
	[sflag:s8] =	ssyncadd.s32 $0xFFFFC000  }
0xa9: {  	[tilespmem:s29], [sflag:$0x2] =	stream.indirect.gather [hbm4b:s0+s24], $0x80, s12, s24, $0xb8;
	[tilespmem:$0x1F380] =	vst v63  }
0xaa: {  	_ =	swait.ge [sflag:s30], $0x4000  }
0xab: {  	[sflag:s30] =	ssyncset.done $0x0  }
0xac: {  	[sflag:s30] =	ssyncadd.s32 $0xFFFFC000  }
0xad: {  	[spmem:s3] =	stream.indirect.scatter.add.f32 [tilespmem:s29], [sflag:$0x4], $0x80, s9, s24, $0xb8;
	[tilespmem:$0x1F380] =	vst v63  }
0xae: {  	_ = 	snop  }
0xaf: {  	[spmem:s4] =	stream.indirect.scatter.add.f32 [tilespmem:s28], [sflag:$0x5], $0x10, s9, s24, $0xb8;
	[tilespmem:$0x1F380] =	vst v63  }
0xb0: {  	_ =	swait.ge [sflag:s2], $0x4000  }
0xb1: {  	[sflag:s2] =	ssyncset.done $0x0  }
0xb2: {  	s21 =	rddreg [dreg:$0x8];
	[sflag:s2] =	ssyncadd.s32 $0xFFFFC000  }
0xb3: {  	[tilespmem:s25], [sflag:$0x1] =	stream.indirect.gather [hbm4b:s0+s24], $0x80, s21, s24, $0xb8;
	[tilespmem:$0x1F380] =	vst v63  }
0xb4: {  	_ =	swait.ge [sflag:s26], $0x4000  }
0xb5: {  	[sflag:s26] =	ssyncset.done $0x0  }
0xb6: {  	[sflag:s26] =	ssyncadd.s32 $0xFFFFC000  }
0xb7: {  	[spmem:s3] =	stream.indirect.scatter.add.f32 [tilespmem:s25], [sflag:$0x3], $0x80, s10, s24, $0xb8;
	[tilespmem:$0x1F380] =	vst v63  }
0xb8: {  	_ = 	snop  }
0xb9: {  	[spmem:s4] =	stream.indirect.scatter.add.f32 [tilespmem:s28], [sflag:$0x5], $0x10, s10, s24, $0xb8;
	[tilespmem:$0x1F380] =	vst v63  }
0xba: {  	_ =	swait.ge [sflag:s8], $0x4000  }
0xbb: {  	[sflag:s8] =	ssyncset.done $0x0  }
0xbc: {  	[sflag:s8] =	ssyncadd.s32 $0xFFFFC000  }
0xbd: {  	[tilespmem:s29], [sflag:$0x2] =	stream.indirect.gather [hbm4b:s0+s24], $0x80, s7, s24, $0xb8;
	[tilespmem:$0x1F380] =	vst v63  }
0xbe: {  	_ =	swait.ge [sflag:s30], $0x4000  }
0xbf: {  	[sflag:s30] =	ssyncset.done $0x0  }
0xc0: {  	[sflag:s30] =	ssyncadd.s32 $0xFFFFC000  }
0xc1: {  	[spmem:s3] =	stream.indirect.scatter.add.f32 [tilespmem:s29], [sflag:$0x4], $0x80, s17, s24, $0xb8;
	[tilespmem:$0x1F380] =	vst v63  }
0xc2: {  	_ = 	snop  }
0xc3: {  	[spmem:s4] =	stream.indirect.scatter.add.f32 [tilespmem:s28], [sflag:$0x5], $0x10, s17, s24, $0xb8;
	[tilespmem:$0x1F380] =	vst v63  }
0xc4: {  	_ =	swait.ge [sflag:s2], $0x4000  }
0xc5: {  	[sflag:s2] =	ssyncset.done $0x0  }
0xc6: {  	s11 =	simm.s32 $0x300;
	[sflag:s2] =	ssyncadd.s32 $0xFFFFC000  }
0xc7: {  	[tilespmem:s25], [sflag:$0x1] =	stream.indirect.gather [hbm4b:s0+s24], $0x80, s11, s24, $0xb8;
	[tilespmem:$0x1F380] =	vst v63  }
0xc8: {  	_ =	swait.ge [sflag:s26], $0x4000  }
0xc9: {  	[sflag:s26] =	ssyncset.done $0x0  }
0xca: {  	[sflag:s26] =	ssyncadd.s32 $0xFFFFC000  }
0xcb: {  	[spmem:s3] =	stream.indirect.scatter.add.f32 [tilespmem:s25], [sflag:$0x3], $0x80, s19, s24, $0xb8;
	[tilespmem:$0x1F380] =	vst v63  }
0xcc: {  	_ = 	snop  }
0xcd: {  	[spmem:s4] =	stream.indirect.scatter.add.f32 [tilespmem:s28], [sflag:$0x5], $0x10, s19, s24, $0xb8;
	[tilespmem:$0x1F380] =	vst v63  }
0xce: {  	_ =	swait.ge [sflag:s8], $0x4000  }
0xcf: {  	[sflag:s8] =	ssyncset.done $0x0  }
0xd0: {  	s12 =	simm.s32 $0x380;
	[sflag:s8] =	ssyncadd.s32 $0xFFFFC000  }
0xd1: {  	[tilespmem:s29], [sflag:$0x2] =	stream.indirect.gather [hbm4b:s0+s24], $0x80, s12, s24, $0xb8;
	[tilespmem:$0x1F380] =	vst v63  }
0xd2: {  	_ =	swait.ge [sflag:s30], $0x4000  }
0xd3: {  	[sflag:s30] =	ssyncset.done $0x0  }
0xd4: {  	[sflag:s30] =	ssyncadd.s32 $0xFFFFC000  }
0xd5: {  	[spmem:s3] =	stream.indirect.scatter.add.f32 [tilespmem:s29], [sflag:$0x4], $0x80, s6, s24, $0xb8;
	[tilespmem:$0x1F380] =	vst v63  }
0xd6: {  	_ = 	snop  }
0xd7: {  	[spmem:s4] =	stream.indirect.scatter.add.f32 [tilespmem:s28], [sflag:$0x5], $0x10, s6, s24, $0xb8;
	[tilespmem:$0x1F380] =	vst v63  }
0xd8: {  	_ =	swait.ge [sflag:s2], $0x4000  }
0xd9: {  	[sflag:s2] =	ssyncset.done $0x0  }
0xda: {  	[sflag:s2] =	ssyncadd.s32 $0xFFFFC000  }
0xdb: {  	_ =	swait.ge [sflag:s8], $0x4000  }
0xdc: {  	[sflag:s8] =	ssyncset.done $0x0  }
0xdd: {  	[sflag:s8] =	ssyncadd.s32 $0xFFFFC000  }
0xde: {  	_ =	swait.ge [sflag:s20], $0x800  }
0xdf: {  	[sflag:s20] =	ssyncset.done $0x0  }
0xe0: {  	[sflag:s20] =	ssyncadd.s32 $0xFFFFF800  }
0xe1: {  	_ =	swait.ge [sflag:s20], $0x800  }
0xe2: {  	[sflag:s20] =	ssyncset.done $0x0  }
0xe3: {  	[sflag:s20] =	ssyncadd.s32 $0xFFFFF800  }
0xe4: {  	_ =	swait.ge [sflag:s20], $0x800  }
0xe5: {  	[sflag:s20] =	ssyncset.done $0x0  }
0xe6: {  	[sflag:s20] =	ssyncadd.s32 $0xFFFFF800  }
0xe7: {  	_ =	swait.ge [sflag:s20], $0x800  }
0xe8: {  	[sflag:s20] =	ssyncset.done $0x0  }
0xe9: {  	[sflag:s20] =	ssyncadd.s32 $0xFFFFF800  }
0xea: {  	_ =	swait.ge [sflag:s20], $0x800  }
0xeb: {  	[sflag:s20] =	ssyncset.done $0x0  }
0xec: {  	[sflag:s20] =	ssyncadd.s32 $0xFFFFF800  }
0xed: {  	_ =	swait.ge [sflag:s20], $0x800  }
0xee: {  	[sflag:s20] =	ssyncset.done $0x0  }
0xef: {  	[sflag:s20] =	ssyncadd.s32 $0xFFFFF800  }
0xf0: {  	_ =	swait.ge [sflag:s20], $0x800  }
0xf1: {  	s21 =	rddreg [dreg:$0x9]  }
0xf2: {  	p0 =	sne.s32 s21, $0x1  }
.Ltmp6:
0xf3: {  	_ = 	snop;
	(pc) =	sbr.rel @!p0 .LBB2_15-.Ltmp6, $4  }
0xf4: {  	[sflag:s20] =	ssyncset.done $0x0  }
0xf5: {  	[sflag:s20] =	ssyncadd.s32 $0xFFFFF800  }
0xf6: {  	s11 =	smov.u32 s18;
	s12 =	simm.s32 $0x280;
	_ =	swait.ge [sflag:s20], $0x800  }
0xf7: {  	s21 =	sadd.s32 $0xFFFFFFFF, s21;
	[sflag:s20] =	ssyncset.done $0x0;
	s18 =	rddreg [dreg:$0x13]  }
.LBB2_14:
0xf8: {  	[sflag:s20] =	ssyncadd.s32 $0xFFFFF800;
	s18 =	sadd.s32 $0x80, s18  }
0xf9: {  	[tilespmem:s5], [sflag:$0x6] =	stream.linear.gather [hbm4b:s18+s5], $0x400, $0x38;
	[tilespmem:$0x1F380] =	vst v63  }
0xfa: {  	_ =	swait.ge [sflag:s22], $0x400  }
0xfb: {  	[sflag:s22] =	ssyncset.done $0x0  }
0xfc: {  	s11 =	sadd.s32 $0x80, s11;
	[sflag:s22] =	ssyncadd.s32 $0xFFFFFC00  }
0xfd: {  	[tilespmem:s23], [sflag:$0x6] =	stream.linear.gather [hbm4b:s11+s5], $0x400, $0x38;
	[tilespmem:$0x1F380] =	vst v63  }
0xfe: {  	_ =	swait.ge [sflag:s22], $0x400  }
0xff: {  	[sflag:s22] =	ssyncset.done $0x0  }
0x100: {  	[sflag:s22] =	ssyncadd.s32 $0xFFFFFC00  }
0x101: {  	[tilespmem:s25], [sflag:$0x1] =	stream.indirect.gather [hbm4b:s0+s24], $0x80, s5, s24, $0xb8;
	[tilespmem:$0x1F380] =	vst v63  }
0x102: {  	_ =	swait.ge [sflag:s26], $0x4000  }
0x103: {  	[sflag:s26] =	ssyncset.done $0x0  }
0x104: {  	[sflag:s26] =	ssyncadd.s32 $0xFFFFC000  }
0x105: {  	[spmem:s3] =	stream.indirect.scatter.add.f32 [tilespmem:s25], [sflag:$0x3], $0x80, s23, s24, $0xb8;
	[tilespmem:$0x1F380] =	vst v63  }
0x106: {  	_ = 	snop  }
0x107: {  	[spmem:s4] =	stream.indirect.scatter.add.f32 [tilespmem:s28], [sflag:$0x5], $0x10, s23, s24, $0xb8;
	[tilespmem:$0x1F380] =	vst v63  }
0x108: {  	_ = 	snop  }
0x109: {  	[tilespmem:s29], [sflag:$0x2] =	stream.indirect.gather [hbm4b:s0+s24], $0x80, s24, s24, $0xb8;
	[tilespmem:$0x1F380] =	vst v63  }
0x10a: {  	_ =	swait.ge [sflag:s30], $0x4000  }
0x10b: {  	[sflag:s30] =	ssyncset.done $0x0  }
0x10c: {  	[sflag:s30] =	ssyncadd.s32 $0xFFFFC000  }
0x10d: {  	[spmem:s3] =	stream.indirect.scatter.add.f32 [tilespmem:s29], [sflag:$0x4], $0x80, s31, s24, $0xb8;
	[tilespmem:$0x1F380] =	vst v63  }
0x10e: {  	_ = 	snop  }
0x10f: {  	[spmem:s4] =	stream.indirect.scatter.add.f32 [tilespmem:s28], [sflag:$0x5], $0x10, s31, s24, $0xb8;
	[tilespmem:$0x1F380] =	vst v63  }
0x110: {  	_ =	swait.ge [sflag:s2], $0x4000  }
0x111: {  	[sflag:s2] =	ssyncset.done $0x0  }
0x112: {  	s7 =	rddreg [dreg:$0x6];
	[sflag:s2] =	ssyncadd.s32 $0xFFFFC000  }
0x113: {  	[tilespmem:s25], [sflag:$0x1] =	stream.indirect.gather [hbm4b:s0+s24], $0x80, s7, s24, $0xb8;
	[tilespmem:$0x1F380] =	vst v63  }
0x114: {  	_ =	swait.ge [sflag:s26], $0x4000  }
0x115: {  	[sflag:s26] =	ssyncset.done $0x0  }
0x116: {  	[sflag:s26] =	ssyncadd.s32 $0xFFFFC000  }
0x117: {  	[spmem:s3] =	stream.indirect.scatter.add.f32 [tilespmem:s25], [sflag:$0x3], $0x80, s1, s24, $0xb8;
	[tilespmem:$0x1F380] =	vst v63  }
0x118: {  	_ = 	snop  }
0x119: {  	[spmem:s4] =	stream.indirect.scatter.add.f32 [tilespmem:s28], [sflag:$0x5], $0x10, s1, s24, $0xb8;
	[tilespmem:$0x1F380] =	vst v63  }
0x11a: {  	_ =	swait.ge [sflag:s8], $0x4000  }
0x11b: {  	[sflag:s8] =	ssyncset.done $0x0  }
0x11c: {  	s7 =	rddreg [dreg:$0x7];
	[sflag:s8] =	ssyncadd.s32 $0xFFFFC000  }
0x11d: {  	[tilespmem:s29], [sflag:$0x2] =	stream.indirect.gather [hbm4b:s0+s24], $0x80, s7, s24, $0xb8;
	[tilespmem:$0x1F380] =	vst v63  }
0x11e: {  	_ =	swait.ge [sflag:s30], $0x4000  }
0x11f: {  	[sflag:s30] =	ssyncset.done $0x0  }
0x120: {  	[sflag:s30] =	ssyncadd.s32 $0xFFFFC000  }
0x121: {  	[spmem:s3] =	stream.indirect.scatter.add.f32 [tilespmem:s29], [sflag:$0x4], $0x80, s9, s24, $0xb8;
	[tilespmem:$0x1F380] =	vst v63  }
0x122: {  	_ = 	snop  }
0x123: {  	[spmem:s4] =	stream.indirect.scatter.add.f32 [tilespmem:s28], [sflag:$0x5], $0x10, s9, s24, $0xb8;
	[tilespmem:$0x1F380] =	vst v63  }
0x124: {  	_ =	swait.ge [sflag:s2], $0x4000  }
0x125: {  	[sflag:s2] =	ssyncset.done $0x0  }
0x126: {  	s7 =	rddreg [dreg:$0x8];
	[sflag:s2] =	ssyncadd.s32 $0xFFFFC000  }
0x127: {  	[tilespmem:s25], [sflag:$0x1] =	stream.indirect.gather [hbm4b:s0+s24], $0x80, s7, s24, $0xb8;
	[tilespmem:$0x1F380] =	vst v63  }
0x128: {  	_ =	swait.ge [sflag:s26], $0x4000  }
0x129: {  	[sflag:s26] =	ssyncset.done $0x0  }
0x12a: {  	[sflag:s26] =	ssyncadd.s32 $0xFFFFC000  }
0x12b: {  	[spmem:s3] =	stream.indirect.scatter.add.f32 [tilespmem:s25], [sflag:$0x3], $0x80, s10, s24, $0xb8;
	[tilespmem:$0x1F380] =	vst v63  }
0x12c: {  	_ = 	snop  }
0x12d: {  	[spmem:s4] =	stream.indirect.scatter.add.f32 [tilespmem:s28], [sflag:$0x5], $0x10, s10, s24, $0xb8;
	[tilespmem:$0x1F380] =	vst v63  }
0x12e: {  	_ =	swait.ge [sflag:s8], $0x4000  }
0x12f: {  	[sflag:s8] =	ssyncset.done $0x0  }
0x130: {  	[sflag:s8] =	ssyncadd.s32 $0xFFFFC000  }
0x131: {  	[tilespmem:s29], [sflag:$0x2] =	stream.indirect.gather [hbm4b:s0+s24], $0x80, s12, s24, $0xb8;
	[tilespmem:$0x1F380] =	vst v63  }
0x132: {  	_ =	swait.ge [sflag:s30], $0x4000  }
0x133: {  	[sflag:s30] =	ssyncset.done $0x0  }
0x134: {  	[sflag:s30] =	ssyncadd.s32 $0xFFFFC000  }
0x135: {  	[spmem:s3] =	stream.indirect.scatter.add.f32 [tilespmem:s29], [sflag:$0x4], $0x80, s17, s24, $0xb8;
	[tilespmem:$0x1F380] =	vst v63  }
0x136: {  	_ = 	snop  }
0x137: {  	[spmem:s4] =	stream.indirect.scatter.add.f32 [tilespmem:s28], [sflag:$0x5], $0x10, s17, s24, $0xb8;
	[tilespmem:$0x1F380] =	vst v63  }
0x138: {  	_ =	swait.ge [sflag:s2], $0x4000  }
0x139: {  	[sflag:s2] =	ssyncset.done $0x0  }
0x13a: {  	s7 =	simm.s32 $0x300;
	[sflag:s2] =	ssyncadd.s32 $0xFFFFC000  }
0x13b: {  	[tilespmem:s25], [sflag:$0x1] =	stream.indirect.gather [hbm4b:s0+s24], $0x80, s7, s24, $0xb8;
	[tilespmem:$0x1F380] =	vst v63  }
0x13c: {  	_ =	swait.ge [sflag:s26], $0x4000  }
0x13d: {  	[sflag:s26] =	ssyncset.done $0x0  }
0x13e: {  	[sflag:s26] =	ssyncadd.s32 $0xFFFFC000  }
0x13f: {  	[spmem:s3] =	stream.indirect.scatter.add.f32 [tilespmem:s25], [sflag:$0x3], $0x80, s19, s24, $0xb8;
	[tilespmem:$0x1F380] =	vst v63  }
0x140: {  	_ = 	snop  }
0x141: {  	[spmem:s4] =	stream.indirect.scatter.add.f32 [tilespmem:s28], [sflag:$0x5], $0x10, s19, s24, $0xb8;
	[tilespmem:$0x1F380] =	vst v63  }
0x142: {  	_ =	swait.ge [sflag:s8], $0x4000  }
0x143: {  	[sflag:s8] =	ssyncset.done $0x0  }
0x144: {  	s7 =	simm.s32 $0x380;
	[sflag:s8] =	ssyncadd.s32 $0xFFFFC000  }
0x145: {  	[tilespmem:s29], [sflag:$0x2] =	stream.indirect.gather [hbm4b:s0+s24], $0x80, s7, s24, $0xb8;
	[tilespmem:$0x1F380] =	vst v63  }
0x146: {  	_ =	swait.ge [sflag:s30], $0x4000  }
0x147: {  	[sflag:s30] =	ssyncset.done $0x0  }
0x148: {  	[sflag:s30] =	ssyncadd.s32 $0xFFFFC000  }
0x149: {  	[spmem:s3] =	stream.indirect.scatter.add.f32 [tilespmem:s29], [sflag:$0x4], $0x80, s6, s24, $0xb8;
	[tilespmem:$0x1F380] =	vst v63  }
0x14a: {  	_ = 	snop  }
0x14b: {  	[spmem:s4] =	stream.indirect.scatter.add.f32 [tilespmem:s28], [sflag:$0x5], $0x10, s6, s24, $0xb8;
	[tilespmem:$0x1F380] =	vst v63  }
0x14c: {  	_ =	swait.ge [sflag:s2], $0x4000  }
0x14d: {  	[sflag:s2] =	ssyncset.done $0x0  }
0x14e: {  	[sflag:s2] =	ssyncadd.s32 $0xFFFFC000  }
0x14f: {  	_ =	swait.ge [sflag:s8], $0x4000  }
0x150: {  	[sflag:s8] =	ssyncset.done $0x0  }
0x151: {  	[sflag:s8] =	ssyncadd.s32 $0xFFFFC000  }
0x152: {  	_ =	swait.ge [sflag:s20], $0x800  }
0x153: {  	[sflag:s20] =	ssyncset.done $0x0  }
0x154: {  	[sflag:s20] =	ssyncadd.s32 $0xFFFFF800  }
0x155: {  	_ =	swait.ge [sflag:s20], $0x800  }
0x156: {  	[sflag:s20] =	ssyncset.done $0x0  }
0x157: {  	[sflag:s20] =	ssyncadd.s32 $0xFFFFF800  }
0x158: {  	_ =	swait.ge [sflag:s20], $0x800  }
0x159: {  	[sflag:s20] =	ssyncset.done $0x0  }
0x15a: {  	[sflag:s20] =	ssyncadd.s32 $0xFFFFF800  }
0x15b: {  	_ =	swait.ge [sflag:s20], $0x800  }
0x15c: {  	[sflag:s20] =	ssyncset.done $0x0  }
0x15d: {  	[sflag:s20] =	ssyncadd.s32 $0xFFFFF800  }
0x15e: {  	_ =	swait.ge [sflag:s20], $0x800  }
0x15f: {  	[sflag:s20] =	ssyncset.done $0x0  }
0x160: {  	[sflag:s20] =	ssyncadd.s32 $0xFFFFF800  }
0x161: {  	_ =	swait.ge [sflag:s20], $0x800  }
0x162: {  	[sflag:s20] =	ssyncset.done $0x0  }
0x163: {  	p0 =	sne.s32 s21, $0x1;
	[sflag:s20] =	ssyncadd.s32 $0xFFFFF800  }
.Ltmp7:
0x164: {  	_ =	swait.ge [sflag:s20], $0x800;
	(pc) =	sbr.rel @p0 .LBB2_14-.Ltmp7, $4  }
0x165: {  	[sflag:s20] =	ssyncset.done $0x0  }
0x166: {  	[sflag:s20] =	ssyncadd.s32 $0xFFFFF800  }
0x167: {  	_ =	swait.ge [sflag:s20], $0x800  }
0x168: {  	s21 =	sadd.s32 $0xFFFFFFFF, s21;
	[sflag:s20] =	ssyncset.done $0x0  }
.LBB2_15:
0x169: {  	[sflag:s20] =	ssyncadd.s32 $0xFFFFF800  }
0x16a: {  	s7 =	stileid.u32;
	[bflag:$0x0] =	sbarrier.arrive $0xFFFF  }
0x16b: {  	s7 =	sshll.u32 s7, $0x6;
	s11 =	rddreg [dreg:$0xa]  }
0x16c: {  	s7 =	sor.u32 $0x1C06, s7;
	s18 =	rddreg [dreg:$0xf];
	s11 =	sshrl.u32 s11, $0x3  }
0x16d: {  	[hbm:s18], [sflag:s7] =	dma.local [spmem:s11], $0x2780  }
0x16e: {  	_ =	swait.ge [sflag:s22], $0x2780  }
0x16f: {  	[sflag:s22] =	ssyncset.done $0x0;
	s12 =	rddreg [dreg:$0x14]  }
0x170: {  	s21 =	rddreg [dreg:$0x10];
	[sflag:s22] =	ssyncadd.s32 $0xFFFFD880;
	s18 =	sshrl.u32 s12, $0x3  }
0x171: {  	[hbm:s21], [sflag:s7] =	dma.local [spmem:s18], $0x4F0  }
0x172: {  	_ =	swait.ge [sflag:s22], $0x4F0  }
0x173: {  	s18 =	rddreg [dreg:$0x15]  }
0x174: {  	s21 =	rddreg [dreg:$0x11];
	s11 =	sadd.s32 $0x1, s18  }
0x175: {  	p0 =	sne.s32 s11, s21  }
.Ltmp8:
0x176: {  	_ = 	snop;
	(pc) =	sbr.rel @p0 .LBB2_1-.Ltmp8, $3  }
0x177: {  	_ =	sdelay $0x1  }
0x178: {  	[sflag:s22] =	ssyncset.done $0x0  }
0x179: {  	[sflag:s22] =	ssyncadd.s32 $0xFFFFFB10  }
0x17a: {  	_ =	sfence.sel $0x180000  }
0x17b: {  	[bflag:$0x0] =	sbarrier.arrive $0xFFFF  }
0x17c: {  	_ =	strace $0x90000047  }
0x17d: {  	s0 =	stileid.u32;
	[bflag:$0x2] =	sbarrier.arrive $0xFFFF  }
0x17e: {  	p0 =	sne.s32 s0, $0x0;
	s0 =	rddreg [dreg:$0x5]  }
0x17f: {  	s0 =	sadd.s32 @!p0 $0x100000, s0  }
0x180: {  	[sflag:s0] =	ssyncadd.tile.s32 @!p0 $0x1;
	_ =	shalt  }
.Lfunc_end2:
_tile_overlayer_lowered:
.L_overlay_start_2:
0x181: {  	(tag) =	ssettag $0x2  }
0x182: {  	s0 =	rddreg [dreg:$0x0];
	s2 =	stileid.u32  }
0x183: {  	s1 =	rddreg [dreg:$0x1];
	p0 =	sne.s32 s2, $0x0  }
0x184: {  	s3 =	rddreg [dreg:$0x2];
	[bflag:$0x3] =	sbarrier.arrive $0xFFFF;
	s2 =	simm.s32 @!p0 $0x1C06  }
0x185: {  	[timem:s3], [sflag:s2] =	dma.local @!p0 [hbm:s0], s1  }
0x186: {  	s0 =	simm.s32 @!p0 $0x6  }
0x187: {  	_ =	swait.ge @!p0 [sflag:s0], s1  }
0x188: {  	s1 =	ssub.s32 @!p0 $0x0, s1;
	[sflag:s0] =	ssyncset.done @!p0 $0x0  }
0x189: {  	[sflag:s0] =	ssyncadd.s32 @!p0 s1  }
0x18a: {  	[bflag:$0x3] =	sbarrier.arrive $0xFFFF  }
0x18b: {  	_ =	shalt  }

// kernel: kernel.9.cloned.1.call-start
scs
__scs_entry_jumppad:
0x0: {  	(pc) =	sbr.rel $0x88, $3  }
0x1: {  	(tag) =	ssettag $0x0;
	lr =	simm.s32 $0x1  }
0x2: {  	[smem:$0x3F99] =	sst lr;
	_ =	strace $0xD0000000  }
0x3: {  	_ = 	snop  }
0x4: {  	_ = 	snop  }
0x5: {  	_ = 	snop  }
0x6: {  	_ = 	snop  }
0x7: {  	_ = 	snop  }
__scs_overlays_trampoline_lowered:
0x8: {  	[smem:$0x3FA8] =	sst s0  }
0x9: {  	[smem:$0x3FA9] =	sst s1  }
0xa: {  	[smem:$0x3FAA] =	sst s2  }
0xb: {  	[smem:$0x3FAB] =	sst s3  }
0xc: {  	[smem:$0x3FAC] =	sst s4  }
0xd: {  	[smem:$0x3FAD] =	sst s5  }
0xe: {  	[smem:$0x3FAE] =	sst s6  }
0xf: {  	[smem:$0x3FAF] =	sst s7  }
0x10: {  	[smem:$0x3FB0] =	sst s8  }
0x11: {  	[smem:$0x3FB1] =	sst s9;
	s0 =	simm.s32 @!p0 $0x0  }
0x12: {  	s1 =	sld [smem:$0x3F97];
	s0 =	simm.s32 @p0 $0x1  }
0x13: {  	[smem:$0x3FB2] =	sst s0;
	s0 =	simm.s32 @!p1 $0x0  }
0x14: {  	s2 =	sld [smem:$0x3F96];
	s0 =	simm.s32 @p1 $0x1  }
0x15: {  	[smem:$0x3FB3] =	sst s0;
	s0 =	simm.s32 @!p2 $0x0  }
0x16: {  	s3 =	sld [smem:$0x3FDB];
	s0 =	simm.s32 @p2 $0x1  }
0x17: {  	s4 =	simm.s32 $0x1BF5;
	[smem:$0x3FB5] =	sst s0  }
0x18: {  	s0 =	sld [smem:$0x3F98];
	_ =	swait.ge [sflag:s4], $0x0  }
0x19: {  	s7 =	sld [smem:$0x3F99]  }
0x1a: {  	s8 =	sadd.s32 $0xFFFFE003, lr  }
0x1b: {  	s9 =	sadd.s32 $0xFFFFFEF7, lr;
	s5 =	simm.s32 $0xFFFFFFFF;
	p2 =	slt.u32 s8, $0xFFFFF086  }
0x1c: {  	p1 =	slt.u32 s9, $0xF7A;
	s5 =	simm.s32 @!p2 $0x0  }
0x1d: {  	s5 =	simm.s32 @p1 $0x1;
	p0 =	seq.s32 s7, s2  }
0x1e: {  	s7 =	smul.u32 @!p0 $0xF7A, s2;
	p2 =	seq.s32 @!p0 s5, $0x0  }
0x1f: {  	s9 =	smul.u32 $0xF7A, s1;
	s8 =	simm.s32 @!p0 $0x1BF5;
	p2 =	por !p2, p0  }
0x20: {  	[sflag:s8] =	ssyncset.s32 @!p0 $0xFFFFF086;
	s6 =	sadd.s32 @!p0 s3, s7;
	s7 =	simm.s32 @!p0 $0x108  }
0x21: {  	s3 =	sadd.s32 s3, s9;
	s6 =	sadd.s32 @!p0 $0x88, s6;
	s7 =	simm.s32 @p2 $0x1082  }
0x22: {  	[simem:s7], [sflag:s8] =	dma.local @!p0 [hbm:s6], $0xF7A  }
0x23: {  	s9 =	sor.u32 $0xD0000000, s2;
	s6 =	simm.s32 $0x108;
	_ =	swait.ge @!p0 [sflag:s8], $0x0  }
0x24: {  	s3 =	sadd.s32 $0x88, s3;
	s6 =	simm.s32 @!p1 $0x1082;
	[sflag:s4] =	ssyncset.s32 $0xFFFFF086  }
0x25: {  	[simem:s6], [sflag:s4] =	dma.local [hbm:s3], $0xF7A  }
0x26: {  	[smem:$0x3F99] =	sst s1;
	(tag) =	ssettag s2;
	_ =	strace s9  }
0x27: {  	s1 =	sld [smem:$0x3FA9]  }
0x28: {  	s2 =	sld [smem:$0x3FAA]  }
0x29: {  	s4 =	sld [smem:$0x3FAC]  }
0x2a: {  	p0 =	seq.s32 s5, $0x0;
	s5 =	sld [smem:$0x3FAD]  }
0x2b: {  	s6 =	sld [smem:$0x3FAE]  }
0x2c: {  	s7 =	sld [smem:$0x3FAF]  }
0x2d: {  	s3 =	simm.s32 $0x108;
	s8 =	sld [smem:$0x3FB0]  }
0x2e: {  	s3 =	simm.s32 @!p0 $0x1082;
	s9 =	sld [smem:$0x3FB1]  }
0x2f: {  	lr =	sadd.s32 s0, s3;
	s0 =	sld [smem:$0x3FA8]  }
0x30: {  	s3 =	sld [smem:$0x3FAB]  }
0x31: {  	[smem:$0x3FB4] =	sst s10  }
0x32: {  	s10 =	sld [smem:$0x3FB2];
	_ =	sdelay $0x3  }
0x33: {  	p0 =	seq.s32 s10, $0x1;
	s10 =	sld [smem:$0x3FB4];
	_ =	sdelay $0x3  }
0x34: {  	[smem:$0x3FB4] =	sst s10  }
0x35: {  	s10 =	sld [smem:$0x3FB3];
	_ =	sdelay $0x3  }
0x36: {  	p1 =	seq.s32 s10, $0x1;
	s10 =	sld [smem:$0x3FB4];
	_ =	sdelay $0x3  }
0x37: {  	[smem:$0x3FB4] =	sst s10  }
0x38: {  	s10 =	sld [smem:$0x3FB5]  }
0x39: {  	_ = 	snop;
	(pc) =	sbr.ind lr, $3  }
0x3a: {  	_ = 	snop  }
0x3b: {  	_ = 	snop  }
0x3c: {  	p2 =	seq.s32 s10, $0x1;
	s10 =	sld [smem:$0x3FB4]  }
0x3d: {  	_ =	shalt  }
0x3e: {  	_ =	shalt  }
0x3f: {  	_ =	shalt  }
0x40: {  	_ =	shalt  }
0x41: {  	_ =	shalt  }
0x42: {  	_ =	shalt  }
0x43: {  	_ =	shalt  }
0x44: {  	_ =	shalt  }
0x45: {  	_ =	shalt  }
0x46: {  	_ =	shalt  }
0x47: {  	_ =	shalt  }
0x48: {  	_ =	shalt  }
0x49: {  	_ =	shalt  }
0x4a: {  	_ =	shalt  }
0x4b: {  	_ =	shalt  }
0x4c: {  	_ =	shalt  }
0x4d: {  	_ =	shalt  }
0x4e: {  	_ =	shalt  }
0x4f: {  	_ =	shalt  }
0x50: {  	_ =	shalt  }
0x51: {  	_ =	shalt  }
0x52: {  	_ =	shalt  }
0x53: {  	_ =	shalt  }
0x54: {  	_ =	shalt  }
0x55: {  	_ =	shalt  }
0x56: {  	_ =	shalt  }
0x57: {  	_ =	shalt  }
0x58: {  	_ =	shalt  }
0x59: {  	_ =	shalt  }
0x5a: {  	_ =	shalt  }
0x5b: {  	_ =	shalt  }
0x5c: {  	_ =	shalt  }
0x5d: {  	_ =	shalt  }
0x5e: {  	_ =	shalt  }
0x5f: {  	_ =	shalt  }
0x60: {  	_ =	shalt  }
0x61: {  	_ =	shalt  }
0x62: {  	_ =	shalt  }
0x63: {  	_ =	shalt  }
0x64: {  	_ =	shalt  }
0x65: {  	_ =	shalt  }
0x66: {  	_ =	shalt  }
0x67: {  	_ =	shalt  }
0x68: {  	_ =	shalt  }
0x69: {  	_ =	shalt  }
0x6a: {  	_ =	shalt  }
0x6b: {  	_ =	shalt  }
0x6c: {  	_ =	shalt  }
0x6d: {  	_ =	shalt  }
0x6e: {  	_ =	shalt  }
0x6f: {  	_ =	shalt  }
0x70: {  	_ =	shalt  }
0x71: {  	_ =	shalt  }
0x72: {  	_ =	shalt  }
0x73: {  	_ =	shalt  }
0x74: {  	_ =	shalt  }
0x75: {  	_ =	shalt  }
0x76: {  	_ =	shalt  }
0x77: {  	_ =	shalt  }
0x78: {  	_ =	shalt  }
0x79: {  	_ =	shalt  }
0x7a: {  	_ =	shalt  }
0x7b: {  	_ =	shalt  }
0x7c: {  	_ =	shalt  }
0x7d: {  	_ =	shalt  }
0x7e: {  	_ =	shalt  }
0x7f: {  	_ =	shalt  }
0x80: {  	_ =	shalt  }
0x81: {  	_ =	shalt  }
0x82: {  	_ =	shalt  }
0x83: {  	_ =	shalt  }
0x84: {  	_ =	shalt  }
0x85: {  	_ =	shalt  }
0x86: {  	_ =	shalt  }
0x87: {  	_ =	shalt  }
.Lfunc_end0:
.L_simem_size_0:
called_computation.1_lowered:
.L_overlay_start_0:
0x88: {  	s2 =	sld [smem:$0x3FD9]  }
0x89: {  	s3 =	sld [smem:$0x3FFE];
	_ =	sdelay $0x1  }
0x8a: {  	s1 =	srdreg.scid  }
0x8b: {  	s0 =	sand.u32 $0x1, s1  }
0x8c: {  	s17 =	sshll.u32 s0, $0xA;
	s2 =	sadd.s32 s3, s2  }
0x8d: {  	s2 =	sadd.s32 s2, s17  }
0x8e: {  	[smem:$0x3FC0] =	sst s2  }
0x8f: {  	_ = 	snop  }
0x90: {  	s2 =	sld [smem:$0x3FD0];
	(tm) =	ssettm $0x1  }
0x91: {  	s18 =	sld [smem:$0x3FFB];
	_ =	sdelay $0x3  }
0x92: {  	_ =	strace s18  }
0x93: {  	s3 =	sld [smem:$0x3FFC];
	_ =	sdelay $0x3  }
0x94: {  	_ =	strace s3  }
0x95: {  	s3 =	sld [smem:$0x3FFD];
	_ =	sdelay $0x3  }
0x96: {  	_ =	strace s3  }
0x97: {  	_ =	strace $0x8FFFFFFF  }
0x98: {  	s19 =	sld [smem:$0x3FDB];
	_ =	sdelay $0x1  }
0x99: {  	s4 =	simm.s32 $_scs_section_size  }
0x9a: {  	s5 =	simm.s32 $_size__tile_overlayer_lowered;
	s6 =	simm.s32 $_tile_overlayer_lowered  }
0x9b: {  	s22 =	simm.s32 $0x1BFF;
	s21 =	sshll.u32 s6, $0x1;
	s3 =	sadd.s32 s4, s19  }
0x9c: {  	s7 =	simm.s32 $0x0;
	s20 =	sshll.u32 s5, $0x1;
	s5 =	sadd.s32 s21, s3  }
0x9d: {  	[timem:s7], [sflag:s22] =	dma.local [hbm:s5], s20  }
0x9e: {  	_ =	swait.ge [sflag:s22], s20  }
0x9f: {  	s4 =	ssub.s32 $0x0, s20;
	[sflag:s22] =	ssyncset.done $0x0  }
0xa0: {  	[sflag:s22] =	ssyncadd.s32 s4;
	_ =	sdelay $0x1  }
0xa1: {  	s23 =	simm.s32 $0x1B8B  }
0xa2: {  	_ =	swait.ge [sflag:s23], $0x1  }
0xa3: {  	[sflag:s23] =	ssyncset.done $0x0  }
0xa4: {  	s25 =	simm.s32 $0x1B8E;
	s24 =	sld [smem:$0x3FFE];
	[sflag:s23] =	ssyncadd.s32 $0xFFFFFFFF  }
0xa5: {  	s26 =	simm.s32 $execute0_lowered;
	[smem:$0x3FD2] =	sst s25  }
0xa6: {  	s5 =	sshll.u32 s26, $0x1;
	_ =	strace $0x80000049;
	[dreg:$0x1] =	wrdreg $0xFFFFFFFF  }
0xa7: {  	s28 =	simm.s32 $_size_execute0_lowered;
	s3 =	sadd.s32 s3, s5;
	[dreg:$0x0] =	wrdreg $0x0  }
0xa8: {  	s5 =	sshll.u32 s28, $0x1;
	[dreg:$0x2] =	wrdreg s3  }
0xa9: {  	[dreg:$0x3] =	wrdreg s5  }
0xaa: {  	[dreg:$0x4] =	wrdreg $0xC0  }
0xab: {  	_ =	task [dreg:s7], $0x5FFFF  }
0xac: {  	[dreg:$0x1] =	wrdreg $0xFFFFFFFF  }
0xad: {  	[dreg:$0x0] =	wrdreg $0x60  }
0xae: {  	[dreg:$0x2] =	wrdreg s2  }
0xaf: {  	[dreg:$0x3] =	wrdreg s24  }
0xb0: {  	[dreg:$0x4] =	wrdreg $0x88000  }
0xb1: {  	[dreg:$0x5] =	wrdreg $0x9  }
0xb2: {  	_ =	task.clear_ibuf [dreg:s7], $0x6FFFF;
	_ =	strace $0x90000049  }
0xb3: {  	s29 =	simm.s32 $0x9;
	_ =	strace $0x8000004B  }
0xb4: {  	_ =	swait.ge [sflag:s29], $0x1  }
0xb5: {  	[sflag:s29] =	ssyncadd.s32 $0xFFFFFFFF  }
0xb6: {  	_ =	strace $0x9000004B  }
0xb7: {  	_ =	sfence  }
0xb8: {  	s30 =	sld [smem:$0x0];
	_ =	sdelay $0x2  }
0xb9: {  	s31 =	sshll.u32 s1, $0xD;
	s1 =	sshrl.u32 s1, $0x2  }
0xba: {  	s3 =	sand.u32 $0x4000, s31;
	s1 =	sadd.s32 s1, s30  }
0xbb: {  	s0 =	sor.u32 s3, s0;
	s1 =	sshll.u32 s1, $0x11  }
0xbc: {  	s0 =	sor.u32 s1, s0  }
0xbd: {  	s0 =	sadd.s32 $0x8F2B, s0  }
0xbe: {  	[sflag:s0] =	ssyncadd.remote.s32 $0x1  }
0xbf: {  	_ =	sfence.sel $0xFFFF  }
0xc0: {  	[dreg:$0x0] =	wrdreg $0xFFFFFFFF;
	(pc) =	sbr.abs _section_cstart, $3  }
0xc1: {  	[dreg:$0x1] =	wrdreg $0xFFFFFFFF  }
0xc2: {  	_ =	task.clear_ibuf [dreg:s7], $0x2FFFF;
	_ =	strace $0x9FFFFFFF  }
0xc3: {  	(tm) =	ssettm $0x7FFFFFFF  }
tec
execute0_lowered:
.L_overlay_start_1:
0x0: {  	(tag) =	ssettag $0x1  }
0x1: {  	s1 =	rddreg [dreg:$0x0]  }
0x2: {  	s0 =	rddreg [dreg:$0x1]  }
0x3: {  	s3 =	rddreg [dreg:$0x2];
	s4 =	simm.s32 $0x0  }
0x4: {  	s9 =	stileid.u32;
	s2 =	srdreg.scid;
	s21 =	simm.s32 $0x100  }
0x5: {  	s22 =	simm.s32 $0x180;
	s23 =	simm.s32 $0x480;
	s24 =	simm.s32 $0x200  }
0x6: {  	s25 =	simm.s32 $0x500;
	s26 =	simm.s32 $0x280;
	s28 =	simm.s32 $0x4  }
0x7: {  	s29 =	simm.s32 $0x580;
	s30 =	simm.s32 $0x7;
	s31 =	simm.s32 $0x300  }
0x8: {  	s10 =	simm.s32 $0x780;
	s11 =	simm.s32 $0x0;
	[smem:$0x7FF] =	sst s4  }
0x9: {  	s5 =	smul.u32 $0x90, s9;
	s2 =	sand.u32 $0x1, s2;
	s6 =	sshll.u32 s9, $0x4  }
0xa: {  	s7 =	smul.u32 $0x9E00, s9;
	_ =	strace $0x8000004A;
	[dreg:$0x4] =	wrdreg s21  }
0xb: {  	s13 =	smul.u32 $0x27800, s9;
	s9 =	simm.s32 $0x12;
	[dreg:$0x5] =	wrdreg s22  }
0xc: {  	p0 =	seq.s32 s2, $0x0;
	s6 =	sor.u32 $0x900, s6;
	[dreg:$0x6] =	wrdreg s23  }
0xd: {  	s8 =	smul.u32 $0x9E000, s2;
	s2 =	ssub.s32 $0x2, s2;
	[dreg:$0x7] =	wrdreg s24  }
0xe: {  	s21 =	simm.s32 $0x1;
	s22 =	simm.s32 $0x6800;
	[dreg:$0x8] =	wrdreg s25  }
0xf: {  	s23 =	simm.s32 $0x2;
	s24 =	simm.s32 $0x5;
	[dreg:$0x9] =	wrdreg s26  }
0x10: {  	s25 =	simm.s32 $0x3;
	s26 =	simm.s32 $0x6;
	s6 =	smov.u32 @p0 s5  }
0x11: {  	s14 =	sshrl.u32 s2, $0x1;
	s9 =	simm.s32 @!p0 $0x2;
	s5 =	sshll.u32 s6, $0x4  }
0x12: {  	s12 =	sadd.s32 s7, s8;
	s8 =	sshrl.u32 s13, $0x2;
	s2 =	ssub.s32 s2, s14  }
0x13: {  	[dreg:$0xa] =	wrdreg s9;
	s7 =	sadd.s32 s7, s3;
	s9 =	simm.s32 $0x700  }
0x14: {  	s5 =	sadd.s32 s5, s0;
	s6 =	sshrl.u32 s12, $0x3;
	s15 =	sadd.s32 s8, s3  }
0x15: {  	[dreg:$0xb] =	wrdreg s7;
	s19 =	smax.u32 s2, $0x1;
	s2 =	simm.s32 $0x8  }
0x16: {  	s7 =	simm.s32 $0x380;
	s16 =	sadd.s32 $0x2000, s15;
	[dreg:$0x11] =	wrdreg s19  }
0x17: {  	s8 =	simm.s32 $0x680;
	s17 =	sadd.s32 $0x4000, s15;
	[dreg:$0xc] =	wrdreg s16  }
0x18: {  	s0 =	sadd.s32 s6, s0;
	s18 =	sadd.s32 $0x6000, s15;
	[dreg:$0xd] =	wrdreg s17  }
0x19: {  	s6 =	sadd.s32 $0x8000, s15;
	s20 =	sadd.s32 $0x1A00, s5;
	[dreg:$0xe] =	wrdreg s18  }
0x1a: {  	s5 =	sadd.s32 $0xBA00, s5;
	s15 =	simm.s32 $0x800;
	[dreg:$0xf] =	wrdreg s6  }
0x1b: {  	s19 =	simm.s32 $0x2800;
	s0 =	sadd.s32 $0x15A00, s0;
	[dreg:$0x12] =	wrdreg s20  }
0x1c: {  	s16 =	simm.s32 $0x9;
	s17 =	simm.s32 $0x400;
	s18 =	simm.s32 $0x80  }
0x1d: {  	v0 =	vimm.f32 $0.0e+00;
	s20 =	simm.s32 $0x4800;
	[dreg:$0x10] =	wrdreg s0;
	s0 =	simm.s32 $0x600  }
.LBB2_1:
0x1e: {  	s13 =	simm.s32 $0x100;
	s12 =	simm.s32 $0x0  }
.LBB2_2:
0x1f: {  	p0 =	sne.s32 s13, $0x7F00;
	[tilespmem:s12+$0x830] =	vst v0;
	s14 =	smov.u32 s13;
	s13 =	sadd.s32 $0x100, s13  }
.Ltmp0:
0x20: {  	[tilespmem:s12+$0x820] =	vst v0;
	(pc) =	sbr.rel @p0 .LBB2_2-.Ltmp0, $3  }
0x21: {  	[tilespmem:s12+$0x800] =	vst v0  }
0x22: {  	[tilespmem:s12+$0x810] =	vst v0;
	_ =	sdelay $0x1  }
0x23: {  	s12 =	sshra.s32 s14, $0x2  }
0x24: {  	[tilespmem:s12+$0x830] =	vst v0  }
0x25: {  	[tilespmem:s12+$0x820] =	vst v0  }
0x26: {  	[tilespmem:s12+$0x800] =	vst v0  }
0x27: {  	[tilespmem:s12+$0x810] =	vst v0;
	s6 =	rddreg [dreg:$0xb]  }
0x28: {  	[spmem:s6] =	stream.linear.scatter [tilespmem:s15], [sflag:$0x9], $0x2000, $0x38;
	[tilespmem:$0x12600] =	vst v63  }
0x29: {  	_ =	swait.ge [sflag:s16], $0x2000  }
0x2a: {  	[sflag:s16] =	ssyncset.done $0x0  }
0x2b: {  	s13 =	rddreg [dreg:$0xc];
	[sflag:s16] =	ssyncadd.s32 $0xFFFFE000  }
0x2c: {  	[spmem:s13] =	stream.linear.scatter [tilespmem:s15], [sflag:$0x9], $0x2000, $0x38;
	[tilespmem:$0x12600] =	vst v63  }
0x2d: {  	_ =	swait.ge [sflag:s16], $0x2000  }
0x2e: {  	[sflag:s16] =	ssyncset.done $0x0  }
0x2f: {  	s14 =	rddreg [dreg:$0xd];
	[sflag:s16] =	ssyncadd.s32 $0xFFFFE000  }
0x30: {  	[spmem:s14] =	stream.linear.scatter [tilespmem:s15], [sflag:$0x9], $0x2000, $0x38;
	[tilespmem:$0x12600] =	vst v63  }
0x31: {  	_ =	swait.ge [sflag:s16], $0x2000  }
0x32: {  	[sflag:s16] =	ssyncset.done $0x0  }
0x33: {  	s12 =	rddreg [dreg:$0xe];
	[sflag:s16] =	ssyncadd.s32 $0xFFFFE000  }
0x34: {  	[spmem:s12] =	stream.linear.scatter [tilespmem:s15], [sflag:$0x9], $0x2000, $0x38;
	[tilespmem:$0x12600] =	vst v63  }
0x35: {  	_ =	swait.ge [sflag:s16], $0x2000  }
0x36: {  	[sflag:s16] =	ssyncset.done $0x0  }
0x37: {  	s13 =	rddreg [dreg:$0xf];
	[sflag:s16] =	ssyncadd.s32 $0xFFFFE000  }
0x38: {  	[spmem:s13] =	stream.linear.scatter [tilespmem:s15], [sflag:$0x9], $0x1E00, $0x38;
	[tilespmem:$0x12600] =	vst v63  }
0x39: {  	_ =	swait.ge [sflag:s16], $0x1E00  }
0x3a: {  	[sflag:s16] =	ssyncset.done $0x0  }
0x3b: {  	[sflag:s16] =	ssyncadd.s32 $0xFFFFE200  }
0x3c: {  	[bflag:$0x0] =	sbarrier.arrive $0xFFFF  }
0x3d: {  	[tilespmem:s4], [sflag:$0x9] =	stream.linear.gather [hbm4b:s5+s4], $0x400, $0x38;
	[tilespmem:$0x12600] =	vst v63  }
0x3e: {  	_ =	swait.ge [sflag:s16], $0x400  }
0x3f: {  	[sflag:s16] =	ssyncset.done $0x0  }
0x40: {  	s13 =	rddreg [dreg:$0x12];
	[sflag:s16] =	ssyncadd.s32 $0xFFFFFC00  }
0x41: {  	[tilespmem:s17], [sflag:$0x9] =	stream.linear.gather [hbm4b:s13+s4], $0x400, $0x38;
	[tilespmem:$0x12600] =	vst v63  }
0x42: {  	_ =	swait.ge [sflag:s16], $0x400  }
0x43: {  	[sflag:s16] =	ssyncset.done $0x0  }
0x44: {  	[sflag:s16] =	ssyncadd.s32 $0xFFFFFC00  }
0x45: {  	[tilespmem:s15], [sflag:$0x1] =	stream.indirect.gather [hbm4b:s1+s18], $0x40, s4, s18, $0xb8;
	[tilespmem:$0x12600] =	vst v63  }
0x46: {  	_ = 	snop  }
0x47: {  	[tilespmem:s19], [sflag:$0x2] =	stream.indirect.gather [hbm4b:s1+s18], $0x40, s18, s18, $0xb8;
	[tilespmem:$0x12600] =	vst v63  }
0x48: {  	s14 =	rddreg [dreg:$0x4]  }
0x49: {  	[tilespmem:s20], [sflag:$0x3] =	stream.indirect.gather [hbm4b:s1+s18], $0x40, s14, s18, $0xb8;
	[tilespmem:$0x12600] =	vst v63  }
0x4a: {  	_ =	swait.ge [sflag:s21], $0x2000  }
0x4b: {  	[sflag:s21] =	ssyncset.done $0x0  }
0x4c: {  	[sflag:s21] =	ssyncadd.s32 $0xFFFFE000  }
0x4d: {  	[spmem:s3] =	stream.indirect.scatter.add.f32 [tilespmem:s15], [sflag:$0x5], $0x40, s17, s18, $0xb8;
	[tilespmem:$0x12600] =	vst v63  }
0x4e: {  	s6 =	rddreg [dreg:$0x5]  }
0x4f: {  	[tilespmem:s22], [sflag:$0x4] =	stream.indirect.gather [hbm4b:s1+s18], $0x40, s6, s18, $0xb8;
	[tilespmem:$0x12600] =	vst v63  }
0x50: {  	_ =	swait.ge [sflag:s23], $0x2000  }
0x51: {  	[sflag:s23] =	ssyncset.done $0x0  }
0x52: {  	s14 =	rddreg [dreg:$0x6];
	[sflag:s23] =	ssyncadd.s32 $0xFFFFE000  }
0x53: {  	[spmem:s3] =	stream.indirect.scatter.add.f32 [tilespmem:s19], [sflag:$0x6], $0x40, s14, s18, $0xb8;
	[tilespmem:$0x12600] =	vst v63  }
0x54: {  	_ =	swait.ge [sflag:s24], $0x2000  }
0x55: {  	[sflag:s24] =	ssyncset.done $0x0  }
0x56: {  	s6 =	rddreg [dreg:$0x7];
	[sflag:s24] =	ssyncadd.s32 $0xFFFFE000  }
0x57: {  	[tilespmem:s15], [sflag:$0x1] =	stream.indirect.gather [hbm4b:s1+s18], $0x40, s6, s18, $0xb8;
	[tilespmem:$0x12600] =	vst v63  }
0x58: {  	_ =	swait.ge [sflag:s25], $0x2000  }
0x59: {  	[sflag:s25] =	ssyncset.done $0x0  }
0x5a: {  	s14 =	rddreg [dreg:$0x8];
	[sflag:s25] =	ssyncadd.s32 $0xFFFFE000  }
0x5b: {  	[spmem:s3] =	stream.indirect.scatter.add.f32 [tilespmem:s20], [sflag:$0x7], $0x40, s14, s18, $0xb8;
	[tilespmem:$0x12600] =	vst v63  }
0x5c: {  	_ =	swait.ge [sflag:s26], $0x2000  }
0x5d: {  	[sflag:s26] =	ssyncset.done $0x0  }
0x5e: {  	s6 =	rddreg [dreg:$0x9];
	[sflag:s26] =	ssyncadd.s32 $0xFFFFE000  }
0x5f: {  	[tilespmem:s19], [sflag:$0x2] =	stream.indirect.gather [hbm4b:s1+s18], $0x40, s6, s18, $0xb8;
	[tilespmem:$0x12600] =	vst v63  }
0x60: {  	_ =	swait.ge [sflag:s28], $0x2000  }
0x61: {  	[sflag:s28] =	ssyncset.done $0x0  }
0x62: {  	[sflag:s28] =	ssyncadd.s32 $0xFFFFE000  }
0x63: {  	[spmem:s3] =	stream.indirect.scatter.add.f32 [tilespmem:s22], [sflag:$0x8], $0x40, s29, s18, $0xb8;
	[tilespmem:$0x12600] =	vst v63  }
0x64: {  	_ =	swait.ge [sflag:s30], $0x2000  }
0x65: {  	[sflag:s30] =	ssyncset.done $0x0  }
0x66: {  	[sflag:s30] =	ssyncadd.s32 $0xFFFFE000  }
0x67: {  	[tilespmem:s20], [sflag:$0x3] =	stream.indirect.gather [hbm4b:s1+s18], $0x40, s31, s18, $0xb8;
	[tilespmem:$0x12600] =	vst v63  }
0x68: {  	_ =	swait.ge [sflag:s21], $0x2000  }
0x69: {  	[sflag:s21] =	ssyncset.done $0x0  }
0x6a: {  	[sflag:s21] =	ssyncadd.s32 $0xFFFFE000  }
0x6b: {  	[spmem:s3] =	stream.indirect.scatter.add.f32 [tilespmem:s15], [sflag:$0x5], $0x40, s0, s18, $0xb8;
	[tilespmem:$0x12600] =	vst v63  }
0x6c: {  	_ =	swait.ge [sflag:s2], $0x2000  }
0x6d: {  	[sflag:s2] =	ssyncset.done $0x0  }
0x6e: {  	[sflag:s2] =	ssyncadd.s32 $0xFFFFE000  }
0x6f: {  	[tilespmem:s22], [sflag:$0x4] =	stream.indirect.gather [hbm4b:s1+s18], $0x40, s7, s18, $0xb8;
	[tilespmem:$0x12600] =	vst v63  }
0x70: {  	_ =	swait.ge [sflag:s23], $0x2000  }
0x71: {  	[sflag:s23] =	ssyncset.done $0x0  }
0x72: {  	[sflag:s23] =	ssyncadd.s32 $0xFFFFE000  }
0x73: {  	[spmem:s3] =	stream.indirect.scatter.add.f32 [tilespmem:s19], [sflag:$0x6], $0x40, s8, s18, $0xb8;
	[tilespmem:$0x12600] =	vst v63  }
0x74: {  	_ =	swait.ge [sflag:s25], $0x2000  }
0x75: {  	[sflag:s25] =	ssyncset.done $0x0  }
0x76: {  	[sflag:s25] =	ssyncadd.s32 $0xFFFFE000  }
0x77: {  	[spmem:s3] =	stream.indirect.scatter.add.f32 [tilespmem:s20], [sflag:$0x7], $0x40, s9, s18, $0xb8;
	[tilespmem:$0x12600] =	vst v63  }
0x78: {  	_ =	swait.ge [sflag:s28], $0x2000  }
0x79: {  	[sflag:s28] =	ssyncset.done $0x0  }
0x7a: {  	[sflag:s28] =	ssyncadd.s32 $0xFFFFE000  }
0x7b: {  	[spmem:s3] =	stream.indirect.scatter.add.f32 [tilespmem:s22], [sflag:$0x8], $0x40, s10, s18, $0xb8;
	[tilespmem:$0x12600] =	vst v63  }
0x7c: {  	_ =	swait.ge [sflag:s24], $0x2000  }
0x7d: {  	[sflag:s24] =	ssyncset.done $0x0  }
0x7e: {  	[sflag:s24] =	ssyncadd.s32 $0xFFFFE000  }
0x7f: {  	_ =	swait.ge [sflag:s26], $0x2000  }
0x80: {  	[sflag:s26] =	ssyncset.done $0x0  }
0x81: {  	[sflag:s26] =	ssyncadd.s32 $0xFFFFE000  }
0x82: {  	_ =	swait.ge [sflag:s30], $0x2000  }
0x83: {  	s14 =	rddreg [dreg:$0xa]  }
0x84: {  	p0 =	sne.s32 s14, $0x1  }
.Ltmp1:
0x85: {  	_ = 	snop;
	(pc) =	sbr.rel @!p0 .LBB2_5-.Ltmp1, $4  }
0x86: {  	[sflag:s30] =	ssyncset.done $0x0  }
0x87: {  	[sflag:s30] =	ssyncadd.s32 $0xFFFFE000  }
0x88: {  	_ =	swait.ge [sflag:s2], $0x2000  }
0x89: {  	s12 =	sadd.s32 $0xFFFFFFFF, s14;
	s14 =	smov.u32 s5;
	[sflag:s2] =	ssyncset.done $0x0  }
.LBB2_4:
0x8a: {  	[sflag:s2] =	ssyncadd.s32 $0xFFFFE000;
	s14 =	sadd.s32 $0x80, s14  }
0x8b: {  	[tilespmem:s4], [sflag:$0x9] =	stream.linear.gather [hbm4b:s14+s4], $0x400, $0x38;
	[tilespmem:$0x12600] =	vst v63  }
0x8c: {  	_ =	swait.ge [sflag:s16], $0x400  }
0x8d: {  	[sflag:s16] =	ssyncset.done $0x0  }
0x8e: {  	s13 =	sadd.s32 $0x80, s13;
	[sflag:s16] =	ssyncadd.s32 $0xFFFFFC00  }
0x8f: {  	[tilespmem:s17], [sflag:$0x9] =	stream.linear.gather [hbm4b:s13+s4], $0x400, $0x38;
	[tilespmem:$0x12600] =	vst v63  }
0x90: {  	_ =	swait.ge [sflag:s16], $0x400  }
0x91: {  	[sflag:s16] =	ssyncset.done $0x0  }
0x92: {  	[sflag:s16] =	ssyncadd.s32 $0xFFFFFC00  }
0x93: {  	[tilespmem:s15], [sflag:$0x1] =	stream.indirect.gather [hbm4b:s1+s18], $0x40, s4, s18, $0xb8;
	[tilespmem:$0x12600] =	vst v63  }
0x94: {  	_ = 	snop  }
0x95: {  	[tilespmem:s19], [sflag:$0x2] =	stream.indirect.gather [hbm4b:s1+s18], $0x40, s18, s18, $0xb8;
	[tilespmem:$0x12600] =	vst v63  }
0x96: {  	s6 =	rddreg [dreg:$0x4]  }
0x97: {  	[tilespmem:s20], [sflag:$0x3] =	stream.indirect.gather [hbm4b:s1+s18], $0x40, s6, s18, $0xb8;
	[tilespmem:$0x12600] =	vst v63  }
0x98: {  	_ =	swait.ge [sflag:s21], $0x2000  }
0x99: {  	[sflag:s21] =	ssyncset.done $0x0  }
0x9a: {  	[sflag:s21] =	ssyncadd.s32 $0xFFFFE000  }
0x9b: {  	[spmem:s3] =	stream.indirect.scatter.add.f32 [tilespmem:s15], [sflag:$0x5], $0x40, s17, s18, $0xb8;
	[tilespmem:$0x12600] =	vst v63  }
0x9c: {  	s6 =	rddreg [dreg:$0x5]  }
0x9d: {  	[tilespmem:s22], [sflag:$0x4] =	stream.indirect.gather [hbm4b:s1+s18], $0x40, s6, s18, $0xb8;
	[tilespmem:$0x12600] =	vst v63  }
0x9e: {  	_ =	swait.ge [sflag:s23], $0x2000  }
0x9f: {  	[sflag:s23] =	ssyncset.done $0x0  }
0xa0: {  	s6 =	rddreg [dreg:$0x6];
	[sflag:s23] =	ssyncadd.s32 $0xFFFFE000  }
0xa1: {  	[spmem:s3] =	stream.indirect.scatter.add.f32 [tilespmem:s19], [sflag:$0x6], $0x40, s6, s18, $0xb8;
	[tilespmem:$0x12600] =	vst v63  }
0xa2: {  	_ =	swait.ge [sflag:s24], $0x2000  }
0xa3: {  	[sflag:s24] =	ssyncset.done $0x0  }
0xa4: {  	s6 =	rddreg [dreg:$0x7];
	[sflag:s24] =	ssyncadd.s32 $0xFFFFE000  }
0xa5: {  	[tilespmem:s15], [sflag:$0x1] =	stream.indirect.gather [hbm4b:s1+s18], $0x40, s6, s18, $0xb8;
	[tilespmem:$0x12600] =	vst v63  }
0xa6: {  	_ =	swait.ge [sflag:s25], $0x2000  }
0xa7: {  	[sflag:s25] =	ssyncset.done $0x0  }
0xa8: {  	s6 =	rddreg [dreg:$0x8];
	[sflag:s25] =	ssyncadd.s32 $0xFFFFE000  }
0xa9: {  	[spmem:s3] =	stream.indirect.scatter.add.f32 [tilespmem:s20], [sflag:$0x7], $0x40, s6, s18, $0xb8;
	[tilespmem:$0x12600] =	vst v63  }
0xaa: {  	_ =	swait.ge [sflag:s26], $0x2000  }
0xab: {  	[sflag:s26] =	ssyncset.done $0x0  }
0xac: {  	s6 =	rddreg [dreg:$0x9];
	[sflag:s26] =	ssyncadd.s32 $0xFFFFE000  }
0xad: {  	[tilespmem:s19], [sflag:$0x2] =	stream.indirect.gather [hbm4b:s1+s18], $0x40, s6, s18, $0xb8;
	[tilespmem:$0x12600] =	vst v63  }
0xae: {  	_ =	swait.ge [sflag:s28], $0x2000  }
0xaf: {  	[sflag:s28] =	ssyncset.done $0x0  }
0xb0: {  	[sflag:s28] =	ssyncadd.s32 $0xFFFFE000  }
0xb1: {  	[spmem:s3] =	stream.indirect.scatter.add.f32 [tilespmem:s22], [sflag:$0x8], $0x40, s29, s18, $0xb8;
	[tilespmem:$0x12600] =	vst v63  }
0xb2: {  	_ =	swait.ge [sflag:s30], $0x2000  }
0xb3: {  	[sflag:s30] =	ssyncset.done $0x0  }
0xb4: {  	[sflag:s30] =	ssyncadd.s32 $0xFFFFE000  }
0xb5: {  	[tilespmem:s20], [sflag:$0x3] =	stream.indirect.gather [hbm4b:s1+s18], $0x40, s31, s18, $0xb8;
	[tilespmem:$0x12600] =	vst v63  }
0xb6: {  	_ =	swait.ge [sflag:s21], $0x2000  }
0xb7: {  	[sflag:s21] =	ssyncset.done $0x0  }
0xb8: {  	[sflag:s21] =	ssyncadd.s32 $0xFFFFE000  }
0xb9: {  	[spmem:s3] =	stream.indirect.scatter.add.f32 [tilespmem:s15], [sflag:$0x5], $0x40, s0, s18, $0xb8;
	[tilespmem:$0x12600] =	vst v63  }
0xba: {  	_ =	swait.ge [sflag:s2], $0x2000  }
0xbb: {  	[sflag:s2] =	ssyncset.done $0x0  }
0xbc: {  	[sflag:s2] =	ssyncadd.s32 $0xFFFFE000  }
0xbd: {  	[tilespmem:s22], [sflag:$0x4] =	stream.indirect.gather [hbm4b:s1+s18], $0x40, s7, s18, $0xb8;
	[tilespmem:$0x12600] =	vst v63  }
0xbe: {  	_ =	swait.ge [sflag:s23], $0x2000  }
0xbf: {  	[sflag:s23] =	ssyncset.done $0x0  }
0xc0: {  	[sflag:s23] =	ssyncadd.s32 $0xFFFFE000  }
0xc1: {  	[spmem:s3] =	stream.indirect.scatter.add.f32 [tilespmem:s19], [sflag:$0x6], $0x40, s8, s18, $0xb8;
	[tilespmem:$0x12600] =	vst v63  }
0xc2: {  	_ =	swait.ge [sflag:s25], $0x2000  }
0xc3: {  	[sflag:s25] =	ssyncset.done $0x0  }
0xc4: {  	[sflag:s25] =	ssyncadd.s32 $0xFFFFE000  }
0xc5: {  	[spmem:s3] =	stream.indirect.scatter.add.f32 [tilespmem:s20], [sflag:$0x7], $0x40, s9, s18, $0xb8;
	[tilespmem:$0x12600] =	vst v63  }
0xc6: {  	_ =	swait.ge [sflag:s28], $0x2000  }
0xc7: {  	[sflag:s28] =	ssyncset.done $0x0  }
0xc8: {  	[sflag:s28] =	ssyncadd.s32 $0xFFFFE000  }
0xc9: {  	[spmem:s3] =	stream.indirect.scatter.add.f32 [tilespmem:s22], [sflag:$0x8], $0x40, s10, s18, $0xb8;
	[tilespmem:$0x12600] =	vst v63  }
0xca: {  	_ =	swait.ge [sflag:s24], $0x2000  }
0xcb: {  	[sflag:s24] =	ssyncset.done $0x0  }
0xcc: {  	[sflag:s24] =	ssyncadd.s32 $0xFFFFE000  }
0xcd: {  	_ =	swait.ge [sflag:s26], $0x2000  }
0xce: {  	[sflag:s26] =	ssyncset.done $0x0  }
0xcf: {  	p0 =	sne.s32 s12, $0x1;
	[sflag:s26] =	ssyncadd.s32 $0xFFFFE000  }
.Ltmp2:
0xd0: {  	_ =	swait.ge [sflag:s30], $0x2000;
	(pc) =	sbr.rel @p0 .LBB2_4-.Ltmp2, $4  }
0xd1: {  	[sflag:s30] =	ssyncset.done $0x0  }
0xd2: {  	[sflag:s30] =	ssyncadd.s32 $0xFFFFE000  }
0xd3: {  	_ =	swait.ge [sflag:s2], $0x2000  }
0xd4: {  	s12 =	sadd.s32 $0xFFFFFFFF, s12;
	[sflag:s2] =	ssyncset.done $0x0  }
.LBB2_5:
0xd5: {  	[sflag:s2] =	ssyncadd.s32 $0xFFFFE000  }
0xd6: {  	s6 =	stileid.u32;
	[bflag:$0x0] =	sbarrier.arrive $0xFFFF  }
0xd7: {  	s6 =	sshll.u32 s6, $0x6;
	s12 =	rddreg [dreg:$0xb]  }
0xd8: {  	s6 =	sor.u32 $0x1C09, s6;
	s13 =	rddreg [dreg:$0x10];
	s12 =	sshrl.u32 s12, $0x3  }
0xd9: {  	[hbm:s13], [sflag:s6] =	dma.local [spmem:s12], $0x13C0  }
0xda: {  	_ =	swait.ge [sflag:s16], $0x13C0  }
0xdb: {  	s11 =	sadd.s32 $0x1, s11;
	s14 =	rddreg [dreg:$0x11]  }
0xdc: {  	p0 =	sne.s32 s11, s14  }
.Ltmp3:
0xdd: {  	_ = 	snop;
	(pc) =	sbr.rel @p0 .LBB2_1-.Ltmp3, $3  }
0xde: {  	_ =	sdelay $0x1  }
0xdf: {  	[sflag:s16] =	ssyncset.done $0x0  }
0xe0: {  	[sflag:s16] =	ssyncadd.s32 $0xFFFFEC40  }
0xe1: {  	_ =	sfence.sel $0x180000  }
0xe2: {  	[bflag:$0x0] =	sbarrier.arrive $0xFFFF  }
0xe3: {  	_ =	strace $0x9000004A  }
0xe4: {  	s0 =	stileid.u32;
	[bflag:$0x2] =	sbarrier.arrive $0xFFFF  }
0xe5: {  	p0 =	sne.s32 s0, $0x0;
	s0 =	rddreg [dreg:$0x3]  }
0xe6: {  	s0 =	sadd.s32 @!p0 $0x100000, s0  }
0xe7: {  	[sflag:s0] =	ssyncadd.tile.s32 @!p0 $0x1;
	_ =	shalt  }
.Lfunc_end2:
_tile_overlayer_lowered:
.L_overlay_start_2:
0xe8: {  	(tag) =	ssettag $0x2  }
0xe9: {  	s0 =	rddreg [dreg:$0x0];
	s2 =	stileid.u32  }
0xea: {  	s1 =	rddreg [dreg:$0x1];
	p0 =	sne.s32 s2, $0x0  }
0xeb: {  	s3 =	rddreg [dreg:$0x2];
	[bflag:$0x3] =	sbarrier.arrive $0xFFFF;
	s2 =	simm.s32 @!p0 $0x1C09  }
0xec: {  	[timem:s3], [sflag:s2] =	dma.local @!p0 [hbm:s0], s1  }
0xed: {  	s0 =	simm.s32 @!p0 $0x9  }
0xee: {  	_ =	swait.ge @!p0 [sflag:s0], s1  }
0xef: {  	s1 =	ssub.s32 @!p0 $0x0, s1;
	[sflag:s0] =	ssyncset.done @!p0 $0x0  }
0xf0: {  	[sflag:s0] =	ssyncadd.s32 @!p0 s1  }
0xf1: {  	[bflag:$0x3] =	sbarrier.arrive $0xFFFF  }
0xf2: {  	_ =	shalt  }

</sc_bundles>
